<compile_context>
chip_gen: v7x
topology: tpu7x:2x2x1
jax: 0.10.2.dev20260603
libtpu: 0.0.44.dev20260713+nightly
codegen_flags: <defaults>
</compile_context>

<pallas_src>
import functools

import jax
import jax.numpy as jnp
from jax import lax
from jax.experimental import pallas as pl
from jax.experimental.pallas import tpu as pltpu
from jax.experimental.pallas import tpu_sc as plsc

_NC = 2
_NS = 16
_CH = 64
_NBUF = 4
_NPASS = 4


def _sc_aggregate(h, srcp, dstp, n, n_pad, nchunk):
    d = h.shape[1]
    rows_zero = n_pad // _NS
    rows_out = (n // _NS) & ~7
    tail_off = rows_out * _NS
    tail = n - tail_off
    mesh = plsc.VectorSubcoreMesh(core_axis_name="c", subcore_axis_name="s",
                                  num_cores=_NC)

    def body(h_hbm, src_hbm, dst_hbm, z_hbm, out_hbm,
             idx_s, idx_d, rows, agg_sh, *gsem):
        cid = lax.axis_index("c")
        sid = lax.axis_index("s")
        w = cid * _NS + sid
        nchunk_p = nchunk // _NPASS
        pltpu.sync_copy(z_hbm, rows.at[0])
        zb = sid * rows_zero
        nfull, rem = divmod(rows_zero, _CH)
        for k in range(nfull):
            pltpu.sync_copy(rows.at[0], agg_sh.at[pl.ds(zb + k * _CH, _CH)])
        if rem:
            pltpu.sync_copy(rows.at[0].at[pl.ds(0, rem)],
                            agg_sh.at[pl.ds(zb + nfull * _CH, rem)])
        plsc.subcore_barrier()

        for p in range(_NPASS):
            pltpu.sync_copy(src_hbm.at[w, pl.ds(p * nchunk_p, nchunk_p)],
                            idx_s)
            pltpu.sync_copy(dst_hbm.at[w, pl.ds(p * nchunk_p, nchunk_p)],
                            idx_d)
            for b in range(_NBUF):
                pltpu.async_copy(h_hbm.at[idx_s.at[b]], rows.at[b], gsem[b])

            def group(g, carry):
                j0 = g * _NBUF
                for b in range(_NBUF):
                    j = j0 + b
                    pltpu.make_async_copy(
                        h_hbm.at[idx_s.at[j]], rows.at[b], gsem[b]).wait()
                    pltpu.sync_copy(rows.at[b], agg_sh.at[idx_d.at[j]],
                                    add=True)

                    @pl.when(j + _NBUF < nchunk_p)
                    def _():
                        pltpu.async_copy(
                            h_hbm.at[idx_s.at[j + _NBUF]], rows.at[b],
                            gsem[b])
                return carry

            lax.fori_loop(0, nchunk_p // _NBUF, group, 0)
        plsc.subcore_barrier()
        ob = sid * rows_out
        pltpu.sync_copy(agg_sh.at[pl.ds(ob, rows_out)],
                        out_hbm.at[cid, pl.ds(ob, rows_out)])
        if tail:
            @pl.when(sid == _NS - 1)
            def _():
                pltpu.sync_copy(agg_sh.at[pl.ds(tail_off, tail)],
                                out_hbm.at[cid, pl.ds(tail_off, tail)])

    kern = pl.kernel(
        body,
        out_type=jax.ShapeDtypeStruct((_NC, n, d), jnp.float32),
        mesh=mesh,
        scratch_types=[
            pltpu.VMEM((nchunk // _NPASS, _CH), jnp.int32),
            pltpu.VMEM((nchunk // _NPASS, _CH), jnp.int32),
            pltpu.VMEM((_NBUF, _CH, d), jnp.float32),
            pltpu.VMEM_SHARED((n_pad, d), jnp.float32),
        ] + [pltpu.SemaphoreType.DMA] * _NBUF,
    )
    return kern(h, srcp, dstp, jnp.zeros((_CH, d), jnp.float32))


def _tc_dense(h, agg2, W_msg, W_i, b_i, W_h, b_h, W1, b1, W2, b2, W3, b3):
    n, d = h.shape
    bn = 2000
    grid = n // bn
    f32 = jnp.float32

    def body(h_ref, agg_ref, wm_ref, wi_ref, bi_ref, wh_ref, bh_ref,
             w1_ref, b1_ref, w2_ref, b2_ref, w3_ref, b3_ref, out_ref):
        hb = h_ref[...]
        agg = agg_ref[0]
        for c in range(1, _NC):
            agg = agg + agg_ref[c]
        aggm = jnp.dot(agg, wm_ref[...], preferred_element_type=f32)
        gi = jnp.dot(aggm, wi_ref[...], preferred_element_type=f32) + bi_ref[...]
        gh = jnp.dot(hb, wh_ref[...], preferred_element_type=f32) + bh_ref[...]
        r = jax.nn.sigmoid(gi[:, :d] + gh[:, :d])
        z = jax.nn.sigmoid(gi[:, d:2 * d] + gh[:, d:2 * d])
        nn = jnp.tanh(gi[:, 2 * d:] + r * gh[:, 2 * d:])
        hn = (1.0 - z) * nn + z * hb
        a1 = jax.nn.relu(jnp.dot(hn, w1_ref[...], preferred_element_type=f32)
                         + b1_ref[...])
        a2 = jax.nn.relu(jnp.dot(a1, w2_ref[...], preferred_element_type=f32)
                         + b2_ref[...])
        out_ref[...] = (jnp.sum(a2 * w3_ref[...], axis=1, keepdims=True)
                        + b3_ref[...])

    h1 = W1.shape[1]
    h2 = W2.shape[1]
    full = lambda shape: pl.BlockSpec(shape, lambda i: (0,) * len(shape))
    return pl.pallas_call(
        body,
        grid=(grid,),
        in_specs=[
            pl.BlockSpec((bn, d), lambda i: (i, 0)),
            pl.BlockSpec((_NC, bn, d), lambda i: (0, i, 0)),
            full((d, d)),
            full((d, 3 * d)),
            full((1, 3 * d)),
            full((d, 3 * d)),
            full((1, 3 * d)),
            full((d, h1)),
            full((1, h1)),
            full((h1, h2)),
            full((1, h2)),
            full((1, h2)),
            full((1, 1)),
        ],
        out_specs=pl.BlockSpec((bn, 1), lambda i: (i, 0)),
        out_shape=jax.ShapeDtypeStruct((n, 1), f32),
    )(h, agg2, W_msg, W_i, b_i.reshape(1, -1), W_h, b_h.reshape(1, -1),
      W1, b1.reshape(1, -1), W2, b2.reshape(1, -1), W3.reshape(1, -1),
      b3.reshape(1, 1))


def kernel(initial_node_representation, annotations, edge_index,
           W_msg, W_i, b_i, W_h, b_h, W1, b1, W2, b2, W3, b3):
    n = initial_node_representation.shape[0]
    a = annotations.shape[1]
    d = W_msg.shape[0]
    e = edge_index.shape[0]
    h = jnp.concatenate(
        [initial_node_representation[:, : d - a], annotations], axis=1)

    nw = _NC * _NS
    epw = -(-e // nw)
    nchunk = -(-epw // _CH)
    rnd = _NBUF * _NPASS
    nchunk = -(-nchunk // rnd) * rnd
    tot = nw * nchunk * _CH
    src = edge_index[:, 0]
    dst = edge_index[:, 1]
    srcp = jnp.concatenate(
        [src, jnp.zeros((tot - e,), jnp.int32)]).reshape(nw, nchunk, _CH)
    dstp = jnp.concatenate(
        [dst, jnp.full((tot - e,), n, jnp.int32)]).reshape(nw, nchunk, _CH)

    n_pad = (n // 128 + 1) * 128
    agg2 = _sc_aggregate(h, srcp, dstp, n, n_pad, nchunk)
    return _tc_dense(h, agg2, W_msg, W_i, b_i, W_h, b_h, W1, b1, W2, b2, W3, b3)

# --- scband reference (transcript-rebuilt; emitter-appended) ---
"""Pipeline reference for scband-qnetwork-89094801588550 (READ-ONLY COPY).

The authoritative reference and input builder live on the scoring server;
editing this copy changes nothing except your own understanding.
"""

import jax, jax.numpy as jnp
import numpy as np

N = 10000
E = 320000
D = 128
A = 2
H1 = 64
H2 = 64


def setup_inputs(seed: int = 0) -> dict:
    key = jax.random.key(seed)
    ks = jax.random.split(key, 16)
    s = 0.05
    inp = {}
    inp["initial_node_representation"] = jax.random.normal(ks[0], (N, D), dtype=jnp.float32)
    inp["annotations"] = jax.random.normal(ks[1], (N, A), dtype=jnp.float32)
    inp["edge_index"] = jax.random.randint(ks[2], (E, 2), 0, N, dtype=jnp.int32)
    # GGNN message weight (1 edge type) and GRU cell weights
    inp["W_msg"] = jax.random.normal(ks[3], (D, D), dtype=jnp.float32) * s
    inp["W_i"] = jax.random.normal(ks[4], (D, 3 * D), dtype=jnp.float32) * s
    inp["b_i"] = jnp.zeros((3 * D,), dtype=jnp.float32)
    inp["W_h"] = jax.random.normal(ks[5], (D, 3 * D), dtype=jnp.float32) * s
    inp["b_h"] = jnp.zeros((3 * D,), dtype=jnp.float32)
    # SelectNodeNetwork MLP: D -> 64 -> 64 -> 1
    inp["W1"] = jax.random.normal(ks[6], (D, H1), dtype=jnp.float32) * s
    inp["b1"] = jnp.zeros((H1,), dtype=jnp.float32)
    inp["W2"] = jax.random.normal(ks[7], (H1, H2), dtype=jnp.float32) * s
    inp["b2"] = jnp.zeros((H2,), dtype=jnp.float32)
    inp["W3"] = jax.random.normal(ks[8], (H2, 1), dtype=jnp.float32) * s
    inp["b3"] = jnp.zeros((1,), dtype=jnp.float32)
    return inp


def reference(initial_node_representation, annotations, edge_index, W_msg, W_i, b_i, W_h, b_h, W1, b1, W2, b2, W3, b3):
    # GGNN (hidden_size=state_size, annotation_size=2, num_edge_types=1, layer_timesteps=[1])
    # node state init: features padded/merged with annotations to hidden_size
    h = jnp.concatenate([initial_node_representation[:, : D - A], annotations], axis=1)
    src = edge_index[:, 0]
    dst = edge_index[:, 1]
    # message passing: per-edge-type linear on source states, scatter-add to targets
    m = jnp.take(h, src, axis=0) @ W_msg
    agg = jnp.zeros((h.shape[0], D), dtype=h.dtype).at[dst].add(m)
    # GRU cell update (torch.nn.GRUCell math)
    gi = agg @ W_i + b_i
    gh = h @ W_h + b_h
    i_r, i_z, i_n = jnp.split(gi, 3, axis=1)
    h_r, h_z, h_n = jnp.split(gh, 3, axis=1)
    r = jax.nn.sigmoid(i_r + h_r)
    z = jax.nn.sigmoid(i_z + h_z)
    n = jnp.tanh(i_n + r * h_n)
    h_new = (1.0 - z) * n + z * h
    # SelectNodeNetwork: fc1-relu, fc2-relu, fc3 -> per-node scalar Q
    a1 = jax.nn.relu(h_new @ W1 + b1)
    a2 = jax.nn.relu(a1 @ W2 + b2)
    select_out = a2 @ W3 + b3
    return select_out

if __name__ == "__main__":
    import jax
    _d = setup_inputs()
    print(jax.jit(kernel)(*tuple(_d.values())))

</pallas_src>

<mosaic_0001>
#map = affine_map<(d0, d1) -> (0, 0)>
#map1 = affine_map<(d0, d1) -> (0, 0, 0)>
module attributes {stable_mosaic.version = 14 : i64} {
  func.func @body(%arg0: i32, %arg1: i32, %arg2: memref<10000x128xf32, #tpu.memory_space<hbm>>, %arg3: memref<32x160x64xi32, #tpu.memory_space<hbm>>, %arg4: memref<32x160x64xi32, #tpu.memory_space<hbm>>, %arg5: memref<64x128xf32, #tpu.memory_space<hbm>>, %arg6: memref<2x10000x128xf32, #tpu.memory_space<hbm>>, %arg7: memref<40x64xi32, #tpu.memory_space<vmem>>, %arg8: memref<40x64xi32, #tpu.memory_space<vmem>>, %arg9: memref<4x64x128xf32, #tpu.memory_space<vmem>>, %arg10: memref<10112x128xf32, #tpu.memory_space<vmem_shared>>, %arg11: memref<!tpu.dma_semaphore, #tpu.memory_space<semaphore_mem>>, %arg12: memref<!tpu.dma_semaphore, #tpu.memory_space<semaphore_mem>>, %arg13: memref<!tpu.dma_semaphore, #tpu.memory_space<semaphore_mem>>, %arg14: memref<!tpu.dma_semaphore, #tpu.memory_space<semaphore_mem>>) attributes {dimension_semantics = [#tpu.dimension_semantics<core_parallel>, #tpu.dimension_semantics<subcore_parallel>], iteration_bounds = array<i64: 2, 16>, scalar_prefetch = 0 : i64, scratch_operands = 8 : i64, tpu.core_type = #tpu.core_type<sc_vector_subcore>, window_params = [{transform_indices = #map}, {transform_indices = #map1}, {transform_indices = #map1}, {transform_indices = #map}, {transform_indices = #map1}]} {
    %mul3A = arith.constant 16 : i32
    %mul3A_0 = arith.muli %arg0, %mul3A : i32
    %add3A = arith.addi %mul3A_0, %arg1 : i32
    %run_scoped3A = arith.constant 0 : i32
    "tpu.region"() ({
      %run_scoped3A_252 = tpu.sem_alloc : memref<!tpu.dma_semaphore, #tpu.memory_space<semaphore_mem>>
      %dma_start3A_253 = arith.constant 0 : i32
      %dma_start3A_254 = arith.constant 0 : i32
      %dma_start3A_255 = tpu.memref_slice %arg9[%run_scoped3A, %dma_start3A_253, %dma_start3A_254] : memref<4x64x128xf32, #tpu.memory_space<vmem>> -> memref<1x64x128xf32, #tpu.memory_space<vmem>>
      %dma_start3A_256 = tpu.memref_squeeze %dma_start3A_255 : memref<1x64x128xf32, #tpu.memory_space<vmem>> -> memref<64x128xf32, #tpu.memory_space<vmem>>
      %dma_start3A_257 = arith.constant 0 : i32
      %dma_start3A_258 = arith.constant 0 : i32
      %dma_start3A_259 = tpu.memref_slice %arg9[%run_scoped3A, %dma_start3A_257, %dma_start3A_258] : memref<4x64x128xf32, #tpu.memory_space<vmem>> -> memref<1x64x128xf32, #tpu.memory_space<vmem>>
      %dma_start3A_260 = tpu.memref_squeeze %dma_start3A_259 : memref<1x64x128xf32, #tpu.memory_space<vmem>> -> memref<64x128xf32, #tpu.memory_space<vmem>>
      tpu.enqueue_dma source(%arg5 : memref<64x128xf32, #tpu.memory_space<hbm>>) target(%dma_start3A_260 : memref<64x128xf32, #tpu.memory_space<vmem>>) target_semaphore(%run_scoped3A_252 : memref<!tpu.dma_semaphore, #tpu.memory_space<semaphore_mem>>)
      %dma_wait3A = arith.constant 0 : i32
      %dma_wait3A_261 = arith.constant 0 : i32
      %dma_wait3A_262 = tpu.memref_slice %arg9[%run_scoped3A, %dma_wait3A, %dma_wait3A_261] : memref<4x64x128xf32, #tpu.memory_space<vmem>> -> memref<1x64x128xf32, #tpu.memory_space<vmem>>
      %dma_wait3A_263 = tpu.memref_squeeze %dma_wait3A_262 : memref<1x64x128xf32, #tpu.memory_space<vmem>> -> memref<64x128xf32, #tpu.memory_space<vmem>>
      %dma_wait3A_264 = arith.constant 0 : i32
      %dma_wait3A_265 = arith.constant 0 : i32
      %dma_wait3A_266 = tpu.memref_slice %arg9[%run_scoped3A, %dma_wait3A_264, %dma_wait3A_265] : memref<4x64x128xf32, #tpu.memory_space<vmem>> -> memref<1x64x128xf32, #tpu.memory_space<vmem>>
      %dma_wait3A_267 = tpu.memref_squeeze %dma_wait3A_266 : memref<1x64x128xf32, #tpu.memory_space<vmem>> -> memref<64x128xf32, #tpu.memory_space<vmem>>
      tpu.wait_dma2 semaphore(%run_scoped3A_252 : memref<!tpu.dma_semaphore, #tpu.memory_space<semaphore_mem>>) src(%arg5 : memref<64x128xf32, #tpu.memory_space<hbm>>) dst(%dma_wait3A_267 : memref<64x128xf32, #tpu.memory_space<vmem>>)
      tpu.yield
    }) : () -> ()
    %mul3A_1 = arith.constant 632 : i32
    %mul3A_2 = arith.muli %arg1, %mul3A_1 : i32
    %add3A_3 = arith.constant 0 : i32
    %add3A_4 = arith.addi %mul3A_2, %add3A_3 : i32
    %run_scoped3A_5 = arith.constant 0 : i32
    "tpu.region"() ({
      %run_scoped3A_252 = tpu.sem_alloc : memref<!tpu.dma_semaphore, #tpu.memory_space<semaphore_mem>>
      %dma_start3A_253 = arith.constant 0 : i32
      %dma_start3A_254 = arith.constant 0 : i32
      %dma_start3A_255 = tpu.memref_slice %arg9[%run_scoped3A_5, %dma_start3A_253, %dma_start3A_254] : memref<4x64x128xf32, #tpu.memory_space<vmem>> -> memref<1x64x128xf32, #tpu.memory_space<vmem>>
      %dma_start3A_256 = tpu.memref_squeeze %dma_start3A_255 : memref<1x64x128xf32, #tpu.memory_space<vmem>> -> memref<64x128xf32, #tpu.memory_space<vmem>>
      %dma_start3A_257 = arith.constant 0 : i32
      %dma_start3A_258 = tpu.memref_slice %arg10[%add3A_4, %dma_start3A_257] : memref<10112x128xf32, #tpu.memory_space<vmem_shared>> -> memref<64x128xf32, #tpu.memory_space<vmem_shared>>
      %dma_start3A_259 = arith.constant 0 : i32
      %dma_start3A_260 = tpu.memref_slice %arg10[%add3A_4, %dma_start3A_259] : memref<10112x128xf32, #tpu.memory_space<vmem_shared>> -> memref<64x128xf32, #tpu.memory_space<vmem_shared>>
      %dma_start3A_261 = arith.constant 0 : i32
      %dma_start3A_262 = arith.constant 0 : i32
      %dma_start3A_263 = tpu.memref_slice %arg9[%run_scoped3A_5, %dma_start3A_261, %dma_start3A_262] : memref<4x64x128xf32, #tpu.memory_space<vmem>> -> memref<1x64x128xf32, #tpu.memory_space<vmem>>
      %dma_start3A_264 = tpu.memref_squeeze %dma_start3A_263 : memref<1x64x128xf32, #tpu.memory_space<vmem>> -> memref<64x128xf32, #tpu.memory_space<vmem>>
      tpu.enqueue_dma source(%dma_start3A_264 : memref<64x128xf32, #tpu.memory_space<vmem>>) target(%dma_start3A_260 : memref<64x128xf32, #tpu.memory_space<vmem_shared>>) target_semaphore(%run_scoped3A_252 : memref<!tpu.dma_semaphore, #tpu.memory_space<semaphore_mem>>)
      %dma_wait3A = arith.constant 0 : i32
      %dma_wait3A_265 = arith.constant 0 : i32
      %dma_wait3A_266 = tpu.memref_slice %arg9[%run_scoped3A_5, %dma_wait3A, %dma_wait3A_265] : memref<4x64x128xf32, #tpu.memory_space<vmem>> -> memref<1x64x128xf32, #tpu.memory_space<vmem>>
      %dma_wait3A_267 = tpu.memref_squeeze %dma_wait3A_266 : memref<1x64x128xf32, #tpu.memory_space<vmem>> -> memref<64x128xf32, #tpu.memory_space<vmem>>
      %dma_wait3A_268 = arith.constant 0 : i32
      %dma_wait3A_269 = tpu.memref_slice %arg10[%add3A_4, %dma_wait3A_268] : memref<10112x128xf32, #tpu.memory_space<vmem_shared>> -> memref<64x128xf32, #tpu.memory_space<vmem_shared>>
      %dma_wait3A_270 = arith.constant 0 : i32
      %dma_wait3A_271 = tpu.memref_slice %arg10[%add3A_4, %dma_wait3A_270] : memref<10112x128xf32, #tpu.memory_space<vmem_shared>> -> memref<64x128xf32, #tpu.memory_space<vmem_shared>>
      %dma_wait3A_272 = arith.constant 0 : i32
      %dma_wait3A_273 = arith.constant 0 : i32
      %dma_wait3A_274 = tpu.memref_slice %arg9[%run_scoped3A_5, %dma_wait3A_272, %dma_wait3A_273] : memref<4x64x128xf32, #tpu.memory_space<vmem>> -> memref<1x64x128xf32, #tpu.memory_space<vmem>>
      %dma_wait3A_275 = tpu.memref_squeeze %dma_wait3A_274 : memref<1x64x128xf32, #tpu.memory_space<vmem>> -> memref<64x128xf32, #tpu.memory_space<vmem>>
      tpu.wait_dma2 semaphore(%run_scoped3A_252 : memref<!tpu.dma_semaphore, #tpu.memory_space<semaphore_mem>>) src(%dma_wait3A_275 : memref<64x128xf32, #tpu.memory_space<vmem>>) dst(%dma_wait3A_271 : memref<64x128xf32, #tpu.memory_space<vmem_shared>>)
      tpu.yield
    }) : () -> ()
    %add3A_6 = arith.constant 64 : i32
    %add3A_7 = arith.addi %mul3A_2, %add3A_6 : i32
    %run_scoped3A_8 = arith.constant 0 : i32
    "tpu.region"() ({
      %run_scoped3A_252 = tpu.sem_alloc : memref<!tpu.dma_semaphore, #tpu.memory_space<semaphore_mem>>
      %dma_start3A_253 = arith.constant 0 : i32
      %dma_start3A_254 = arith.constant 0 : i32
      %dma_start3A_255 = tpu.memref_slice %arg9[%run_scoped3A_8, %dma_start3A_253, %dma_start3A_254] : memref<4x64x128xf32, #tpu.memory_space<vmem>> -> memref<1x64x128xf32, #tpu.memory_space<vmem>>
      %dma_start3A_256 = tpu.memref_squeeze %dma_start3A_255 : memref<1x64x128xf32, #tpu.memory_space<vmem>> -> memref<64x128xf32, #tpu.memory_space<vmem>>
      %dma_start3A_257 = arith.constant 0 : i32
      %dma_start3A_258 = tpu.memref_slice %arg10[%add3A_7, %dma_start3A_257] : memref<10112x128xf32, #tpu.memory_space<vmem_shared>> -> memref<64x128xf32, #tpu.memory_space<vmem_shared>>
      %dma_start3A_259 = arith.constant 0 : i32
      %dma_start3A_260 = tpu.memref_slice %arg10[%add3A_7, %dma_start3A_259] : memref<10112x128xf32, #tpu.memory_space<vmem_shared>> -> memref<64x128xf32, #tpu.memory_space<vmem_shared>>
      %dma_start3A_261 = arith.constant 0 : i32
      %dma_start3A_262 = arith.constant 0 : i32
      %dma_start3A_263 = tpu.memref_slice %arg9[%run_scoped3A_8, %dma_start3A_261, %dma_start3A_262] : memref<4x64x128xf32, #tpu.memory_space<vmem>> -> memref<1x64x128xf32, #tpu.memory_space<vmem>>
      %dma_start3A_264 = tpu.memref_squeeze %dma_start3A_263 : memref<1x64x128xf32, #tpu.memory_space<vmem>> -> memref<64x128xf32, #tpu.memory_space<vmem>>
      tpu.enqueue_dma source(%dma_start3A_264 : memref<64x128xf32, #tpu.memory_space<vmem>>) target(%dma_start3A_260 : memref<64x128xf32, #tpu.memory_space<vmem_shared>>) target_semaphore(%run_scoped3A_252 : memref<!tpu.dma_semaphore, #tpu.memory_space<semaphore_mem>>)
      %dma_wait3A = arith.constant 0 : i32
      %dma_wait3A_265 = arith.constant 0 : i32
      %dma_wait3A_266 = tpu.memref_slice %arg9[%run_scoped3A_8, %dma_wait3A, %dma_wait3A_265] : memref<4x64x128xf32, #tpu.memory_space<vmem>> -> memref<1x64x128xf32, #tpu.memory_space<vmem>>
      %dma_wait3A_267 = tpu.memref_squeeze %dma_wait3A_266 : memref<1x64x128xf32, #tpu.memory_space<vmem>> -> memref<64x128xf32, #tpu.memory_space<vmem>>
      %dma_wait3A_268 = arith.constant 0 : i32
      %dma_wait3A_269 = tpu.memref_slice %arg10[%add3A_7, %dma_wait3A_268] : memref<10112x128xf32, #tpu.memory_space<vmem_shared>> -> memref<64x128xf32, #tpu.memory_space<vmem_shared>>
      %dma_wait3A_270 = arith.constant 0 : i32
      %dma_wait3A_271 = tpu.memref_slice %arg10[%add3A_7, %dma_wait3A_270] : memref<10112x128xf32, #tpu.memory_space<vmem_shared>> -> memref<64x128xf32, #tpu.memory_space<vmem_shared>>
      %dma_wait3A_272 = arith.constant 0 : i32
      %dma_wait3A_273 = arith.constant 0 : i32
      %dma_wait3A_274 = tpu.memref_slice %arg9[%run_scoped3A_8, %dma_wait3A_272, %dma_wait3A_273] : memref<4x64x128xf32, #tpu.memory_space<vmem>> -> memref<1x64x128xf32, #tpu.memory_space<vmem>>
      %dma_wait3A_275 = tpu.memref_squeeze %dma_wait3A_274 : memref<1x64x128xf32, #tpu.memory_space<vmem>> -> memref<64x128xf32, #tpu.memory_space<vmem>>
      tpu.wait_dma2 semaphore(%run_scoped3A_252 : memref<!tpu.dma_semaphore, #tpu.memory_space<semaphore_mem>>) src(%dma_wait3A_275 : memref<64x128xf32, #tpu.memory_space<vmem>>) dst(%dma_wait3A_271 : memref<64x128xf32, #tpu.memory_space<vmem_shared>>)
      tpu.yield
    }) : () -> ()
    %add3A_9 = arith.constant 128 : i32
    %add3A_10 = arith.addi %mul3A_2, %add3A_9 : i32
    %run_scoped3A_11 = arith.constant 0 : i32
    "tpu.region"() ({
      %run_scoped3A_252 = tpu.sem_alloc : memref<!tpu.dma_semaphore, #tpu.memory_space<semaphore_mem>>
      %dma_start3A_253 = arith.constant 0 : i32
      %dma_start3A_254 = arith.constant 0 : i32
      %dma_start3A_255 = tpu.memref_slice %arg9[%run_scoped3A_11, %dma_start3A_253, %dma_start3A_254] : memref<4x64x128xf32, #tpu.memory_space<vmem>> -> memref<1x64x128xf32, #tpu.memory_space<vmem>>
      %dma_start3A_256 = tpu.memref_squeeze %dma_start3A_255 : memref<1x64x128xf32, #tpu.memory_space<vmem>> -> memref<64x128xf32, #tpu.memory_space<vmem>>
      %dma_start3A_257 = arith.constant 0 : i32
      %dma_start3A_258 = tpu.memref_slice %arg10[%add3A_10, %dma_start3A_257] : memref<10112x128xf32, #tpu.memory_space<vmem_shared>> -> memref<64x128xf32, #tpu.memory_space<vmem_shared>>
      %dma_start3A_259 = arith.constant 0 : i32
      %dma_start3A_260 = tpu.memref_slice %arg10[%add3A_10, %dma_start3A_259] : memref<10112x128xf32, #tpu.memory_space<vmem_shared>> -> memref<64x128xf32, #tpu.memory_space<vmem_shared>>
      %dma_start3A_261 = arith.constant 0 : i32
      %dma_start3A_262 = arith.constant 0 : i32
      %dma_start3A_263 = tpu.memref_slice %arg9[%run_scoped3A_11, %dma_start3A_261, %dma_start3A_262] : memref<4x64x128xf32, #tpu.memory_space<vmem>> -> memref<1x64x128xf32, #tpu.memory_space<vmem>>
      %dma_start3A_264 = tpu.memref_squeeze %dma_start3A_263 : memref<1x64x128xf32, #tpu.memory_space<vmem>> -> memref<64x128xf32, #tpu.memory_space<vmem>>
      tpu.enqueue_dma source(%dma_start3A_264 : memref<64x128xf32, #tpu.memory_space<vmem>>) target(%dma_start3A_260 : memref<64x128xf32, #tpu.memory_space<vmem_shared>>) target_semaphore(%run_scoped3A_252 : memref<!tpu.dma_semaphore, #tpu.memory_space<semaphore_mem>>)
      %dma_wait3A = arith.constant 0 : i32
      %dma_wait3A_265 = arith.constant 0 : i32
      %dma_wait3A_266 = tpu.memref_slice %arg9[%run_scoped3A_11, %dma_wait3A, %dma_wait3A_265] : memref<4x64x128xf32, #tpu.memory_space<vmem>> -> memref<1x64x128xf32, #tpu.memory_space<vmem>>
      %dma_wait3A_267 = tpu.memref_squeeze %dma_wait3A_266 : memref<1x64x128xf32, #tpu.memory_space<vmem>> -> memref<64x128xf32, #tpu.memory_space<vmem>>
      %dma_wait3A_268 = arith.constant 0 : i32
      %dma_wait3A_269 = tpu.memref_slice %arg10[%add3A_10, %dma_wait3A_268] : memref<10112x128xf32, #tpu.memory_space<vmem_shared>> -> memref<64x128xf32, #tpu.memory_space<vmem_shared>>
      %dma_wait3A_270 = arith.constant 0 : i32
      %dma_wait3A_271 = tpu.memref_slice %arg10[%add3A_10, %dma_wait3A_270] : memref<10112x128xf32, #tpu.memory_space<vmem_shared>> -> memref<64x128xf32, #tpu.memory_space<vmem_shared>>
      %dma_wait3A_272 = arith.constant 0 : i32
      %dma_wait3A_273 = arith.constant 0 : i32
      %dma_wait3A_274 = tpu.memref_slice %arg9[%run_scoped3A_11, %dma_wait3A_272, %dma_wait3A_273] : memref<4x64x128xf32, #tpu.memory_space<vmem>> -> memref<1x64x128xf32, #tpu.memory_space<vmem>>
      %dma_wait3A_275 = tpu.memref_squeeze %dma_wait3A_274 : memref<1x64x128xf32, #tpu.memory_space<vmem>> -> memref<64x128xf32, #tpu.memory_space<vmem>>
      tpu.wait_dma2 semaphore(%run_scoped3A_252 : memref<!tpu.dma_semaphore, #tpu.memory_space<semaphore_mem>>) src(%dma_wait3A_275 : memref<64x128xf32, #tpu.memory_space<vmem>>) dst(%dma_wait3A_271 : memref<64x128xf32, #tpu.memory_space<vmem_shared>>)
      tpu.yield
    }) : () -> ()
    %add3A_12 = arith.constant 192 : i32
    %add3A_13 = arith.addi %mul3A_2, %add3A_12 : i32
    %run_scoped3A_14 = arith.constant 0 : i32
    "tpu.region"() ({
      %run_scoped3A_252 = tpu.sem_alloc : memref<!tpu.dma_semaphore, #tpu.memory_space<semaphore_mem>>
      %dma_start3A_253 = arith.constant 0 : i32
      %dma_start3A_254 = arith.constant 0 : i32
      %dma_start3A_255 = tpu.memref_slice %arg9[%run_scoped3A_14, %dma_start3A_253, %dma_start3A_254] : memref<4x64x128xf32, #tpu.memory_space<vmem>> -> memref<1x64x128xf32, #tpu.memory_space<vmem>>
      %dma_start3A_256 = tpu.memref_squeeze %dma_start3A_255 : memref<1x64x128xf32, #tpu.memory_space<vmem>> -> memref<64x128xf32, #tpu.memory_space<vmem>>
      %dma_start3A_257 = arith.constant 0 : i32
      %dma_start3A_258 = tpu.memref_slice %arg10[%add3A_13, %dma_start3A_257] : memref<10112x128xf32, #tpu.memory_space<vmem_shared>> -> memref<64x128xf32, #tpu.memory_space<vmem_shared>>
      %dma_start3A_259 = arith.constant 0 : i32
      %dma_start3A_260 = tpu.memref_slice %arg10[%add3A_13, %dma_start3A_259] : memref<10112x128xf32, #tpu.memory_space<vmem_shared>> -> memref<64x128xf32, #tpu.memory_space<vmem_shared>>
      %dma_start3A_261 = arith.constant 0 : i32
      %dma_start3A_262 = arith.constant 0 : i32
      %dma_start3A_263 = tpu.memref_slice %arg9[%run_scoped3A_14, %dma_start3A_261, %dma_start3A_262] : memref<4x64x128xf32, #tpu.memory_space<vmem>> -> memref<1x64x128xf32, #tpu.memory_space<vmem>>
      %dma_start3A_264 = tpu.memref_squeeze %dma_start3A_263 : memref<1x64x128xf32, #tpu.memory_space<vmem>> -> memref<64x128xf32, #tpu.memory_space<vmem>>
      tpu.enqueue_dma source(%dma_start3A_264 : memref<64x128xf32, #tpu.memory_space<vmem>>) target(%dma_start3A_260 : memref<64x128xf32, #tpu.memory_space<vmem_shared>>) target_semaphore(%run_scoped3A_252 : memref<!tpu.dma_semaphore, #tpu.memory_space<semaphore_mem>>)
      %dma_wait3A = arith.constant 0 : i32
      %dma_wait3A_265 = arith.constant 0 : i32
      %dma_wait3A_266 = tpu.memref_slice %arg9[%run_scoped3A_14, %dma_wait3A, %dma_wait3A_265] : memref<4x64x128xf32, #tpu.memory_space<vmem>> -> memref<1x64x128xf32, #tpu.memory_space<vmem>>
      %dma_wait3A_267 = tpu.memref_squeeze %dma_wait3A_266 : memref<1x64x128xf32, #tpu.memory_space<vmem>> -> memref<64x128xf32, #tpu.memory_space<vmem>>
      %dma_wait3A_268 = arith.constant 0 : i32
      %dma_wait3A_269 = tpu.memref_slice %arg10[%add3A_13, %dma_wait3A_268] : memref<10112x128xf32, #tpu.memory_space<vmem_shared>> -> memref<64x128xf32, #tpu.memory_space<vmem_shared>>
      %dma_wait3A_270 = arith.constant 0 : i32
      %dma_wait3A_271 = tpu.memref_slice %arg10[%add3A_13, %dma_wait3A_270] : memref<10112x128xf32, #tpu.memory_space<vmem_shared>> -> memref<64x128xf32, #tpu.memory_space<vmem_shared>>
      %dma_wait3A_272 = arith.constant 0 : i32
      %dma_wait3A_273 = arith.constant 0 : i32
      %dma_wait3A_274 = tpu.memref_slice %arg9[%run_scoped3A_14, %dma_wait3A_272, %dma_wait3A_273] : memref<4x64x128xf32, #tpu.memory_space<vmem>> -> memref<1x64x128xf32, #tpu.memory_space<vmem>>
      %dma_wait3A_275 = tpu.memref_squeeze %dma_wait3A_274 : memref<1x64x128xf32, #tpu.memory_space<vmem>> -> memref<64x128xf32, #tpu.memory_space<vmem>>
      tpu.wait_dma2 semaphore(%run_scoped3A_252 : memref<!tpu.dma_semaphore, #tpu.memory_space<semaphore_mem>>) src(%dma_wait3A_275 : memref<64x128xf32, #tpu.memory_space<vmem>>) dst(%dma_wait3A_271 : memref<64x128xf32, #tpu.memory_space<vmem_shared>>)
      tpu.yield
    }) : () -> ()
    %add3A_15 = arith.constant 256 : i32
    %add3A_16 = arith.addi %mul3A_2, %add3A_15 : i32
    %run_scoped3A_17 = arith.constant 0 : i32
    "tpu.region"() ({
      %run_scoped3A_252 = tpu.sem_alloc : memref<!tpu.dma_semaphore, #tpu.memory_space<semaphore_mem>>
      %dma_start3A_253 = arith.constant 0 : i32
      %dma_start3A_254 = arith.constant 0 : i32
      %dma_start3A_255 = tpu.memref_slice %arg9[%run_scoped3A_17, %dma_start3A_253, %dma_start3A_254] : memref<4x64x128xf32, #tpu.memory_space<vmem>> -> memref<1x64x128xf32, #tpu.memory_space<vmem>>
      %dma_start3A_256 = tpu.memref_squeeze %dma_start3A_255 : memref<1x64x128xf32, #tpu.memory_space<vmem>> -> memref<64x128xf32, #tpu.memory_space<vmem>>
      %dma_start3A_257 = arith.constant 0 : i32
      %dma_start3A_258 = tpu.memref_slice %arg10[%add3A_16, %dma_start3A_257] : memref<10112x128xf32, #tpu.memory_space<vmem_shared>> -> memref<64x128xf32, #tpu.memory_space<vmem_shared>>
      %dma_start3A_259 = arith.constant 0 : i32
      %dma_start3A_260 = tpu.memref_slice %arg10[%add3A_16, %dma_start3A_259] : memref<10112x128xf32, #tpu.memory_space<vmem_shared>> -> memref<64x128xf32, #tpu.memory_space<vmem_shared>>
      %dma_start3A_261 = arith.constant 0 : i32
      %dma_start3A_262 = arith.constant 0 : i32
      %dma_start3A_263 = tpu.memref_slice %arg9[%run_scoped3A_17, %dma_start3A_261, %dma_start3A_262] : memref<4x64x128xf32, #tpu.memory_space<vmem>> -> memref<1x64x128xf32, #tpu.memory_space<vmem>>
      %dma_start3A_264 = tpu.memref_squeeze %dma_start3A_263 : memref<1x64x128xf32, #tpu.memory_space<vmem>> -> memref<64x128xf32, #tpu.memory_space<vmem>>
      tpu.enqueue_dma source(%dma_start3A_264 : memref<64x128xf32, #tpu.memory_space<vmem>>) target(%dma_start3A_260 : memref<64x128xf32, #tpu.memory_space<vmem_shared>>) target_semaphore(%run_scoped3A_252 : memref<!tpu.dma_semaphore, #tpu.memory_space<semaphore_mem>>)
      %dma_wait3A = arith.constant 0 : i32
      %dma_wait3A_265 = arith.constant 0 : i32
      %dma_wait3A_266 = tpu.memref_slice %arg9[%run_scoped3A_17, %dma_wait3A, %dma_wait3A_265] : memref<4x64x128xf32, #tpu.memory_space<vmem>> -> memref<1x64x128xf32, #tpu.memory_space<vmem>>
      %dma_wait3A_267 = tpu.memref_squeeze %dma_wait3A_266 : memref<1x64x128xf32, #tpu.memory_space<vmem>> -> memref<64x128xf32, #tpu.memory_space<vmem>>
      %dma_wait3A_268 = arith.constant 0 : i32
      %dma_wait3A_269 = tpu.memref_slice %arg10[%add3A_16, %dma_wait3A_268] : memref<10112x128xf32, #tpu.memory_space<vmem_shared>> -> memref<64x128xf32, #tpu.memory_space<vmem_shared>>
      %dma_wait3A_270 = arith.constant 0 : i32
      %dma_wait3A_271 = tpu.memref_slice %arg10[%add3A_16, %dma_wait3A_270] : memref<10112x128xf32, #tpu.memory_space<vmem_shared>> -> memref<64x128xf32, #tpu.memory_space<vmem_shared>>
      %dma_wait3A_272 = arith.constant 0 : i32
      %dma_wait3A_273 = arith.constant 0 : i32
      %dma_wait3A_274 = tpu.memref_slice %arg9[%run_scoped3A_17, %dma_wait3A_272, %dma_wait3A_273] : memref<4x64x128xf32, #tpu.memory_space<vmem>> -> memref<1x64x128xf32, #tpu.memory_space<vmem>>
      %dma_wait3A_275 = tpu.memref_squeeze %dma_wait3A_274 : memref<1x64x128xf32, #tpu.memory_space<vmem>> -> memref<64x128xf32, #tpu.memory_space<vmem>>
      tpu.wait_dma2 semaphore(%run_scoped3A_252 : memref<!tpu.dma_semaphore, #tpu.memory_space<semaphore_mem>>) src(%dma_wait3A_275 : memref<64x128xf32, #tpu.memory_space<vmem>>) dst(%dma_wait3A_271 : memref<64x128xf32, #tpu.memory_space<vmem_shared>>)
      tpu.yield
    }) : () -> ()
    %add3A_18 = arith.constant 320 : i32
    %add3A_19 = arith.addi %mul3A_2, %add3A_18 : i32
    %run_scoped3A_20 = arith.constant 0 : i32
    "tpu.region"() ({
      %run_scoped3A_252 = tpu.sem_alloc : memref<!tpu.dma_semaphore, #tpu.memory_space<semaphore_mem>>
      %dma_start3A_253 = arith.constant 0 : i32
      %dma_start3A_254 = arith.constant 0 : i32
      %dma_start3A_255 = tpu.memref_slice %arg9[%run_scoped3A_20, %dma_start3A_253, %dma_start3A_254] : memref<4x64x128xf32, #tpu.memory_space<vmem>> -> memref<1x64x128xf32, #tpu.memory_space<vmem>>
      %dma_start3A_256 = tpu.memref_squeeze %dma_start3A_255 : memref<1x64x128xf32, #tpu.memory_space<vmem>> -> memref<64x128xf32, #tpu.memory_space<vmem>>
      %dma_start3A_257 = arith.constant 0 : i32
      %dma_start3A_258 = tpu.memref_slice %arg10[%add3A_19, %dma_start3A_257] : memref<10112x128xf32, #tpu.memory_space<vmem_shared>> -> memref<64x128xf32, #tpu.memory_space<vmem_shared>>
      %dma_start3A_259 = arith.constant 0 : i32
      %dma_start3A_260 = tpu.memref_slice %arg10[%add3A_19, %dma_start3A_259] : memref<10112x128xf32, #tpu.memory_space<vmem_shared>> -> memref<64x128xf32, #tpu.memory_space<vmem_shared>>
      %dma_start3A_261 = arith.constant 0 : i32
      %dma_start3A_262 = arith.constant 0 : i32
      %dma_start3A_263 = tpu.memref_slice %arg9[%run_scoped3A_20, %dma_start3A_261, %dma_start3A_262] : memref<4x64x128xf32, #tpu.memory_space<vmem>> -> memref<1x64x128xf32, #tpu.memory_space<vmem>>
      %dma_start3A_264 = tpu.memref_squeeze %dma_start3A_263 : memref<1x64x128xf32, #tpu.memory_space<vmem>> -> memref<64x128xf32, #tpu.memory_space<vmem>>
      tpu.enqueue_dma source(%dma_start3A_264 : memref<64x128xf32, #tpu.memory_space<vmem>>) target(%dma_start3A_260 : memref<64x128xf32, #tpu.memory_space<vmem_shared>>) target_semaphore(%run_scoped3A_252 : memref<!tpu.dma_semaphore, #tpu.memory_space<semaphore_mem>>)
      %dma_wait3A = arith.constant 0 : i32
      %dma_wait3A_265 = arith.constant 0 : i32
      %dma_wait3A_266 = tpu.memref_slice %arg9[%run_scoped3A_20, %dma_wait3A, %dma_wait3A_265] : memref<4x64x128xf32, #tpu.memory_space<vmem>> -> memref<1x64x128xf32, #tpu.memory_space<vmem>>
      %dma_wait3A_267 = tpu.memref_squeeze %dma_wait3A_266 : memref<1x64x128xf32, #tpu.memory_space<vmem>> -> memref<64x128xf32, #tpu.memory_space<vmem>>
      %dma_wait3A_268 = arith.constant 0 : i32
      %dma_wait3A_269 = tpu.memref_slice %arg10[%add3A_19, %dma_wait3A_268] : memref<10112x128xf32, #tpu.memory_space<vmem_shared>> -> memref<64x128xf32, #tpu.memory_space<vmem_shared>>
      %dma_wait3A_270 = arith.constant 0 : i32
      %dma_wait3A_271 = tpu.memref_slice %arg10[%add3A_19, %dma_wait3A_270] : memref<10112x128xf32, #tpu.memory_space<vmem_shared>> -> memref<64x128xf32, #tpu.memory_space<vmem_shared>>
      %dma_wait3A_272 = arith.constant 0 : i32
      %dma_wait3A_273 = arith.constant 0 : i32
      %dma_wait3A_274 = tpu.memref_slice %arg9[%run_scoped3A_20, %dma_wait3A_272, %dma_wait3A_273] : memref<4x64x128xf32, #tpu.memory_space<vmem>> -> memref<1x64x128xf32, #tpu.memory_space<vmem>>
      %dma_wait3A_275 = tpu.memref_squeeze %dma_wait3A_274 : memref<1x64x128xf32, #tpu.memory_space<vmem>> -> memref<64x128xf32, #tpu.memory_space<vmem>>
      tpu.wait_dma2 semaphore(%run_scoped3A_252 : memref<!tpu.dma_semaphore, #tpu.memory_space<semaphore_mem>>) src(%dma_wait3A_275 : memref<64x128xf32, #tpu.memory_space<vmem>>) dst(%dma_wait3A_271 : memref<64x128xf32, #tpu.memory_space<vmem_shared>>)
      tpu.yield
    }) : () -> ()
    %add3A_21 = arith.constant 384 : i32
    %add3A_22 = arith.addi %mul3A_2, %add3A_21 : i32
    %run_scoped3A_23 = arith.constant 0 : i32
    "tpu.region"() ({
      %run_scoped3A_252 = tpu.sem_alloc : memref<!tpu.dma_semaphore, #tpu.memory_space<semaphore_mem>>
      %dma_start3A_253 = arith.constant 0 : i32
      %dma_start3A_254 = arith.constant 0 : i32
      %dma_start3A_255 = tpu.memref_slice %arg9[%run_scoped3A_23, %dma_start3A_253, %dma_start3A_254] : memref<4x64x128xf32, #tpu.memory_space<vmem>> -> memref<1x64x128xf32, #tpu.memory_space<vmem>>
      %dma_start3A_256 = tpu.memref_squeeze %dma_start3A_255 : memref<1x64x128xf32, #tpu.memory_space<vmem>> -> memref<64x128xf32, #tpu.memory_space<vmem>>
      %dma_start3A_257 = arith.constant 0 : i32
      %dma_start3A_258 = tpu.memref_slice %arg10[%add3A_22, %dma_start3A_257] : memref<10112x128xf32, #tpu.memory_space<vmem_shared>> -> memref<64x128xf32, #tpu.memory_space<vmem_shared>>
      %dma_start3A_259 = arith.constant 0 : i32
      %dma_start3A_260 = tpu.memref_slice %arg10[%add3A_22, %dma_start3A_259] : memref<10112x128xf32, #tpu.memory_space<vmem_shared>> -> memref<64x128xf32, #tpu.memory_space<vmem_shared>>
      %dma_start3A_261 = arith.constant 0 : i32
      %dma_start3A_262 = arith.constant 0 : i32
      %dma_start3A_263 = tpu.memref_slice %arg9[%run_scoped3A_23, %dma_start3A_261, %dma_start3A_262] : memref<4x64x128xf32, #tpu.memory_space<vmem>> -> memref<1x64x128xf32, #tpu.memory_space<vmem>>
      %dma_start3A_264 = tpu.memref_squeeze %dma_start3A_263 : memref<1x64x128xf32, #tpu.memory_space<vmem>> -> memref<64x128xf32, #tpu.memory_space<vmem>>
      tpu.enqueue_dma source(%dma_start3A_264 : memref<64x128xf32, #tpu.memory_space<vmem>>) target(%dma_start3A_260 : memref<64x128xf32, #tpu.memory_space<vmem_shared>>) target_semaphore(%run_scoped3A_252 : memref<!tpu.dma_semaphore, #tpu.memory_space<semaphore_mem>>)
      %dma_wait3A = arith.constant 0 : i32
      %dma_wait3A_265 = arith.constant 0 : i32
      %dma_wait3A_266 = tpu.memref_slice %arg9[%run_scoped3A_23, %dma_wait3A, %dma_wait3A_265] : memref<4x64x128xf32, #tpu.memory_space<vmem>> -> memref<1x64x128xf32, #tpu.memory_space<vmem>>
      %dma_wait3A_267 = tpu.memref_squeeze %dma_wait3A_266 : memref<1x64x128xf32, #tpu.memory_space<vmem>> -> memref<64x128xf32, #tpu.memory_space<vmem>>
      %dma_wait3A_268 = arith.constant 0 : i32
      %dma_wait3A_269 = tpu.memref_slice %arg10[%add3A_22, %dma_wait3A_268] : memref<10112x128xf32, #tpu.memory_space<vmem_shared>> -> memref<64x128xf32, #tpu.memory_space<vmem_shared>>
      %dma_wait3A_270 = arith.constant 0 : i32
      %dma_wait3A_271 = tpu.memref_slice %arg10[%add3A_22, %dma_wait3A_270] : memref<10112x128xf32, #tpu.memory_space<vmem_shared>> -> memref<64x128xf32, #tpu.memory_space<vmem_shared>>
      %dma_wait3A_272 = arith.constant 0 : i32
      %dma_wait3A_273 = arith.constant 0 : i32
      %dma_wait3A_274 = tpu.memref_slice %arg9[%run_scoped3A_23, %dma_wait3A_272, %dma_wait3A_273] : memref<4x64x128xf32, #tpu.memory_space<vmem>> -> memref<1x64x128xf32, #tpu.memory_space<vmem>>
      %dma_wait3A_275 = tpu.memref_squeeze %dma_wait3A_274 : memref<1x64x128xf32, #tpu.memory_space<vmem>> -> memref<64x128xf32, #tpu.memory_space<vmem>>
      tpu.wait_dma2 semaphore(%run_scoped3A_252 : memref<!tpu.dma_semaphore, #tpu.memory_space<semaphore_mem>>) src(%dma_wait3A_275 : memref<64x128xf32, #tpu.memory_space<vmem>>) dst(%dma_wait3A_271 : memref<64x128xf32, #tpu.memory_space<vmem_shared>>)
      tpu.yield
    }) : () -> ()
    %add3A_24 = arith.constant 448 : i32
    %add3A_25 = arith.addi %mul3A_2, %add3A_24 : i32
    %run_scoped3A_26 = arith.constant 0 : i32
    "tpu.region"() ({
      %run_scoped3A_252 = tpu.sem_alloc : memref<!tpu.dma_semaphore, #tpu.memory_space<semaphore_mem>>
      %dma_start3A_253 = arith.constant 0 : i32
      %dma_start3A_254 = arith.constant 0 : i32
      %dma_start3A_255 = tpu.memref_slice %arg9[%run_scoped3A_26, %dma_start3A_253, %dma_start3A_254] : memref<4x64x128xf32, #tpu.memory_space<vmem>> -> memref<1x64x128xf32, #tpu.memory_space<vmem>>
      %dma_start3A_256 = tpu.memref_squeeze %dma_start3A_255 : memref<1x64x128xf32, #tpu.memory_space<vmem>> -> memref<64x128xf32, #tpu.memory_space<vmem>>
      %dma_start3A_257 = arith.constant 0 : i32
      %dma_start3A_258 = tpu.memref_slice %arg10[%add3A_25, %dma_start3A_257] : memref<10112x128xf32, #tpu.memory_space<vmem_shared>> -> memref<64x128xf32, #tpu.memory_space<vmem_shared>>
      %dma_start3A_259 = arith.constant 0 : i32
      %dma_start3A_260 = tpu.memref_slice %arg10[%add3A_25, %dma_start3A_259] : memref<10112x128xf32, #tpu.memory_space<vmem_shared>> -> memref<64x128xf32, #tpu.memory_space<vmem_shared>>
      %dma_start3A_261 = arith.constant 0 : i32
      %dma_start3A_262 = arith.constant 0 : i32
      %dma_start3A_263 = tpu.memref_slice %arg9[%run_scoped3A_26, %dma_start3A_261, %dma_start3A_262] : memref<4x64x128xf32, #tpu.memory_space<vmem>> -> memref<1x64x128xf32, #tpu.memory_space<vmem>>
      %dma_start3A_264 = tpu.memref_squeeze %dma_start3A_263 : memref<1x64x128xf32, #tpu.memory_space<vmem>> -> memref<64x128xf32, #tpu.memory_space<vmem>>
      tpu.enqueue_dma source(%dma_start3A_264 : memref<64x128xf32, #tpu.memory_space<vmem>>) target(%dma_start3A_260 : memref<64x128xf32, #tpu.memory_space<vmem_shared>>) target_semaphore(%run_scoped3A_252 : memref<!tpu.dma_semaphore, #tpu.memory_space<semaphore_mem>>)
      %dma_wait3A = arith.constant 0 : i32
      %dma_wait3A_265 = arith.constant 0 : i32
      %dma_wait3A_266 = tpu.memref_slice %arg9[%run_scoped3A_26, %dma_wait3A, %dma_wait3A_265] : memref<4x64x128xf32, #tpu.memory_space<vmem>> -> memref<1x64x128xf32, #tpu.memory_space<vmem>>
      %dma_wait3A_267 = tpu.memref_squeeze %dma_wait3A_266 : memref<1x64x128xf32, #tpu.memory_space<vmem>> -> memref<64x128xf32, #tpu.memory_space<vmem>>
      %dma_wait3A_268 = arith.constant 0 : i32
      %dma_wait3A_269 = tpu.memref_slice %arg10[%add3A_25, %dma_wait3A_268] : memref<10112x128xf32, #tpu.memory_space<vmem_shared>> -> memref<64x128xf32, #tpu.memory_space<vmem_shared>>
      %dma_wait3A_270 = arith.constant 0 : i32
      %dma_wait3A_271 = tpu.memref_slice %arg10[%add3A_25, %dma_wait3A_270] : memref<10112x128xf32, #tpu.memory_space<vmem_shared>> -> memref<64x128xf32, #tpu.memory_space<vmem_shared>>
      %dma_wait3A_272 = arith.constant 0 : i32
      %dma_wait3A_273 = arith.constant 0 : i32
      %dma_wait3A_274 = tpu.memref_slice %arg9[%run_scoped3A_26, %dma_wait3A_272, %dma_wait3A_273] : memref<4x64x128xf32, #tpu.memory_space<vmem>> -> memref<1x64x128xf32, #tpu.memory_space<vmem>>
      %dma_wait3A_275 = tpu.memref_squeeze %dma_wait3A_274 : memref<1x64x128xf32, #tpu.memory_space<vmem>> -> memref<64x128xf32, #tpu.memory_space<vmem>>
      tpu.wait_dma2 semaphore(%run_scoped3A_252 : memref<!tpu.dma_semaphore, #tpu.memory_space<semaphore_mem>>) src(%dma_wait3A_275 : memref<64x128xf32, #tpu.memory_space<vmem>>) dst(%dma_wait3A_271 : memref<64x128xf32, #tpu.memory_space<vmem_shared>>)
      tpu.yield
    }) : () -> ()
    %add3A_27 = arith.constant 512 : i32
    %add3A_28 = arith.addi %mul3A_2, %add3A_27 : i32
    %run_scoped3A_29 = arith.constant 0 : i32
    "tpu.region"() ({
      %run_scoped3A_252 = tpu.sem_alloc : memref<!tpu.dma_semaphore, #tpu.memory_space<semaphore_mem>>
      %dma_start3A_253 = arith.constant 0 : i32
      %dma_start3A_254 = arith.constant 0 : i32
      %dma_start3A_255 = tpu.memref_slice %arg9[%run_scoped3A_29, %dma_start3A_253, %dma_start3A_254] : memref<4x64x128xf32, #tpu.memory_space<vmem>> -> memref<1x64x128xf32, #tpu.memory_space<vmem>>
      %dma_start3A_256 = tpu.memref_squeeze %dma_start3A_255 : memref<1x64x128xf32, #tpu.memory_space<vmem>> -> memref<64x128xf32, #tpu.memory_space<vmem>>
      %dma_start3A_257 = arith.constant 0 : i32
      %dma_start3A_258 = tpu.memref_slice %arg10[%add3A_28, %dma_start3A_257] : memref<10112x128xf32, #tpu.memory_space<vmem_shared>> -> memref<64x128xf32, #tpu.memory_space<vmem_shared>>
      %dma_start3A_259 = arith.constant 0 : i32
      %dma_start3A_260 = tpu.memref_slice %arg10[%add3A_28, %dma_start3A_259] : memref<10112x128xf32, #tpu.memory_space<vmem_shared>> -> memref<64x128xf32, #tpu.memory_space<vmem_shared>>
      %dma_start3A_261 = arith.constant 0 : i32
      %dma_start3A_262 = arith.constant 0 : i32
      %dma_start3A_263 = tpu.memref_slice %arg9[%run_scoped3A_29, %dma_start3A_261, %dma_start3A_262] : memref<4x64x128xf32, #tpu.memory_space<vmem>> -> memref<1x64x128xf32, #tpu.memory_space<vmem>>
      %dma_start3A_264 = tpu.memref_squeeze %dma_start3A_263 : memref<1x64x128xf32, #tpu.memory_space<vmem>> -> memref<64x128xf32, #tpu.memory_space<vmem>>
      tpu.enqueue_dma source(%dma_start3A_264 : memref<64x128xf32, #tpu.memory_space<vmem>>) target(%dma_start3A_260 : memref<64x128xf32, #tpu.memory_space<vmem_shared>>) target_semaphore(%run_scoped3A_252 : memref<!tpu.dma_semaphore, #tpu.memory_space<semaphore_mem>>)
      %dma_wait3A = arith.constant 0 : i32
      %dma_wait3A_265 = arith.constant 0 : i32
      %dma_wait3A_266 = tpu.memref_slice %arg9[%run_scoped3A_29, %dma_wait3A, %dma_wait3A_265] : memref<4x64x128xf32, #tpu.memory_space<vmem>> -> memref<1x64x128xf32, #tpu.memory_space<vmem>>
      %dma_wait3A_267 = tpu.memref_squeeze %dma_wait3A_266 : memref<1x64x128xf32, #tpu.memory_space<vmem>> -> memref<64x128xf32, #tpu.memory_space<vmem>>
      %dma_wait3A_268 = arith.constant 0 : i32
      %dma_wait3A_269 = tpu.memref_slice %arg10[%add3A_28, %dma_wait3A_268] : memref<10112x128xf32, #tpu.memory_space<vmem_shared>> -> memref<64x128xf32, #tpu.memory_space<vmem_shared>>
      %dma_wait3A_270 = arith.constant 0 : i32
      %dma_wait3A_271 = tpu.memref_slice %arg10[%add3A_28, %dma_wait3A_270] : memref<10112x128xf32, #tpu.memory_space<vmem_shared>> -> memref<64x128xf32, #tpu.memory_space<vmem_shared>>
      %dma_wait3A_272 = arith.constant 0 : i32
      %dma_wait3A_273 = arith.constant 0 : i32
      %dma_wait3A_274 = tpu.memref_slice %arg9[%run_scoped3A_29, %dma_wait3A_272, %dma_wait3A_273] : memref<4x64x128xf32, #tpu.memory_space<vmem>> -> memref<1x64x128xf32, #tpu.memory_space<vmem>>
      %dma_wait3A_275 = tpu.memref_squeeze %dma_wait3A_274 : memref<1x64x128xf32, #tpu.memory_space<vmem>> -> memref<64x128xf32, #tpu.memory_space<vmem>>
      tpu.wait_dma2 semaphore(%run_scoped3A_252 : memref<!tpu.dma_semaphore, #tpu.memory_space<semaphore_mem>>) src(%dma_wait3A_275 : memref<64x128xf32, #tpu.memory_space<vmem>>) dst(%dma_wait3A_271 : memref<64x128xf32, #tpu.memory_space<vmem_shared>>)
      tpu.yield
    }) : () -> ()
    %add3A_30 = arith.constant 576 : i32
    %add3A_31 = arith.addi %mul3A_2, %add3A_30 : i32
    %run_scoped3A_32 = arith.constant 0 : i32
    "tpu.region"() ({
      %run_scoped3A_252 = tpu.sem_alloc : memref<!tpu.dma_semaphore, #tpu.memory_space<semaphore_mem>>
      %dma_start3A_253 = arith.constant 0 : i32
      %dma_start3A_254 = arith.constant 0 : i32
      %dma_start3A_255 = tpu.memref_slice %arg9[%run_scoped3A_32, %dma_start3A_253, %dma_start3A_254] : memref<4x64x128xf32, #tpu.memory_space<vmem>> -> memref<1x64x128xf32, #tpu.memory_space<vmem>>
      %dma_start3A_256 = tpu.memref_squeeze %dma_start3A_255 : memref<1x64x128xf32, #tpu.memory_space<vmem>> -> memref<64x128xf32, #tpu.memory_space<vmem>>
      %dma_start3A_257 = arith.constant 0 : i32
      %dma_start3A_258 = arith.constant 0 : i32
      %dma_start3A_259 = tpu.memref_slice %dma_start3A_256[%dma_start3A_257, %dma_start3A_258] : memref<64x128xf32, #tpu.memory_space<vmem>> -> memref<56x128xf32, #tpu.memory_space<vmem>>
      %dma_start3A_260 = arith.constant 0 : i32
      %dma_start3A_261 = tpu.memref_slice %arg10[%add3A_31, %dma_start3A_260] : memref<10112x128xf32, #tpu.memory_space<vmem_shared>> -> memref<56x128xf32, #tpu.memory_space<vmem_shared>>
      %dma_start3A_262 = arith.constant 0 : i32
      %dma_start3A_263 = tpu.memref_slice %arg10[%add3A_31, %dma_start3A_262] : memref<10112x128xf32, #tpu.memory_space<vmem_shared>> -> memref<56x128xf32, #tpu.memory_space<vmem_shared>>
      %dma_start3A_264 = arith.constant 0 : i32
      %dma_start3A_265 = arith.constant 0 : i32
      %dma_start3A_266 = tpu.memref_slice %arg9[%run_scoped3A_32, %dma_start3A_264, %dma_start3A_265] : memref<4x64x128xf32, #tpu.memory_space<vmem>> -> memref<1x64x128xf32, #tpu.memory_space<vmem>>
      %dma_start3A_267 = tpu.memref_squeeze %dma_start3A_266 : memref<1x64x128xf32, #tpu.memory_space<vmem>> -> memref<64x128xf32, #tpu.memory_space<vmem>>
      %dma_start3A_268 = arith.constant 0 : i32
      %dma_start3A_269 = arith.constant 0 : i32
      %dma_start3A_270 = tpu.memref_slice %dma_start3A_267[%dma_start3A_268, %dma_start3A_269] : memref<64x128xf32, #tpu.memory_space<vmem>> -> memref<56x128xf32, #tpu.memory_space<vmem>>
      tpu.enqueue_dma source(%dma_start3A_270 : memref<56x128xf32, #tpu.memory_space<vmem>>) target(%dma_start3A_263 : memref<56x128xf32, #tpu.memory_space<vmem_shared>>) target_semaphore(%run_scoped3A_252 : memref<!tpu.dma_semaphore, #tpu.memory_space<semaphore_mem>>)
      %dma_wait3A = arith.constant 0 : i32
      %dma_wait3A_271 = arith.constant 0 : i32
      %dma_wait3A_272 = tpu.memref_slice %arg9[%run_scoped3A_32, %dma_wait3A, %dma_wait3A_271] : memref<4x64x128xf32, #tpu.memory_space<vmem>> -> memref<1x64x128xf32, #tpu.memory_space<vmem>>
      %dma_wait3A_273 = tpu.memref_squeeze %dma_wait3A_272 : memref<1x64x128xf32, #tpu.memory_space<vmem>> -> memref<64x128xf32, #tpu.memory_space<vmem>>
      %dma_wait3A_274 = arith.constant 0 : i32
      %dma_wait3A_275 = arith.constant 0 : i32
      %dma_wait3A_276 = tpu.memref_slice %dma_wait3A_273[%dma_wait3A_274, %dma_wait3A_275] : memref<64x128xf32, #tpu.memory_space<vmem>> -> memref<56x128xf32, #tpu.memory_space<vmem>>
      %dma_wait3A_277 = arith.constant 0 : i32
      %dma_wait3A_278 = tpu.memref_slice %arg10[%add3A_31, %dma_wait3A_277] : memref<10112x128xf32, #tpu.memory_space<vmem_shared>> -> memref<56x128xf32, #tpu.memory_space<vmem_shared>>
      %dma_wait3A_279 = arith.constant 0 : i32
      %dma_wait3A_280 = tpu.memref_slice %arg10[%add3A_31, %dma_wait3A_279] : memref<10112x128xf32, #tpu.memory_space<vmem_shared>> -> memref<56x128xf32, #tpu.memory_space<vmem_shared>>
      %dma_wait3A_281 = arith.constant 0 : i32
      %dma_wait3A_282 = arith.constant 0 : i32
      %dma_wait3A_283 = tpu.memref_slice %arg9[%run_scoped3A_32, %dma_wait3A_281, %dma_wait3A_282] : memref<4x64x128xf32, #tpu.memory_space<vmem>> -> memref<1x64x128xf32, #tpu.memory_space<vmem>>
      %dma_wait3A_284 = tpu.memref_squeeze %dma_wait3A_283 : memref<1x64x128xf32, #tpu.memory_space<vmem>> -> memref<64x128xf32, #tpu.memory_space<vmem>>
      %dma_wait3A_285 = arith.constant 0 : i32
      %dma_wait3A_286 = arith.constant 0 : i32
      %dma_wait3A_287 = tpu.memref_slice %dma_wait3A_284[%dma_wait3A_285, %dma_wait3A_286] : memref<64x128xf32, #tpu.memory_space<vmem>> -> memref<56x128xf32, #tpu.memory_space<vmem>>
      tpu.wait_dma2 semaphore(%run_scoped3A_252 : memref<!tpu.dma_semaphore, #tpu.memory_space<semaphore_mem>>) src(%dma_wait3A_287 : memref<56x128xf32, #tpu.memory_space<vmem>>) dst(%dma_wait3A_280 : memref<56x128xf32, #tpu.memory_space<vmem_shared>>)
      tpu.yield
    }) : () -> ()
    %barrier3A = arith.constant 0 : index
    tpu.barrier barrier_id(%barrier3A)
    "tpu.region"() ({
      %run_scoped3A_252 = tpu.sem_alloc : memref<!tpu.dma_semaphore, #tpu.memory_space<semaphore_mem>>
      %dma_start3A_253 = arith.constant 0 : i32
      %dma_start3A_254 = arith.constant 0 : i32
      %dma_start3A_255 = tpu.memref_slice %arg3[%add3A, %dma_start3A_253, %dma_start3A_254] : memref<32x160x64xi32, #tpu.memory_space<hbm>> -> memref<1x40x64xi32, #tpu.memory_space<hbm>>
      %dma_start3A_256 = tpu.memref_squeeze %dma_start3A_255 : memref<1x40x64xi32, #tpu.memory_space<hbm>> -> memref<40x64xi32, #tpu.memory_space<hbm>>
      %dma_start3A_257 = arith.constant 0 : i32
      %dma_start3A_258 = arith.constant 0 : i32
      %dma_start3A_259 = tpu.memref_slice %arg3[%add3A, %dma_start3A_257, %dma_start3A_258] : memref<32x160x64xi32, #tpu.memory_space<hbm>> -> memref<1x40x64xi32, #tpu.memory_space<hbm>>
      %dma_start3A_260 = tpu.memref_squeeze %dma_start3A_259 : memref<1x40x64xi32, #tpu.memory_space<hbm>> -> memref<40x64xi32, #tpu.memory_space<hbm>>
      tpu.enqueue_dma source(%dma_start3A_260 : memref<40x64xi32, #tpu.memory_space<hbm>>) target(%arg7 : memref<40x64xi32, #tpu.memory_space<vmem>>) target_semaphore(%run_scoped3A_252 : memref<!tpu.dma_semaphore, #tpu.memory_space<semaphore_mem>>)
      %dma_wait3A = arith.constant 0 : i32
      %dma_wait3A_261 = arith.constant 0 : i32
      %dma_wait3A_262 = tpu.memref_slice %arg3[%add3A, %dma_wait3A, %dma_wait3A_261] : memref<32x160x64xi32, #tpu.memory_space<hbm>> -> memref<1x40x64xi32, #tpu.memory_space<hbm>>
      %dma_wait3A_263 = tpu.memref_squeeze %dma_wait3A_262 : memref<1x40x64xi32, #tpu.memory_space<hbm>> -> memref<40x64xi32, #tpu.memory_space<hbm>>
      %dma_wait3A_264 = arith.constant 0 : i32
      %dma_wait3A_265 = arith.constant 0 : i32
      %dma_wait3A_266 = tpu.memref_slice %arg3[%add3A, %dma_wait3A_264, %dma_wait3A_265] : memref<32x160x64xi32, #tpu.memory_space<hbm>> -> memref<1x40x64xi32, #tpu.memory_space<hbm>>
      %dma_wait3A_267 = tpu.memref_squeeze %dma_wait3A_266 : memref<1x40x64xi32, #tpu.memory_space<hbm>> -> memref<40x64xi32, #tpu.memory_space<hbm>>
      tpu.wait_dma2 semaphore(%run_scoped3A_252 : memref<!tpu.dma_semaphore, #tpu.memory_space<semaphore_mem>>) src(%dma_wait3A_267 : memref<40x64xi32, #tpu.memory_space<hbm>>) dst(%arg7 : memref<40x64xi32, #tpu.memory_space<vmem>>)
      tpu.yield
    }) : () -> ()
    "tpu.region"() ({
      %run_scoped3A_252 = tpu.sem_alloc : memref<!tpu.dma_semaphore, #tpu.memory_space<semaphore_mem>>
      %dma_start3A_253 = arith.constant 0 : i32
      %dma_start3A_254 = arith.constant 0 : i32
      %dma_start3A_255 = tpu.memref_slice %arg4[%add3A, %dma_start3A_253, %dma_start3A_254] : memref<32x160x64xi32, #tpu.memory_space<hbm>> -> memref<1x40x64xi32, #tpu.memory_space<hbm>>
      %dma_start3A_256 = tpu.memref_squeeze %dma_start3A_255 : memref<1x40x64xi32, #tpu.memory_space<hbm>> -> memref<40x64xi32, #tpu.memory_space<hbm>>
      %dma_start3A_257 = arith.constant 0 : i32
      %dma_start3A_258 = arith.constant 0 : i32
      %dma_start3A_259 = tpu.memref_slice %arg4[%add3A, %dma_start3A_257, %dma_start3A_258] : memref<32x160x64xi32, #tpu.memory_space<hbm>> -> memref<1x40x64xi32, #tpu.memory_space<hbm>>
      %dma_start3A_260 = tpu.memref_squeeze %dma_start3A_259 : memref<1x40x64xi32, #tpu.memory_space<hbm>> -> memref<40x64xi32, #tpu.memory_space<hbm>>
      tpu.enqueue_dma source(%dma_start3A_260 : memref<40x64xi32, #tpu.memory_space<hbm>>) target(%arg8 : memref<40x64xi32, #tpu.memory_space<vmem>>) target_semaphore(%run_scoped3A_252 : memref<!tpu.dma_semaphore, #tpu.memory_space<semaphore_mem>>)
      %dma_wait3A = arith.constant 0 : i32
      %dma_wait3A_261 = arith.constant 0 : i32
      %dma_wait3A_262 = tpu.memref_slice %arg4[%add3A, %dma_wait3A, %dma_wait3A_261] : memref<32x160x64xi32, #tpu.memory_space<hbm>> -> memref<1x40x64xi32, #tpu.memory_space<hbm>>
      %dma_wait3A_263 = tpu.memref_squeeze %dma_wait3A_262 : memref<1x40x64xi32, #tpu.memory_space<hbm>> -> memref<40x64xi32, #tpu.memory_space<hbm>>
      %dma_wait3A_264 = arith.constant 0 : i32
      %dma_wait3A_265 = arith.constant 0 : i32
      %dma_wait3A_266 = tpu.memref_slice %arg4[%add3A, %dma_wait3A_264, %dma_wait3A_265] : memref<32x160x64xi32, #tpu.memory_space<hbm>> -> memref<1x40x64xi32, #tpu.memory_space<hbm>>
      %dma_wait3A_267 = tpu.memref_squeeze %dma_wait3A_266 : memref<1x40x64xi32, #tpu.memory_space<hbm>> -> memref<40x64xi32, #tpu.memory_space<hbm>>
      tpu.wait_dma2 semaphore(%run_scoped3A_252 : memref<!tpu.dma_semaphore, #tpu.memory_space<semaphore_mem>>) src(%dma_wait3A_267 : memref<40x64xi32, #tpu.memory_space<hbm>>) dst(%arg8 : memref<40x64xi32, #tpu.memory_space<vmem>>)
      tpu.yield
    }) : () -> ()
    %dma_start3A = arith.constant 0 : i32
    %dma_start3A_33 = arith.constant 0 : i32
    %dma_start3A_34 = arith.constant 0 : i32
    %dma_start3A_35 = arith.constant 0 : i32
    %dma_start3A_36 = tpu.memref_slice %arg9[%dma_start3A_33, %dma_start3A_34, %dma_start3A_35] : memref<4x64x128xf32, #tpu.memory_space<vmem>> -> memref<1x64x128xf32, #tpu.memory_space<vmem>>
    %dma_start3A_37 = tpu.memref_squeeze %dma_start3A_36 : memref<1x64x128xf32, #tpu.memory_space<vmem>> -> memref<64x128xf32, #tpu.memory_space<vmem>>
    %dma_start3A_38 = arith.constant 0 : i32
    %dma_start3A_39 = tpu.memref_slice %arg7[%dma_start3A, %dma_start3A_38] : memref<40x64xi32, #tpu.memory_space<vmem>> -> memref<1x64xi32, #tpu.memory_space<vmem>>
    %dma_start3A_40 = tpu.memref_squeeze %dma_start3A_39 : memref<1x64xi32, #tpu.memory_space<vmem>> -> memref<64xi32, #tpu.memory_space<vmem>>
    %dma_start3A_41 = arith.constant 0 : i32
    %dma_start3A_42 = arith.constant 0 : i32
    %dma_start3A_43 = tpu.memref_slice %arg2[%dma_start3A_41, %dma_start3A_42] : memref<10000x128xf32, #tpu.memory_space<hbm>> -> memref<10000x128xf32, #tpu.memory_space<hbm>>
    tpu.enqueue_indirect_dma source(%dma_start3A_43 : memref<10000x128xf32, #tpu.memory_space<hbm>>) target(%dma_start3A_37 : memref<64x128xf32, #tpu.memory_space<vmem>>) offsets(%dma_start3A_40 : memref<64xi32, #tpu.memory_space<vmem>>) semaphore(%arg11 : memref<!tpu.dma_semaphore, #tpu.memory_space<semaphore_mem>>)
    %dma_start3A_44 = arith.constant 1 : i32
    %dma_start3A_45 = arith.constant 1 : i32
    %dma_start3A_46 = arith.constant 0 : i32
    %dma_start3A_47 = arith.constant 0 : i32
    %dma_start3A_48 = tpu.memref_slice %arg9[%dma_start3A_45, %dma_start3A_46, %dma_start3A_47] : memref<4x64x128xf32, #tpu.memory_space<vmem>> -> memref<1x64x128xf32, #tpu.memory_space<vmem>>
    %dma_start3A_49 = tpu.memref_squeeze %dma_start3A_48 : memref<1x64x128xf32, #tpu.memory_space<vmem>> -> memref<64x128xf32, #tpu.memory_space<vmem>>
    %dma_start3A_50 = arith.constant 0 : i32
    %dma_start3A_51 = tpu.memref_slice %arg7[%dma_start3A_44, %dma_start3A_50] : memref<40x64xi32, #tpu.memory_space<vmem>> -> memref<1x64xi32, #tpu.memory_space<vmem>>
    %dma_start3A_52 = tpu.memref_squeeze %dma_start3A_51 : memref<1x64xi32, #tpu.memory_space<vmem>> -> memref<64xi32, #tpu.memory_space<vmem>>
    %dma_start3A_53 = arith.constant 0 : i32
    %dma_start3A_54 = arith.constant 0 : i32
    %dma_start3A_55 = tpu.memref_slice %arg2[%dma_start3A_53, %dma_start3A_54] : memref<10000x128xf32, #tpu.memory_space<hbm>> -> memref<10000x128xf32, #tpu.memory_space<hbm>>
    tpu.enqueue_indirect_dma source(%dma_start3A_55 : memref<10000x128xf32, #tpu.memory_space<hbm>>) target(%dma_start3A_49 : memref<64x128xf32, #tpu.memory_space<vmem>>) offsets(%dma_start3A_52 : memref<64xi32, #tpu.memory_space<vmem>>) semaphore(%arg12 : memref<!tpu.dma_semaphore, #tpu.memory_space<semaphore_mem>>)
    %dma_start3A_56 = arith.constant 2 : i32
    %dma_start3A_57 = arith.constant 2 : i32
    %dma_start3A_58 = arith.constant 0 : i32
    %dma_start3A_59 = arith.constant 0 : i32
    %dma_start3A_60 = tpu.memref_slice %arg9[%dma_start3A_57, %dma_start3A_58, %dma_start3A_59] : memref<4x64x128xf32, #tpu.memory_space<vmem>> -> memref<1x64x128xf32, #tpu.memory_space<vmem>>
    %dma_start3A_61 = tpu.memref_squeeze %dma_start3A_60 : memref<1x64x128xf32, #tpu.memory_space<vmem>> -> memref<64x128xf32, #tpu.memory_space<vmem>>
    %dma_start3A_62 = arith.constant 0 : i32
    %dma_start3A_63 = tpu.memref_slice %arg7[%dma_start3A_56, %dma_start3A_62] : memref<40x64xi32, #tpu.memory_space<vmem>> -> memref<1x64xi32, #tpu.memory_space<vmem>>
    %dma_start3A_64 = tpu.memref_squeeze %dma_start3A_63 : memref<1x64xi32, #tpu.memory_space<vmem>> -> memref<64xi32, #tpu.memory_space<vmem>>
    %dma_start3A_65 = arith.constant 0 : i32
    %dma_start3A_66 = arith.constant 0 : i32
    %dma_start3A_67 = tpu.memref_slice %arg2[%dma_start3A_65, %dma_start3A_66] : memref<10000x128xf32, #tpu.memory_space<hbm>> -> memref<10000x128xf32, #tpu.memory_space<hbm>>
    tpu.enqueue_indirect_dma source(%dma_start3A_67 : memref<10000x128xf32, #tpu.memory_space<hbm>>) target(%dma_start3A_61 : memref<64x128xf32, #tpu.memory_space<vmem>>) offsets(%dma_start3A_64 : memref<64xi32, #tpu.memory_space<vmem>>) semaphore(%arg13 : memref<!tpu.dma_semaphore, #tpu.memory_space<semaphore_mem>>)
    %dma_start3A_68 = arith.constant 3 : i32
    %dma_start3A_69 = arith.constant 3 : i32
    %dma_start3A_70 = arith.constant 0 : i32
    %dma_start3A_71 = arith.constant 0 : i32
    %dma_start3A_72 = tpu.memref_slice %arg9[%dma_start3A_69, %dma_start3A_70, %dma_start3A_71] : memref<4x64x128xf32, #tpu.memory_space<vmem>> -> memref<1x64x128xf32, #tpu.memory_space<vmem>>
    %dma_start3A_73 = tpu.memref_squeeze %dma_start3A_72 : memref<1x64x128xf32, #tpu.memory_space<vmem>> -> memref<64x128xf32, #tpu.memory_space<vmem>>
    %dma_start3A_74 = arith.constant 0 : i32
    %dma_start3A_75 = tpu.memref_slice %arg7[%dma_start3A_68, %dma_start3A_74] : memref<40x64xi32, #tpu.memory_space<vmem>> -> memref<1x64xi32, #tpu.memory_space<vmem>>
    %dma_start3A_76 = tpu.memref_squeeze %dma_start3A_75 : memref<1x64xi32, #tpu.memory_space<vmem>> -> memref<64xi32, #tpu.memory_space<vmem>>
    %dma_start3A_77 = arith.constant 0 : i32
    %dma_start3A_78 = arith.constant 0 : i32
    %dma_start3A_79 = tpu.memref_slice %arg2[%dma_start3A_77, %dma_start3A_78] : memref<10000x128xf32, #tpu.memory_space<hbm>> -> memref<10000x128xf32, #tpu.memory_space<hbm>>
    tpu.enqueue_indirect_dma source(%dma_start3A_79 : memref<10000x128xf32, #tpu.memory_space<hbm>>) target(%dma_start3A_73 : memref<64x128xf32, #tpu.memory_space<vmem>>) offsets(%dma_start3A_76 : memref<64xi32, #tpu.memory_space<vmem>>) semaphore(%arg14 : memref<!tpu.dma_semaphore, #tpu.memory_space<semaphore_mem>>)
    %scan3A = arith.constant 0 : i32
    %scan3A_80 = arith.constant 0 : i32
    %scan3A_81 = arith.constant 10 : i32
    %scan3A_82 = arith.addi %scan3A_80, %scan3A_81 : i32
    %scan3A_83 = arith.constant 1 : i32
    scf.for %scan3A_252 = %scan3A_80 to %scan3A_82 step %scan3A_83  : i32 {
      %mul3A_253 = arith.constant 4 : i32
      %mul3A_254 = arith.muli %scan3A_252, %mul3A_253 : i32
      %add3A_255 = arith.constant 0 : i32
      %add3A_256 = arith.addi %mul3A_254, %add3A_255 : i32
      %dma_wait3A = arith.constant 0 : i32
      %dma_wait3A_257 = arith.constant 0 : i32
      %dma_wait3A_258 = arith.constant 0 : i32
      %dma_wait3A_259 = tpu.memref_slice %arg9[%dma_wait3A, %dma_wait3A_257, %dma_wait3A_258] : memref<4x64x128xf32, #tpu.memory_space<vmem>> -> memref<1x64x128xf32, #tpu.memory_space<vmem>>
      %dma_wait3A_260 = tpu.memref_squeeze %dma_wait3A_259 : memref<1x64x128xf32, #tpu.memory_space<vmem>> -> memref<64x128xf32, #tpu.memory_space<vmem>>
      %dma_wait3A_261 = arith.constant 0 : i32
      %dma_wait3A_262 = tpu.memref_slice %arg7[%add3A_256, %dma_wait3A_261] : memref<40x64xi32, #tpu.memory_space<vmem>> -> memref<1x64xi32, #tpu.memory_space<vmem>>
      %dma_wait3A_263 = tpu.memref_squeeze %dma_wait3A_262 : memref<1x64xi32, #tpu.memory_space<vmem>> -> memref<64xi32, #tpu.memory_space<vmem>>
      %dma_wait3A_264 = arith.constant 0 : i32
      %dma_wait3A_265 = arith.constant 0 : i32
      %dma_wait3A_266 = tpu.memref_slice %arg2[%dma_wait3A_264, %dma_wait3A_265] : memref<10000x128xf32, #tpu.memory_space<hbm>> -> memref<10000x128xf32, #tpu.memory_space<hbm>>
      tpu.wait_indirect_dma semaphore(%arg11 : memref<!tpu.dma_semaphore, #tpu.memory_space<semaphore_mem>>) src(%dma_wait3A_266 : memref<10000x128xf32, #tpu.memory_space<hbm>>) dst(%dma_wait3A_260 : memref<64x128xf32, #tpu.memory_space<vmem>>)
      %run_scoped3A_267 = arith.constant 0 : i32
      "tpu.region"() ({
        %run_scoped3A_337 = tpu.sem_alloc : memref<!tpu.dma_semaphore, #tpu.memory_space<semaphore_mem>>
        %dma_start3A_338 = arith.constant 0 : i32
        %dma_start3A_339 = arith.constant 0 : i32
        %dma_start3A_340 = tpu.memref_slice %arg9[%run_scoped3A_267, %dma_start3A_338, %dma_start3A_339] : memref<4x64x128xf32, #tpu.memory_space<vmem>> -> memref<1x64x128xf32, #tpu.memory_space<vmem>>
        %dma_start3A_341 = tpu.memref_squeeze %dma_start3A_340 : memref<1x64x128xf32, #tpu.memory_space<vmem>> -> memref<64x128xf32, #tpu.memory_space<vmem>>
        %dma_start3A_342 = arith.constant 0 : i32
        %dma_start3A_343 = tpu.memref_slice %arg8[%add3A_256, %dma_start3A_342] : memref<40x64xi32, #tpu.memory_space<vmem>> -> memref<1x64xi32, #tpu.memory_space<vmem>>
        %dma_start3A_344 = tpu.memref_squeeze %dma_start3A_343 : memref<1x64xi32, #tpu.memory_space<vmem>> -> memref<64xi32, #tpu.memory_space<vmem>>
        %dma_start3A_345 = arith.constant 0 : i32
        %dma_start3A_346 = arith.constant 0 : i32
        %dma_start3A_347 = tpu.memref_slice %arg10[%dma_start3A_345, %dma_start3A_346] : memref<10112x128xf32, #tpu.memory_space<vmem_shared>> -> memref<10112x128xf32, #tpu.memory_space<vmem_shared>>
        tpu.enqueue_indirect_dma source(%dma_start3A_341 : memref<64x128xf32, #tpu.memory_space<vmem>>) target(%dma_start3A_347 : memref<10112x128xf32, #tpu.memory_space<vmem_shared>>) offsets(%dma_start3A_344 : memref<64xi32, #tpu.memory_space<vmem>>) semaphore(%run_scoped3A_337 : memref<!tpu.dma_semaphore, #tpu.memory_space<semaphore_mem>>) {add = true}
        %dma_wait3A_348 = arith.constant 0 : i32
        %dma_wait3A_349 = arith.constant 0 : i32
        %dma_wait3A_350 = tpu.memref_slice %arg9[%run_scoped3A_267, %dma_wait3A_348, %dma_wait3A_349] : memref<4x64x128xf32, #tpu.memory_space<vmem>> -> memref<1x64x128xf32, #tpu.memory_space<vmem>>
        %dma_wait3A_351 = tpu.memref_squeeze %dma_wait3A_350 : memref<1x64x128xf32, #tpu.memory_space<vmem>> -> memref<64x128xf32, #tpu.memory_space<vmem>>
        %dma_wait3A_352 = arith.constant 0 : i32
        %dma_wait3A_353 = tpu.memref_slice %arg8[%add3A_256, %dma_wait3A_352] : memref<40x64xi32, #tpu.memory_space<vmem>> -> memref<1x64xi32, #tpu.memory_space<vmem>>
        %dma_wait3A_354 = tpu.memref_squeeze %dma_wait3A_353 : memref<1x64xi32, #tpu.memory_space<vmem>> -> memref<64xi32, #tpu.memory_space<vmem>>
        %dma_wait3A_355 = arith.constant 0 : i32
        %dma_wait3A_356 = arith.constant 0 : i32
        %dma_wait3A_357 = tpu.memref_slice %arg10[%dma_wait3A_355, %dma_wait3A_356] : memref<10112x128xf32, #tpu.memory_space<vmem_shared>> -> memref<10112x128xf32, #tpu.memory_space<vmem_shared>>
        tpu.wait_indirect_dma semaphore(%run_scoped3A_337 : memref<!tpu.dma_semaphore, #tpu.memory_space<semaphore_mem>>) src(%dma_wait3A_351 : memref<64x128xf32, #tpu.memory_space<vmem>>) dst(%dma_wait3A_357 : memref<10112x128xf32, #tpu.memory_space<vmem_shared>>)
        tpu.yield
      }) : () -> ()
      %add3A_268 = arith.constant 4 : i32
      %add3A_269 = arith.addi %add3A_256, %add3A_268 : i32
      %lt3A = arith.constant 40 : i32
      %lt3A_270 = arith.cmpi slt, %add3A_269, %lt3A : i32
      %convert_element_type3A_271 = arith.extui %lt3A_270 : i1 to i32
      %cond3A_272 = arith.constant 0 : i32
      %cond3A_273 = arith.cmpi ne, %convert_element_type3A_271, %cond3A_272 : i32
      scf.if %cond3A_273 {
        %add3A_337 = arith.constant 4 : i32
        %add3A_338 = arith.addi %add3A_256, %add3A_337 : i32
        %dma_start3A_339 = arith.constant 0 : i32
        %dma_start3A_340 = arith.constant 0 : i32
        %dma_start3A_341 = arith.constant 0 : i32
        %dma_start3A_342 = tpu.memref_slice %arg9[%dma_start3A_339, %dma_start3A_340, %dma_start3A_341] : memref<4x64x128xf32, #tpu.memory_space<vmem>> -> memref<1x64x128xf32, #tpu.memory_space<vmem>>
        %dma_start3A_343 = tpu.memref_squeeze %dma_start3A_342 : memref<1x64x128xf32, #tpu.memory_space<vmem>> -> memref<64x128xf32, #tpu.memory_space<vmem>>
        %dma_start3A_344 = arith.constant 0 : i32
        %dma_start3A_345 = tpu.memref_slice %arg7[%add3A_338, %dma_start3A_344] : memref<40x64xi32, #tpu.memory_space<vmem>> -> memref<1x64xi32, #tpu.memory_space<vmem>>
        %dma_start3A_346 = tpu.memref_squeeze %dma_start3A_345 : memref<1x64xi32, #tpu.memory_space<vmem>> -> memref<64xi32, #tpu.memory_space<vmem>>
        %dma_start3A_347 = arith.constant 0 : i32
        %dma_start3A_348 = arith.constant 0 : i32
        %dma_start3A_349 = tpu.memref_slice %arg2[%dma_start3A_347, %dma_start3A_348] : memref<10000x128xf32, #tpu.memory_space<hbm>> -> memref<10000x128xf32, #tpu.memory_space<hbm>>
        tpu.enqueue_indirect_dma source(%dma_start3A_349 : memref<10000x128xf32, #tpu.memory_space<hbm>>) target(%dma_start3A_343 : memref<64x128xf32, #tpu.memory_space<vmem>>) offsets(%dma_start3A_346 : memref<64xi32, #tpu.memory_space<vmem>>) semaphore(%arg11 : memref<!tpu.dma_semaphore, #tpu.memory_space<semaphore_mem>>)
      } else {
      }
      %add3A_274 = arith.constant 1 : i32
      %add3A_275 = arith.addi %mul3A_254, %add3A_274 : i32
      %dma_wait3A_276 = arith.constant 1 : i32
      %dma_wait3A_277 = arith.constant 0 : i32
      %dma_wait3A_278 = arith.constant 0 : i32
      %dma_wait3A_279 = tpu.memref_slice %arg9[%dma_wait3A_276, %dma_wait3A_277, %dma_wait3A_278] : memref<4x64x128xf32, #tpu.memory_space<vmem>> -> memref<1x64x128xf32, #tpu.memory_space<vmem>>
      %dma_wait3A_280 = tpu.memref_squeeze %dma_wait3A_279 : memref<1x64x128xf32, #tpu.memory_space<vmem>> -> memref<64x128xf32, #tpu.memory_space<vmem>>
      %dma_wait3A_281 = arith.constant 0 : i32
      %dma_wait3A_282 = tpu.memref_slice %arg7[%add3A_275, %dma_wait3A_281] : memref<40x64xi32, #tpu.memory_space<vmem>> -> memref<1x64xi32, #tpu.memory_space<vmem>>
      %dma_wait3A_283 = tpu.memref_squeeze %dma_wait3A_282 : memref<1x64xi32, #tpu.memory_space<vmem>> -> memref<64xi32, #tpu.memory_space<vmem>>
      %dma_wait3A_284 = arith.constant 0 : i32
      %dma_wait3A_285 = arith.constant 0 : i32
      %dma_wait3A_286 = tpu.memref_slice %arg2[%dma_wait3A_284, %dma_wait3A_285] : memref<10000x128xf32, #tpu.memory_space<hbm>> -> memref<10000x128xf32, #tpu.memory_space<hbm>>
      tpu.wait_indirect_dma semaphore(%arg12 : memref<!tpu.dma_semaphore, #tpu.memory_space<semaphore_mem>>) src(%dma_wait3A_286 : memref<10000x128xf32, #tpu.memory_space<hbm>>) dst(%dma_wait3A_280 : memref<64x128xf32, #tpu.memory_space<vmem>>)
      %run_scoped3A_287 = arith.constant 1 : i32
      "tpu.region"() ({
        %run_scoped3A_337 = tpu.sem_alloc : memref<!tpu.dma_semaphore, #tpu.memory_space<semaphore_mem>>
        %dma_start3A_338 = arith.constant 0 : i32
        %dma_start3A_339 = arith.constant 0 : i32
        %dma_start3A_340 = tpu.memref_slice %arg9[%run_scoped3A_287, %dma_start3A_338, %dma_start3A_339] : memref<4x64x128xf32, #tpu.memory_space<vmem>> -> memref<1x64x128xf32, #tpu.memory_space<vmem>>
        %dma_start3A_341 = tpu.memref_squeeze %dma_start3A_340 : memref<1x64x128xf32, #tpu.memory_space<vmem>> -> memref<64x128xf32, #tpu.memory_space<vmem>>
        %dma_start3A_342 = arith.constant 0 : i32
        %dma_start3A_343 = tpu.memref_slice %arg8[%add3A_275, %dma_start3A_342] : memref<40x64xi32, #tpu.memory_space<vmem>> -> memref<1x64xi32, #tpu.memory_space<vmem>>
        %dma_start3A_344 = tpu.memref_squeeze %dma_start3A_343 : memref<1x64xi32, #tpu.memory_space<vmem>> -> memref<64xi32, #tpu.memory_space<vmem>>
        %dma_start3A_345 = arith.constant 0 : i32
        %dma_start3A_346 = arith.constant 0 : i32
        %dma_start3A_347 = tpu.memref_slice %arg10[%dma_start3A_345, %dma_start3A_346] : memref<10112x128xf32, #tpu.memory_space<vmem_shared>> -> memref<10112x128xf32, #tpu.memory_space<vmem_shared>>
        tpu.enqueue_indirect_dma source(%dma_start3A_341 : memref<64x128xf32, #tpu.memory_space<vmem>>) target(%dma_start3A_347 : memref<10112x128xf32, #tpu.memory_space<vmem_shared>>) offsets(%dma_start3A_344 : memref<64xi32, #tpu.memory_space<vmem>>) semaphore(%run_scoped3A_337 : memref<!tpu.dma_semaphore, #tpu.memory_space<semaphore_mem>>) {add = true}
        %dma_wait3A_348 = arith.constant 0 : i32
        %dma_wait3A_349 = arith.constant 0 : i32
        %dma_wait3A_350 = tpu.memref_slice %arg9[%run_scoped3A_287, %dma_wait3A_348, %dma_wait3A_349] : memref<4x64x128xf32, #tpu.memory_space<vmem>> -> memref<1x64x128xf32, #tpu.memory_space<vmem>>
        %dma_wait3A_351 = tpu.memref_squeeze %dma_wait3A_350 : memref<1x64x128xf32, #tpu.memory_space<vmem>> -> memref<64x128xf32, #tpu.memory_space<vmem>>
        %dma_wait3A_352 = arith.constant 0 : i32
        %dma_wait3A_353 = tpu.memref_slice %arg8[%add3A_275, %dma_wait3A_352] : memref<40x64xi32, #tpu.memory_space<vmem>> -> memref<1x64xi32, #tpu.memory_space<vmem>>
        %dma_wait3A_354 = tpu.memref_squeeze %dma_wait3A_353 : memref<1x64xi32, #tpu.memory_space<vmem>> -> memref<64xi32, #tpu.memory_space<vmem>>
        %dma_wait3A_355 = arith.constant 0 : i32
        %dma_wait3A_356 = arith.constant 0 : i32
        %dma_wait3A_357 = tpu.memref_slice %arg10[%dma_wait3A_355, %dma_wait3A_356] : memref<10112x128xf32, #tpu.memory_space<vmem_shared>> -> memref<10112x128xf32, #tpu.memory_space<vmem_shared>>
        tpu.wait_indirect_dma semaphore(%run_scoped3A_337 : memref<!tpu.dma_semaphore, #tpu.memory_space<semaphore_mem>>) src(%dma_wait3A_351 : memref<64x128xf32, #tpu.memory_space<vmem>>) dst(%dma_wait3A_357 : memref<10112x128xf32, #tpu.memory_space<vmem_shared>>)
        tpu.yield
      }) : () -> ()
      %add3A_288 = arith.constant 4 : i32
      %add3A_289 = arith.addi %add3A_275, %add3A_288 : i32
      %lt3A_290 = arith.constant 40 : i32
      %lt3A_291 = arith.cmpi slt, %add3A_289, %lt3A_290 : i32
      %convert_element_type3A_292 = arith.extui %lt3A_291 : i1 to i32
      %cond3A_293 = arith.constant 0 : i32
      %cond3A_294 = arith.cmpi ne, %convert_element_type3A_292, %cond3A_293 : i32
      scf.if %cond3A_294 {
        %add3A_337 = arith.constant 4 : i32
        %add3A_338 = arith.addi %add3A_275, %add3A_337 : i32
        %dma_start3A_339 = arith.constant 1 : i32
        %dma_start3A_340 = arith.constant 0 : i32
        %dma_start3A_341 = arith.constant 0 : i32
        %dma_start3A_342 = tpu.memref_slice %arg9[%dma_start3A_339, %dma_start3A_340, %dma_start3A_341] : memref<4x64x128xf32, #tpu.memory_space<vmem>> -> memref<1x64x128xf32, #tpu.memory_space<vmem>>
        %dma_start3A_343 = tpu.memref_squeeze %dma_start3A_342 : memref<1x64x128xf32, #tpu.memory_space<vmem>> -> memref<64x128xf32, #tpu.memory_space<vmem>>
        %dma_start3A_344 = arith.constant 0 : i32
        %dma_start3A_345 = tpu.memref_slice %arg7[%add3A_338, %dma_start3A_344] : memref<40x64xi32, #tpu.memory_space<vmem>> -> memref<1x64xi32, #tpu.memory_space<vmem>>
        %dma_start3A_346 = tpu.memref_squeeze %dma_start3A_345 : memref<1x64xi32, #tpu.memory_space<vmem>> -> memref<64xi32, #tpu.memory_space<vmem>>
        %dma_start3A_347 = arith.constant 0 : i32
        %dma_start3A_348 = arith.constant 0 : i32
        %dma_start3A_349 = tpu.memref_slice %arg2[%dma_start3A_347, %dma_start3A_348] : memref<10000x128xf32, #tpu.memory_space<hbm>> -> memref<10000x128xf32, #tpu.memory_space<hbm>>
        tpu.enqueue_indirect_dma source(%dma_start3A_349 : memref<10000x128xf32, #tpu.memory_space<hbm>>) target(%dma_start3A_343 : memref<64x128xf32, #tpu.memory_space<vmem>>) offsets(%dma_start3A_346 : memref<64xi32, #tpu.memory_space<vmem>>) semaphore(%arg12 : memref<!tpu.dma_semaphore, #tpu.memory_space<semaphore_mem>>)
      } else {
      }
      %add3A_295 = arith.constant 2 : i32
      %add3A_296 = arith.addi %mul3A_254, %add3A_295 : i32
      %dma_wait3A_297 = arith.constant 2 : i32
      %dma_wait3A_298 = arith.constant 0 : i32
      %dma_wait3A_299 = arith.constant 0 : i32
      %dma_wait3A_300 = tpu.memref_slice %arg9[%dma_wait3A_297, %dma_wait3A_298, %dma_wait3A_299] : memref<4x64x128xf32, #tpu.memory_space<vmem>> -> memref<1x64x128xf32, #tpu.memory_space<vmem>>
      %dma_wait3A_301 = tpu.memref_squeeze %dma_wait3A_300 : memref<1x64x128xf32, #tpu.memory_space<vmem>> -> memref<64x128xf32, #tpu.memory_space<vmem>>
      %dma_wait3A_302 = arith.constant 0 : i32
      %dma_wait3A_303 = tpu.memref_slice %arg7[%add3A_296, %dma_wait3A_302] : memref<40x64xi32, #tpu.memory_space<vmem>> -> memref<1x64xi32, #tpu.memory_space<vmem>>
      %dma_wait3A_304 = tpu.memref_squeeze %dma_wait3A_303 : memref<1x64xi32, #tpu.memory_space<vmem>> -> memref<64xi32, #tpu.memory_space<vmem>>
      %dma_wait3A_305 = arith.constant 0 : i32
      %dma_wait3A_306 = arith.constant 0 : i32
      %dma_wait3A_307 = tpu.memref_slice %arg2[%dma_wait3A_305, %dma_wait3A_306] : memref<10000x128xf32, #tpu.memory_space<hbm>> -> memref<10000x128xf32, #tpu.memory_space<hbm>>
      tpu.wait_indirect_dma semaphore(%arg13 : memref<!tpu.dma_semaphore, #tpu.memory_space<semaphore_mem>>) src(%dma_wait3A_307 : memref<10000x128xf32, #tpu.memory_space<hbm>>) dst(%dma_wait3A_301 : memref<64x128xf32, #tpu.memory_space<vmem>>)
      %run_scoped3A_308 = arith.constant 2 : i32
      "tpu.region"() ({
        %run_scoped3A_337 = tpu.sem_alloc : memref<!tpu.dma_semaphore, #tpu.memory_space<semaphore_mem>>
        %dma_start3A_338 = arith.constant 0 : i32
        %dma_start3A_339 = arith.constant 0 : i32
        %dma_start3A_340 = tpu.memref_slice %arg9[%run_scoped3A_308, %dma_start3A_338, %dma_start3A_339] : memref<4x64x128xf32, #tpu.memory_space<vmem>> -> memref<1x64x128xf32, #tpu.memory_space<vmem>>
        %dma_start3A_341 = tpu.memref_squeeze %dma_start3A_340 : memref<1x64x128xf32, #tpu.memory_space<vmem>> -> memref<64x128xf32, #tpu.memory_space<vmem>>
        %dma_start3A_342 = arith.constant 0 : i32
        %dma_start3A_343 = tpu.memref_slice %arg8[%add3A_296, %dma_start3A_342] : memref<40x64xi32, #tpu.memory_space<vmem>> -> memref<1x64xi32, #tpu.memory_space<vmem>>
        %dma_start3A_344 = tpu.memref_squeeze %dma_start3A_343 : memref<1x64xi32, #tpu.memory_space<vmem>> -> memref<64xi32, #tpu.memory_space<vmem>>
        %dma_start3A_345 = arith.constant 0 : i32
        %dma_start3A_346 = arith.constant 0 : i32
        %dma_start3A_347 = tpu.memref_slice %arg10[%dma_start3A_345, %dma_start3A_346] : memref<10112x128xf32, #tpu.memory_space<vmem_shared>> -> memref<10112x128xf32, #tpu.memory_space<vmem_shared>>
        tpu.enqueue_indirect_dma source(%dma_start3A_341 : memref<64x128xf32, #tpu.memory_space<vmem>>) target(%dma_start3A_347 : memref<10112x128xf32, #tpu.memory_space<vmem_shared>>) offsets(%dma_start3A_344 : memref<64xi32, #tpu.memory_space<vmem>>) semaphore(%run_scoped3A_337 : memref<!tpu.dma_semaphore, #tpu.memory_space<semaphore_mem>>) {add = true}
        %dma_wait3A_348 = arith.constant 0 : i32
        %dma_wait3A_349 = arith.constant 0 : i32
        %dma_wait3A_350 = tpu.memref_slice %arg9[%run_scoped3A_308, %dma_wait3A_348, %dma_wait3A_349] : memref<4x64x128xf32, #tpu.memory_space<vmem>> -> memref<1x64x128xf32, #tpu.memory_space<vmem>>
        %dma_wait3A_351 = tpu.memref_squeeze %dma_wait3A_350 : memref<1x64x128xf32, #tpu.memory_space<vmem>> -> memref<64x128xf32, #tpu.memory_space<vmem>>
        %dma_wait3A_352 = arith.constant 0 : i32
        %dma_wait3A_353 = tpu.memref_slice %arg8[%add3A_296, %dma_wait3A_352] : memref<40x64xi32, #tpu.memory_space<vmem>> -> memref<1x64xi32, #tpu.memory_space<vmem>>
        %dma_wait3A_354 = tpu.memref_squeeze %dma_wait3A_353 : memref<1x64xi32, #tpu.memory_space<vmem>> -> memref<64xi32, #tpu.memory_space<vmem>>
        %dma_wait3A_355 = arith.constant 0 : i32
        %dma_wait3A_356 = arith.constant 0 : i32
        %dma_wait3A_357 = tpu.memref_slice %arg10[%dma_wait3A_355, %dma_wait3A_356] : memref<10112x128xf32, #tpu.memory_space<vmem_shared>> -> memref<10112x128xf32, #tpu.memory_space<vmem_shared>>
        tpu.wait_indirect_dma semaphore(%run_scoped3A_337 : memref<!tpu.dma_semaphore, #tpu.memory_space<semaphore_mem>>) src(%dma_wait3A_351 : memref<64x128xf32, #tpu.memory_space<vmem>>) dst(%dma_wait3A_357 : memref<10112x128xf32, #tpu.memory_space<vmem_shared>>)
        tpu.yield
      }) : () -> ()
      %add3A_309 = arith.constant 4 : i32
      %add3A_310 = arith.addi %add3A_296, %add3A_309 : i32
      %lt3A_311 = arith.constant 40 : i32
      %lt3A_312 = arith.cmpi slt, %add3A_310, %lt3A_311 : i32
      %convert_element_type3A_313 = arith.extui %lt3A_312 : i1 to i32
      %cond3A_314 = arith.constant 0 : i32
      %cond3A_315 = arith.cmpi ne, %convert_element_type3A_313, %cond3A_314 : i32
      scf.if %cond3A_315 {
        %add3A_337 = arith.constant 4 : i32
        %add3A_338 = arith.addi %add3A_296, %add3A_337 : i32
        %dma_start3A_339 = arith.constant 2 : i32
        %dma_start3A_340 = arith.constant 0 : i32
        %dma_start3A_341 = arith.constant 0 : i32
        %dma_start3A_342 = tpu.memref_slice %arg9[%dma_start3A_339, %dma_start3A_340, %dma_start3A_341] : memref<4x64x128xf32, #tpu.memory_space<vmem>> -> memref<1x64x128xf32, #tpu.memory_space<vmem>>
        %dma_start3A_343 = tpu.memref_squeeze %dma_start3A_342 : memref<1x64x128xf32, #tpu.memory_space<vmem>> -> memref<64x128xf32, #tpu.memory_space<vmem>>
        %dma_start3A_344 = arith.constant 0 : i32
        %dma_start3A_345 = tpu.memref_slice %arg7[%add3A_338, %dma_start3A_344] : memref<40x64xi32, #tpu.memory_space<vmem>> -> memref<1x64xi32, #tpu.memory_space<vmem>>
        %dma_start3A_346 = tpu.memref_squeeze %dma_start3A_345 : memref<1x64xi32, #tpu.memory_space<vmem>> -> memref<64xi32, #tpu.memory_space<vmem>>
        %dma_start3A_347 = arith.constant 0 : i32
        %dma_start3A_348 = arith.constant 0 : i32
        %dma_start3A_349 = tpu.memref_slice %arg2[%dma_start3A_347, %dma_start3A_348] : memref<10000x128xf32, #tpu.memory_space<hbm>> -> memref<10000x128xf32, #tpu.memory_space<hbm>>
        tpu.enqueue_indirect_dma source(%dma_start3A_349 : memref<10000x128xf32, #tpu.memory_space<hbm>>) target(%dma_start3A_343 : memref<64x128xf32, #tpu.memory_space<vmem>>) offsets(%dma_start3A_346 : memref<64xi32, #tpu.memory_space<vmem>>) semaphore(%arg13 : memref<!tpu.dma_semaphore, #tpu.memory_space<semaphore_mem>>)
      } else {
      }
      %add3A_316 = arith.constant 3 : i32
      %add3A_317 = arith.addi %mul3A_254, %add3A_316 : i32
      %dma_wait3A_318 = arith.constant 3 : i32
      %dma_wait3A_319 = arith.constant 0 : i32
      %dma_wait3A_320 = arith.constant 0 : i32
      %dma_wait3A_321 = tpu.memref_slice %arg9[%dma_wait3A_318, %dma_wait3A_319, %dma_wait3A_320] : memref<4x64x128xf32, #tpu.memory_space<vmem>> -> memref<1x64x128xf32, #tpu.memory_space<vmem>>
      %dma_wait3A_322 = tpu.memref_squeeze %dma_wait3A_321 : memref<1x64x128xf32, #tpu.memory_space<vmem>> -> memref<64x128xf32, #tpu.memory_space<vmem>>
      %dma_wait3A_323 = arith.constant 0 : i32
      %dma_wait3A_324 = tpu.memref_slice %arg7[%add3A_317, %dma_wait3A_323] : memref<40x64xi32, #tpu.memory_space<vmem>> -> memref<1x64xi32, #tpu.memory_space<vmem>>
      %dma_wait3A_325 = tpu.memref_squeeze %dma_wait3A_324 : memref<1x64xi32, #tpu.memory_space<vmem>> -> memref<64xi32, #tpu.memory_space<vmem>>
      %dma_wait3A_326 = arith.constant 0 : i32
      %dma_wait3A_327 = arith.constant 0 : i32
      %dma_wait3A_328 = tpu.memref_slice %arg2[%dma_wait3A_326, %dma_wait3A_327] : memref<10000x128xf32, #tpu.memory_space<hbm>> -> memref<10000x128xf32, #tpu.memory_space<hbm>>
      tpu.wait_indirect_dma semaphore(%arg14 : memref<!tpu.dma_semaphore, #tpu.memory_space<semaphore_mem>>) src(%dma_wait3A_328 : memref<10000x128xf32, #tpu.memory_space<hbm>>) dst(%dma_wait3A_322 : memref<64x128xf32, #tpu.memory_space<vmem>>)
      %run_scoped3A_329 = arith.constant 3 : i32
      "tpu.region"() ({
        %run_scoped3A_337 = tpu.sem_alloc : memref<!tpu.dma_semaphore, #tpu.memory_space<semaphore_mem>>
        %dma_start3A_338 = arith.constant 0 : i32
        %dma_start3A_339 = arith.constant 0 : i32
        %dma_start3A_340 = tpu.memref_slice %arg9[%run_scoped3A_329, %dma_start3A_338, %dma_start3A_339] : memref<4x64x128xf32, #tpu.memory_space<vmem>> -> memref<1x64x128xf32, #tpu.memory_space<vmem>>
        %dma_start3A_341 = tpu.memref_squeeze %dma_start3A_340 : memref<1x64x128xf32, #tpu.memory_space<vmem>> -> memref<64x128xf32, #tpu.memory_space<vmem>>
        %dma_start3A_342 = arith.constant 0 : i32
        %dma_start3A_343 = tpu.memref_slice %arg8[%add3A_317, %dma_start3A_342] : memref<40x64xi32, #tpu.memory_space<vmem>> -> memref<1x64xi32, #tpu.memory_space<vmem>>
        %dma_start3A_344 = tpu.memref_squeeze %dma_start3A_343 : memref<1x64xi32, #tpu.memory_space<vmem>> -> memref<64xi32, #tpu.memory_space<vmem>>
        %dma_start3A_345 = arith.constant 0 : i32
        %dma_start3A_346 = arith.constant 0 : i32
        %dma_start3A_347 = tpu.memref_slice %arg10[%dma_start3A_345, %dma_start3A_346] : memref<10112x128xf32, #tpu.memory_space<vmem_shared>> -> memref<10112x128xf32, #tpu.memory_space<vmem_shared>>
        tpu.enqueue_indirect_dma source(%dma_start3A_341 : memref<64x128xf32, #tpu.memory_space<vmem>>) target(%dma_start3A_347 : memref<10112x128xf32, #tpu.memory_space<vmem_shared>>) offsets(%dma_start3A_344 : memref<64xi32, #tpu.memory_space<vmem>>) semaphore(%run_scoped3A_337 : memref<!tpu.dma_semaphore, #tpu.memory_space<semaphore_mem>>) {add = true}
        %dma_wait3A_348 = arith.constant 0 : i32
        %dma_wait3A_349 = arith.constant 0 : i32
        %dma_wait3A_350 = tpu.memref_slice %arg9[%run_scoped3A_329, %dma_wait3A_348, %dma_wait3A_349] : memref<4x64x128xf32, #tpu.memory_space<vmem>> -> memref<1x64x128xf32, #tpu.memory_space<vmem>>
        %dma_wait3A_351 = tpu.memref_squeeze %dma_wait3A_350 : memref<1x64x128xf32, #tpu.memory_space<vmem>> -> memref<64x128xf32, #tpu.memory_space<vmem>>
        %dma_wait3A_352 = arith.constant 0 : i32
        %dma_wait3A_353 = tpu.memref_slice %arg8[%add3A_317, %dma_wait3A_352] : memref<40x64xi32, #tpu.memory_space<vmem>> -> memref<1x64xi32, #tpu.memory_space<vmem>>
        %dma_wait3A_354 = tpu.memref_squeeze %dma_wait3A_353 : memref<1x64xi32, #tpu.memory_space<vmem>> -> memref<64xi32, #tpu.memory_space<vmem>>
        %dma_wait3A_355 = arith.constant 0 : i32
        %dma_wait3A_356 = arith.constant 0 : i32
        %dma_wait3A_357 = tpu.memref_slice %arg10[%dma_wait3A_355, %dma_wait3A_356] : memref<10112x128xf32, #tpu.memory_space<vmem_shared>> -> memref<10112x128xf32, #tpu.memory_space<vmem_shared>>
        tpu.wait_indirect_dma semaphore(%run_scoped3A_337 : memref<!tpu.dma_semaphore, #tpu.memory_space<semaphore_mem>>) src(%dma_wait3A_351 : memref<64x128xf32, #tpu.memory_space<vmem>>) dst(%dma_wait3A_357 : memref<10112x128xf32, #tpu.memory_space<vmem_shared>>)
        tpu.yield
      }) : () -> ()
      %add3A_330 = arith.constant 4 : i32
      %add3A_331 = arith.addi %add3A_317, %add3A_330 : i32
      %lt3A_332 = arith.constant 40 : i32
      %lt3A_333 = arith.cmpi slt, %add3A_331, %lt3A_332 : i32
      %convert_element_type3A_334 = arith.extui %lt3A_333 : i1 to i32
      %cond3A_335 = arith.constant 0 : i32
      %cond3A_336 = arith.cmpi ne, %convert_element_type3A_334, %cond3A_335 : i32
      scf.if %cond3A_336 {
        %add3A_337 = arith.constant 4 : i32
        %add3A_338 = arith.addi %add3A_317, %add3A_337 : i32
        %dma_start3A_339 = arith.constant 3 : i32
        %dma_start3A_340 = arith.constant 0 : i32
        %dma_start3A_341 = arith.constant 0 : i32
        %dma_start3A_342 = tpu.memref_slice %arg9[%dma_start3A_339, %dma_start3A_340, %dma_start3A_341] : memref<4x64x128xf32, #tpu.memory_space<vmem>> -> memref<1x64x128xf32, #tpu.memory_space<vmem>>
        %dma_start3A_343 = tpu.memref_squeeze %dma_start3A_342 : memref<1x64x128xf32, #tpu.memory_space<vmem>> -> memref<64x128xf32, #tpu.memory_space<vmem>>
        %dma_start3A_344 = arith.constant 0 : i32
        %dma_start3A_345 = tpu.memref_slice %arg7[%add3A_338, %dma_start3A_344] : memref<40x64xi32, #tpu.memory_space<vmem>> -> memref<1x64xi32, #tpu.memory_space<vmem>>
        %dma_start3A_346 = tpu.memref_squeeze %dma_start3A_345 : memref<1x64xi32, #tpu.memory_space<vmem>> -> memref<64xi32, #tpu.memory_space<vmem>>
        %dma_start3A_347 = arith.constant 0 : i32
        %dma_start3A_348 = arith.constant 0 : i32
        %dma_start3A_349 = tpu.memref_slice %arg2[%dma_start3A_347, %dma_start3A_348] : memref<10000x128xf32, #tpu.memory_space<hbm>> -> memref<10000x128xf32, #tpu.memory_space<hbm>>
        tpu.enqueue_indirect_dma source(%dma_start3A_349 : memref<10000x128xf32, #tpu.memory_space<hbm>>) target(%dma_start3A_343 : memref<64x128xf32, #tpu.memory_space<vmem>>) offsets(%dma_start3A_346 : memref<64xi32, #tpu.memory_space<vmem>>) semaphore(%arg14 : memref<!tpu.dma_semaphore, #tpu.memory_space<semaphore_mem>>)
      } else {
      }
    }
    %scan3A_84 = arith.constant 10 : i32
    "tpu.region"() ({
      %run_scoped3A_252 = tpu.sem_alloc : memref<!tpu.dma_semaphore, #tpu.memory_space<semaphore_mem>>
      %dma_start3A_253 = arith.constant 40 : i32
      %dma_start3A_254 = arith.constant 0 : i32
      %dma_start3A_255 = tpu.memref_slice %arg3[%add3A, %dma_start3A_253, %dma_start3A_254] : memref<32x160x64xi32, #tpu.memory_space<hbm>> -> memref<1x40x64xi32, #tpu.memory_space<hbm>>
      %dma_start3A_256 = tpu.memref_squeeze %dma_start3A_255 : memref<1x40x64xi32, #tpu.memory_space<hbm>> -> memref<40x64xi32, #tpu.memory_space<hbm>>
      %dma_start3A_257 = arith.constant 40 : i32
      %dma_start3A_258 = arith.constant 0 : i32
      %dma_start3A_259 = tpu.memref_slice %arg3[%add3A, %dma_start3A_257, %dma_start3A_258] : memref<32x160x64xi32, #tpu.memory_space<hbm>> -> memref<1x40x64xi32, #tpu.memory_space<hbm>>
      %dma_start3A_260 = tpu.memref_squeeze %dma_start3A_259 : memref<1x40x64xi32, #tpu.memory_space<hbm>> -> memref<40x64xi32, #tpu.memory_space<hbm>>
      tpu.enqueue_dma source(%dma_start3A_260 : memref<40x64xi32, #tpu.memory_space<hbm>>) target(%arg7 : memref<40x64xi32, #tpu.memory_space<vmem>>) target_semaphore(%run_scoped3A_252 : memref<!tpu.dma_semaphore, #tpu.memory_space<semaphore_mem>>)
      %dma_wait3A = arith.constant 40 : i32
      %dma_wait3A_261 = arith.constant 0 : i32
      %dma_wait3A_262 = tpu.memref_slice %arg3[%add3A, %dma_wait3A, %dma_wait3A_261] : memref<32x160x64xi32, #tpu.memory_space<hbm>> -> memref<1x40x64xi32, #tpu.memory_space<hbm>>
      %dma_wait3A_263 = tpu.memref_squeeze %dma_wait3A_262 : memref<1x40x64xi32, #tpu.memory_space<hbm>> -> memref<40x64xi32, #tpu.memory_space<hbm>>
      %dma_wait3A_264 = arith.constant 40 : i32
      %dma_wait3A_265 = arith.constant 0 : i32
      %dma_wait3A_266 = tpu.memref_slice %arg3[%add3A, %dma_wait3A_264, %dma_wait3A_265] : memref<32x160x64xi32, #tpu.memory_space<hbm>> -> memref<1x40x64xi32, #tpu.memory_space<hbm>>
      %dma_wait3A_267 = tpu.memref_squeeze %dma_wait3A_266 : memref<1x40x64xi32, #tpu.memory_space<hbm>> -> memref<40x64xi32, #tpu.memory_space<hbm>>
      tpu.wait_dma2 semaphore(%run_scoped3A_252 : memref<!tpu.dma_semaphore, #tpu.memory_space<semaphore_mem>>) src(%dma_wait3A_267 : memref<40x64xi32, #tpu.memory_space<hbm>>) dst(%arg7 : memref<40x64xi32, #tpu.memory_space<vmem>>)
      tpu.yield
    }) : () -> ()
    "tpu.region"() ({
      %run_scoped3A_252 = tpu.sem_alloc : memref<!tpu.dma_semaphore, #tpu.memory_space<semaphore_mem>>
      %dma_start3A_253 = arith.constant 40 : i32
      %dma_start3A_254 = arith.constant 0 : i32
      %dma_start3A_255 = tpu.memref_slice %arg4[%add3A, %dma_start3A_253, %dma_start3A_254] : memref<32x160x64xi32, #tpu.memory_space<hbm>> -> memref<1x40x64xi32, #tpu.memory_space<hbm>>
      %dma_start3A_256 = tpu.memref_squeeze %dma_start3A_255 : memref<1x40x64xi32, #tpu.memory_space<hbm>> -> memref<40x64xi32, #tpu.memory_space<hbm>>
      %dma_start3A_257 = arith.constant 40 : i32
      %dma_start3A_258 = arith.constant 0 : i32
      %dma_start3A_259 = tpu.memref_slice %arg4[%add3A, %dma_start3A_257, %dma_start3A_258] : memref<32x160x64xi32, #tpu.memory_space<hbm>> -> memref<1x40x64xi32, #tpu.memory_space<hbm>>
      %dma_start3A_260 = tpu.memref_squeeze %dma_start3A_259 : memref<1x40x64xi32, #tpu.memory_space<hbm>> -> memref<40x64xi32, #tpu.memory_space<hbm>>
      tpu.enqueue_dma source(%dma_start3A_260 : memref<40x64xi32, #tpu.memory_space<hbm>>) target(%arg8 : memref<40x64xi32, #tpu.memory_space<vmem>>) target_semaphore(%run_scoped3A_252 : memref<!tpu.dma_semaphore, #tpu.memory_space<semaphore_mem>>)
      %dma_wait3A = arith.constant 40 : i32
      %dma_wait3A_261 = arith.constant 0 : i32
      %dma_wait3A_262 = tpu.memref_slice %arg4[%add3A, %dma_wait3A, %dma_wait3A_261] : memref<32x160x64xi32, #tpu.memory_space<hbm>> -> memref<1x40x64xi32, #tpu.memory_space<hbm>>
      %dma_wait3A_263 = tpu.memref_squeeze %dma_wait3A_262 : memref<1x40x64xi32, #tpu.memory_space<hbm>> -> memref<40x64xi32, #tpu.memory_space<hbm>>
      %dma_wait3A_264 = arith.constant 40 : i32
      %dma_wait3A_265 = arith.constant 0 : i32
      %dma_wait3A_266 = tpu.memref_slice %arg4[%add3A, %dma_wait3A_264, %dma_wait3A_265] : memref<32x160x64xi32, #tpu.memory_space<hbm>> -> memref<1x40x64xi32, #tpu.memory_space<hbm>>
      %dma_wait3A_267 = tpu.memref_squeeze %dma_wait3A_266 : memref<1x40x64xi32, #tpu.memory_space<hbm>> -> memref<40x64xi32, #tpu.memory_space<hbm>>
      tpu.wait_dma2 semaphore(%run_scoped3A_252 : memref<!tpu.dma_semaphore, #tpu.memory_space<semaphore_mem>>) src(%dma_wait3A_267 : memref<40x64xi32, #tpu.memory_space<hbm>>) dst(%arg8 : memref<40x64xi32, #tpu.memory_space<vmem>>)
      tpu.yield
    }) : () -> ()
    %dma_start3A_85 = arith.constant 0 : i32
    %dma_start3A_86 = arith.constant 0 : i32
    %dma_start3A_87 = arith.constant 0 : i32
    %dma_start3A_88 = arith.constant 0 : i32
    %dma_start3A_89 = tpu.memref_slice %arg9[%dma_start3A_86, %dma_start3A_87, %dma_start3A_88] : memref<4x64x128xf32, #tpu.memory_space<vmem>> -> memref<1x64x128xf32, #tpu.memory_space<vmem>>
    %dma_start3A_90 = tpu.memref_squeeze %dma_start3A_89 : memref<1x64x128xf32, #tpu.memory_space<vmem>> -> memref<64x128xf32, #tpu.memory_space<vmem>>
    %dma_start3A_91 = arith.constant 0 : i32
    %dma_start3A_92 = tpu.memref_slice %arg7[%dma_start3A_85, %dma_start3A_91] : memref<40x64xi32, #tpu.memory_space<vmem>> -> memref<1x64xi32, #tpu.memory_space<vmem>>
    %dma_start3A_93 = tpu.memref_squeeze %dma_start3A_92 : memref<1x64xi32, #tpu.memory_space<vmem>> -> memref<64xi32, #tpu.memory_space<vmem>>
    %dma_start3A_94 = arith.constant 0 : i32
    %dma_start3A_95 = arith.constant 0 : i32
    %dma_start3A_96 = tpu.memref_slice %arg2[%dma_start3A_94, %dma_start3A_95] : memref<10000x128xf32, #tpu.memory_space<hbm>> -> memref<10000x128xf32, #tpu.memory_space<hbm>>
    tpu.enqueue_indirect_dma source(%dma_start3A_96 : memref<10000x128xf32, #tpu.memory_space<hbm>>) target(%dma_start3A_90 : memref<64x128xf32, #tpu.memory_space<vmem>>) offsets(%dma_start3A_93 : memref<64xi32, #tpu.memory_space<vmem>>) semaphore(%arg11 : memref<!tpu.dma_semaphore, #tpu.memory_space<semaphore_mem>>)
    %dma_start3A_97 = arith.constant 1 : i32
    %dma_start3A_98 = arith.constant 1 : i32
    %dma_start3A_99 = arith.constant 0 : i32
    %dma_start3A_100 = arith.constant 0 : i32
    %dma_start3A_101 = tpu.memref_slice %arg9[%dma_start3A_98, %dma_start3A_99, %dma_start3A_100] : memref<4x64x128xf32, #tpu.memory_space<vmem>> -> memref<1x64x128xf32, #tpu.memory_space<vmem>>
    %dma_start3A_102 = tpu.memref_squeeze %dma_start3A_101 : memref<1x64x128xf32, #tpu.memory_space<vmem>> -> memref<64x128xf32, #tpu.memory_space<vmem>>
    %dma_start3A_103 = arith.constant 0 : i32
    %dma_start3A_104 = tpu.memref_slice %arg7[%dma_start3A_97, %dma_start3A_103] : memref<40x64xi32, #tpu.memory_space<vmem>> -> memref<1x64xi32, #tpu.memory_space<vmem>>
    %dma_start3A_105 = tpu.memref_squeeze %dma_start3A_104 : memref<1x64xi32, #tpu.memory_space<vmem>> -> memref<64xi32, #tpu.memory_space<vmem>>
    %dma_start3A_106 = arith.constant 0 : i32
    %dma_start3A_107 = arith.constant 0 : i32
    %dma_start3A_108 = tpu.memref_slice %arg2[%dma_start3A_106, %dma_start3A_107] : memref<10000x128xf32, #tpu.memory_space<hbm>> -> memref<10000x128xf32, #tpu.memory_space<hbm>>
    tpu.enqueue_indirect_dma source(%dma_start3A_108 : memref<10000x128xf32, #tpu.memory_space<hbm>>) target(%dma_start3A_102 : memref<64x128xf32, #tpu.memory_space<vmem>>) offsets(%dma_start3A_105 : memref<64xi32, #tpu.memory_space<vmem>>) semaphore(%arg12 : memref<!tpu.dma_semaphore, #tpu.memory_space<semaphore_mem>>)
    %dma_start3A_109 = arith.constant 2 : i32
    %dma_start3A_110 = arith.constant 2 : i32
    %dma_start3A_111 = arith.constant 0 : i32
    %dma_start3A_112 = arith.constant 0 : i32
    %dma_start3A_113 = tpu.memref_slice %arg9[%dma_start3A_110, %dma_start3A_111, %dma_start3A_112] : memref<4x64x128xf32, #tpu.memory_space<vmem>> -> memref<1x64x128xf32, #tpu.memory_space<vmem>>
    %dma_start3A_114 = tpu.memref_squeeze %dma_start3A_113 : memref<1x64x128xf32, #tpu.memory_space<vmem>> -> memref<64x128xf32, #tpu.memory_space<vmem>>
    %dma_start3A_115 = arith.constant 0 : i32
    %dma_start3A_116 = tpu.memref_slice %arg7[%dma_start3A_109, %dma_start3A_115] : memref<40x64xi32, #tpu.memory_space<vmem>> -> memref<1x64xi32, #tpu.memory_space<vmem>>
    %dma_start3A_117 = tpu.memref_squeeze %dma_start3A_116 : memref<1x64xi32, #tpu.memory_space<vmem>> -> memref<64xi32, #tpu.memory_space<vmem>>
    %dma_start3A_118 = arith.constant 0 : i32
    %dma_start3A_119 = arith.constant 0 : i32
    %dma_start3A_120 = tpu.memref_slice %arg2[%dma_start3A_118, %dma_start3A_119] : memref<10000x128xf32, #tpu.memory_space<hbm>> -> memref<10000x128xf32, #tpu.memory_space<hbm>>
    tpu.enqueue_indirect_dma source(%dma_start3A_120 : memref<10000x128xf32, #tpu.memory_space<hbm>>) target(%dma_start3A_114 : memref<64x128xf32, #tpu.memory_space<vmem>>) offsets(%dma_start3A_117 : memref<64xi32, #tpu.memory_space<vmem>>) semaphore(%arg13 : memref<!tpu.dma_semaphore, #tpu.memory_space<semaphore_mem>>)
    %dma_start3A_121 = arith.constant 3 : i32
    %dma_start3A_122 = arith.constant 3 : i32
    %dma_start3A_123 = arith.constant 0 : i32
    %dma_start3A_124 = arith.constant 0 : i32
    %dma_start3A_125 = tpu.memref_slice %arg9[%dma_start3A_122, %dma_start3A_123, %dma_start3A_124] : memref<4x64x128xf32, #tpu.memory_space<vmem>> -> memref<1x64x128xf32, #tpu.memory_space<vmem>>
    %dma_start3A_126 = tpu.memref_squeeze %dma_start3A_125 : memref<1x64x128xf32, #tpu.memory_space<vmem>> -> memref<64x128xf32, #tpu.memory_space<vmem>>
    %dma_start3A_127 = arith.constant 0 : i32
    %dma_start3A_128 = tpu.memref_slice %arg7[%dma_start3A_121, %dma_start3A_127] : memref<40x64xi32, #tpu.memory_space<vmem>> -> memref<1x64xi32, #tpu.memory_space<vmem>>
    %dma_start3A_129 = tpu.memref_squeeze %dma_start3A_128 : memref<1x64xi32, #tpu.memory_space<vmem>> -> memref<64xi32, #tpu.memory_space<vmem>>
    %dma_start3A_130 = arith.constant 0 : i32
    %dma_start3A_131 = arith.constant 0 : i32
    %dma_start3A_132 = tpu.memref_slice %arg2[%dma_start3A_130, %dma_start3A_131] : memref<10000x128xf32, #tpu.memory_space<hbm>> -> memref<10000x128xf32, #tpu.memory_space<hbm>>
    tpu.enqueue_indirect_dma source(%dma_start3A_132 : memref<10000x128xf32, #tpu.memory_space<hbm>>) target(%dma_start3A_126 : memref<64x128xf32, #tpu.memory_space<vmem>>) offsets(%dma_start3A_129 : memref<64xi32, #tpu.memory_space<vmem>>) semaphore(%arg14 : memref<!tpu.dma_semaphore, #tpu.memory_space<semaphore_mem>>)
    %scan3A_133 = arith.constant 0 : i32
    %scan3A_134 = arith.constant 0 : i32
    %scan3A_135 = arith.constant 10 : i32
    %scan3A_136 = arith.addi %scan3A_134, %scan3A_135 : i32
    %scan3A_137 = arith.constant 1 : i32
    scf.for %scan3A_252 = %scan3A_134 to %scan3A_136 step %scan3A_137  : i32 {
      %mul3A_253 = arith.constant 4 : i32
      %mul3A_254 = arith.muli %scan3A_252, %mul3A_253 : i32
      %add3A_255 = arith.constant 0 : i32
      %add3A_256 = arith.addi %mul3A_254, %add3A_255 : i32
      %dma_wait3A = arith.constant 0 : i32
      %dma_wait3A_257 = arith.constant 0 : i32
      %dma_wait3A_258 = arith.constant 0 : i32
      %dma_wait3A_259 = tpu.memref_slice %arg9[%dma_wait3A, %dma_wait3A_257, %dma_wait3A_258] : memref<4x64x128xf32, #tpu.memory_space<vmem>> -> memref<1x64x128xf32, #tpu.memory_space<vmem>>
      %dma_wait3A_260 = tpu.memref_squeeze %dma_wait3A_259 : memref<1x64x128xf32, #tpu.memory_space<vmem>> -> memref<64x128xf32, #tpu.memory_space<vmem>>
      %dma_wait3A_261 = arith.constant 0 : i32
      %dma_wait3A_262 = tpu.memref_slice %arg7[%add3A_256, %dma_wait3A_261] : memref<40x64xi32, #tpu.memory_space<vmem>> -> memref<1x64xi32, #tpu.memory_space<vmem>>
      %dma_wait3A_263 = tpu.memref_squeeze %dma_wait3A_262 : memref<1x64xi32, #tpu.memory_space<vmem>> -> memref<64xi32, #tpu.memory_space<vmem>>
      %dma_wait3A_264 = arith.constant 0 : i32
      %dma_wait3A_265 = arith.constant 0 : i32
      %dma_wait3A_266 = tpu.memref_slice %arg2[%dma_wait3A_264, %dma_wait3A_265] : memref<10000x128xf32, #tpu.memory_space<hbm>> -> memref<10000x128xf32, #tpu.memory_space<hbm>>
      tpu.wait_indirect_dma semaphore(%arg11 : memref<!tpu.dma_semaphore, #tpu.memory_space<semaphore_mem>>) src(%dma_wait3A_266 : memref<10000x128xf32, #tpu.memory_space<hbm>>) dst(%dma_wait3A_260 : memref<64x128xf32, #tpu.memory_space<vmem>>)
      %run_scoped3A_267 = arith.constant 0 : i32
      "tpu.region"() ({
        %run_scoped3A_337 = tpu.sem_alloc : memref<!tpu.dma_semaphore, #tpu.memory_space<semaphore_mem>>
        %dma_start3A_338 = arith.constant 0 : i32
        %dma_start3A_339 = arith.constant 0 : i32
        %dma_start3A_340 = tpu.memref_slice %arg9[%run_scoped3A_267, %dma_start3A_338, %dma_start3A_339] : memref<4x64x128xf32, #tpu.memory_space<vmem>> -> memref<1x64x128xf32, #tpu.memory_space<vmem>>
        %dma_start3A_341 = tpu.memref_squeeze %dma_start3A_340 : memref<1x64x128xf32, #tpu.memory_space<vmem>> -> memref<64x128xf32, #tpu.memory_space<vmem>>
        %dma_start3A_342 = arith.constant 0 : i32
        %dma_start3A_343 = tpu.memref_slice %arg8[%add3A_256, %dma_start3A_342] : memref<40x64xi32, #tpu.memory_space<vmem>> -> memref<1x64xi32, #tpu.memory_space<vmem>>
        %dma_start3A_344 = tpu.memref_squeeze %dma_start3A_343 : memref<1x64xi32, #tpu.memory_space<vmem>> -> memref<64xi32, #tpu.memory_space<vmem>>
        %dma_start3A_345 = arith.constant 0 : i32
        %dma_start3A_346 = arith.constant 0 : i32
        %dma_start3A_347 = tpu.memref_slice %arg10[%dma_start3A_345, %dma_start3A_346] : memref<10112x128xf32, #tpu.memory_space<vmem_shared>> -> memref<10112x128xf32, #tpu.memory_space<vmem_shared>>
        tpu.enqueue_indirect_dma source(%dma_start3A_341 : memref<64x128xf32, #tpu.memory_space<vmem>>) target(%dma_start3A_347 : memref<10112x128xf32, #tpu.memory_space<vmem_shared>>) offsets(%dma_start3A_344 : memref<64xi32, #tpu.memory_space<vmem>>) semaphore(%run_scoped3A_337 : memref<!tpu.dma_semaphore, #tpu.memory_space<semaphore_mem>>) {add = true}
        %dma_wait3A_348 = arith.constant 0 : i32
        %dma_wait3A_349 = arith.constant 0 : i32
        %dma_wait3A_350 = tpu.memref_slice %arg9[%run_scoped3A_267, %dma_wait3A_348, %dma_wait3A_349] : memref<4x64x128xf32, #tpu.memory_space<vmem>> -> memref<1x64x128xf32, #tpu.memory_space<vmem>>
        %dma_wait3A_351 = tpu.memref_squeeze %dma_wait3A_350 : memref<1x64x128xf32, #tpu.memory_space<vmem>> -> memref<64x128xf32, #tpu.memory_space<vmem>>
        %dma_wait3A_352 = arith.constant 0 : i32
        %dma_wait3A_353 = tpu.memref_slice %arg8[%add3A_256, %dma_wait3A_352] : memref<40x64xi32, #tpu.memory_space<vmem>> -> memref<1x64xi32, #tpu.memory_space<vmem>>
        %dma_wait3A_354 = tpu.memref_squeeze %dma_wait3A_353 : memref<1x64xi32, #tpu.memory_space<vmem>> -> memref<64xi32, #tpu.memory_space<vmem>>
        %dma_wait3A_355 = arith.constant 0 : i32
        %dma_wait3A_356 = arith.constant 0 : i32
        %dma_wait3A_357 = tpu.memref_slice %arg10[%dma_wait3A_355, %dma_wait3A_356] : memref<10112x128xf32, #tpu.memory_space<vmem_shared>> -> memref<10112x128xf32, #tpu.memory_space<vmem_shared>>
        tpu.wait_indirect_dma semaphore(%run_scoped3A_337 : memref<!tpu.dma_semaphore, #tpu.memory_space<semaphore_mem>>) src(%dma_wait3A_351 : memref<64x128xf32, #tpu.memory_space<vmem>>) dst(%dma_wait3A_357 : memref<10112x128xf32, #tpu.memory_space<vmem_shared>>)
        tpu.yield
      }) : () -> ()
      %add3A_268 = arith.constant 4 : i32
      %add3A_269 = arith.addi %add3A_256, %add3A_268 : i32
      %lt3A = arith.constant 40 : i32
      %lt3A_270 = arith.cmpi slt, %add3A_269, %lt3A : i32
      %convert_element_type3A_271 = arith.extui %lt3A_270 : i1 to i32
      %cond3A_272 = arith.constant 0 : i32
      %cond3A_273 = arith.cmpi ne, %convert_element_type3A_271, %cond3A_272 : i32
      scf.if %cond3A_273 {
        %add3A_337 = arith.constant 4 : i32
        %add3A_338 = arith.addi %add3A_256, %add3A_337 : i32
        %dma_start3A_339 = arith.constant 0 : i32
        %dma_start3A_340 = arith.constant 0 : i32
        %dma_start3A_341 = arith.constant 0 : i32
        %dma_start3A_342 = tpu.memref_slice %arg9[%dma_start3A_339, %dma_start3A_340, %dma_start3A_341] : memref<4x64x128xf32, #tpu.memory_space<vmem>> -> memref<1x64x128xf32, #tpu.memory_space<vmem>>
        %dma_start3A_343 = tpu.memref_squeeze %dma_start3A_342 : memref<1x64x128xf32, #tpu.memory_space<vmem>> -> memref<64x128xf32, #tpu.memory_space<vmem>>
        %dma_start3A_344 = arith.constant 0 : i32
        %dma_start3A_345 = tpu.memref_slice %arg7[%add3A_338, %dma_start3A_344] : memref<40x64xi32, #tpu.memory_space<vmem>> -> memref<1x64xi32, #tpu.memory_space<vmem>>
        %dma_start3A_346 = tpu.memref_squeeze %dma_start3A_345 : memref<1x64xi32, #tpu.memory_space<vmem>> -> memref<64xi32, #tpu.memory_space<vmem>>
        %dma_start3A_347 = arith.constant 0 : i32
        %dma_start3A_348 = arith.constant 0 : i32
        %dma_start3A_349 = tpu.memref_slice %arg2[%dma_start3A_347, %dma_start3A_348] : memref<10000x128xf32, #tpu.memory_space<hbm>> -> memref<10000x128xf32, #tpu.memory_space<hbm>>
        tpu.enqueue_indirect_dma source(%dma_start3A_349 : memref<10000x128xf32, #tpu.memory_space<hbm>>) target(%dma_start3A_343 : memref<64x128xf32, #tpu.memory_space<vmem>>) offsets(%dma_start3A_346 : memref<64xi32, #tpu.memory_space<vmem>>) semaphore(%arg11 : memref<!tpu.dma_semaphore, #tpu.memory_space<semaphore_mem>>)
      } else {
      }
      %add3A_274 = arith.constant 1 : i32
      %add3A_275 = arith.addi %mul3A_254, %add3A_274 : i32
      %dma_wait3A_276 = arith.constant 1 : i32
      %dma_wait3A_277 = arith.constant 0 : i32
      %dma_wait3A_278 = arith.constant 0 : i32
      %dma_wait3A_279 = tpu.memref_slice %arg9[%dma_wait3A_276, %dma_wait3A_277, %dma_wait3A_278] : memref<4x64x128xf32, #tpu.memory_space<vmem>> -> memref<1x64x128xf32, #tpu.memory_space<vmem>>
      %dma_wait3A_280 = tpu.memref_squeeze %dma_wait3A_279 : memref<1x64x128xf32, #tpu.memory_space<vmem>> -> memref<64x128xf32, #tpu.memory_space<vmem>>
      %dma_wait3A_281 = arith.constant 0 : i32
      %dma_wait3A_282 = tpu.memref_slice %arg7[%add3A_275, %dma_wait3A_281] : memref<40x64xi32, #tpu.memory_space<vmem>> -> memref<1x64xi32, #tpu.memory_space<vmem>>
      %dma_wait3A_283 = tpu.memref_squeeze %dma_wait3A_282 : memref<1x64xi32, #tpu.memory_space<vmem>> -> memref<64xi32, #tpu.memory_space<vmem>>
      %dma_wait3A_284 = arith.constant 0 : i32
      %dma_wait3A_285 = arith.constant 0 : i32
      %dma_wait3A_286 = tpu.memref_slice %arg2[%dma_wait3A_284, %dma_wait3A_285] : memref<10000x128xf32, #tpu.memory_space<hbm>> -> memref<10000x128xf32, #tpu.memory_space<hbm>>
      tpu.wait_indirect_dma semaphore(%arg12 : memref<!tpu.dma_semaphore, #tpu.memory_space<semaphore_mem>>) src(%dma_wait3A_286 : memref<10000x128xf32, #tpu.memory_space<hbm>>) dst(%dma_wait3A_280 : memref<64x128xf32, #tpu.memory_space<vmem>>)
      %run_scoped3A_287 = arith.constant 1 : i32
      "tpu.region"() ({
        %run_scoped3A_337 = tpu.sem_alloc : memref<!tpu.dma_semaphore, #tpu.memory_space<semaphore_mem>>
        %dma_start3A_338 = arith.constant 0 : i32
        %dma_start3A_339 = arith.constant 0 : i32
        %dma_start3A_340 = tpu.memref_slice %arg9[%run_scoped3A_287, %dma_start3A_338, %dma_start3A_339] : memref<4x64x128xf32, #tpu.memory_space<vmem>> -> memref<1x64x128xf32, #tpu.memory_space<vmem>>
        %dma_start3A_341 = tpu.memref_squeeze %dma_start3A_340 : memref<1x64x128xf32, #tpu.memory_space<vmem>> -> memref<64x128xf32, #tpu.memory_space<vmem>>
        %dma_start3A_342 = arith.constant 0 : i32
        %dma_start3A_343 = tpu.memref_slice %arg8[%add3A_275, %dma_start3A_342] : memref<40x64xi32, #tpu.memory_space<vmem>> -> memref<1x64xi32, #tpu.memory_space<vmem>>
        %dma_start3A_344 = tpu.memref_squeeze %dma_start3A_343 : memref<1x64xi32, #tpu.memory_space<vmem>> -> memref<64xi32, #tpu.memory_space<vmem>>
        %dma_start3A_345 = arith.constant 0 : i32
        %dma_start3A_346 = arith.constant 0 : i32
        %dma_start3A_347 = tpu.memref_slice %arg10[%dma_start3A_345, %dma_start3A_346] : memref<10112x128xf32, #tpu.memory_space<vmem_shared>> -> memref<10112x128xf32, #tpu.memory_space<vmem_shared>>
        tpu.enqueue_indirect_dma source(%dma_start3A_341 : memref<64x128xf32, #tpu.memory_space<vmem>>) target(%dma_start3A_347 : memref<10112x128xf32, #tpu.memory_space<vmem_shared>>) offsets(%dma_start3A_344 : memref<64xi32, #tpu.memory_space<vmem>>) semaphore(%run_scoped3A_337 : memref<!tpu.dma_semaphore, #tpu.memory_space<semaphore_mem>>) {add = true}
        %dma_wait3A_348 = arith.constant 0 : i32
        %dma_wait3A_349 = arith.constant 0 : i32
        %dma_wait3A_350 = tpu.memref_slice %arg9[%run_scoped3A_287, %dma_wait3A_348, %dma_wait3A_349] : memref<4x64x128xf32, #tpu.memory_space<vmem>> -> memref<1x64x128xf32, #tpu.memory_space<vmem>>
        %dma_wait3A_351 = tpu.memref_squeeze %dma_wait3A_350 : memref<1x64x128xf32, #tpu.memory_space<vmem>> -> memref<64x128xf32, #tpu.memory_space<vmem>>
        %dma_wait3A_352 = arith.constant 0 : i32
        %dma_wait3A_353 = tpu.memref_slice %arg8[%add3A_275, %dma_wait3A_352] : memref<40x64xi32, #tpu.memory_space<vmem>> -> memref<1x64xi32, #tpu.memory_space<vmem>>
        %dma_wait3A_354 = tpu.memref_squeeze %dma_wait3A_353 : memref<1x64xi32, #tpu.memory_space<vmem>> -> memref<64xi32, #tpu.memory_space<vmem>>
        %dma_wait3A_355 = arith.constant 0 : i32
        %dma_wait3A_356 = arith.constant 0 : i32
        %dma_wait3A_357 = tpu.memref_slice %arg10[%dma_wait3A_355, %dma_wait3A_356] : memref<10112x128xf32, #tpu.memory_space<vmem_shared>> -> memref<10112x128xf32, #tpu.memory_space<vmem_shared>>
        tpu.wait_indirect_dma semaphore(%run_scoped3A_337 : memref<!tpu.dma_semaphore, #tpu.memory_space<semaphore_mem>>) src(%dma_wait3A_351 : memref<64x128xf32, #tpu.memory_space<vmem>>) dst(%dma_wait3A_357 : memref<10112x128xf32, #tpu.memory_space<vmem_shared>>)
        tpu.yield
      }) : () -> ()
      %add3A_288 = arith.constant 4 : i32
      %add3A_289 = arith.addi %add3A_275, %add3A_288 : i32
      %lt3A_290 = arith.constant 40 : i32
      %lt3A_291 = arith.cmpi slt, %add3A_289, %lt3A_290 : i32
      %convert_element_type3A_292 = arith.extui %lt3A_291 : i1 to i32
      %cond3A_293 = arith.constant 0 : i32
      %cond3A_294 = arith.cmpi ne, %convert_element_type3A_292, %cond3A_293 : i32
      scf.if %cond3A_294 {
        %add3A_337 = arith.constant 4 : i32
        %add3A_338 = arith.addi %add3A_275, %add3A_337 : i32
        %dma_start3A_339 = arith.constant 1 : i32
        %dma_start3A_340 = arith.constant 0 : i32
        %dma_start3A_341 = arith.constant 0 : i32
        %dma_start3A_342 = tpu.memref_slice %arg9[%dma_start3A_339, %dma_start3A_340, %dma_start3A_341] : memref<4x64x128xf32, #tpu.memory_space<vmem>> -> memref<1x64x128xf32, #tpu.memory_space<vmem>>
        %dma_start3A_343 = tpu.memref_squeeze %dma_start3A_342 : memref<1x64x128xf32, #tpu.memory_space<vmem>> -> memref<64x128xf32, #tpu.memory_space<vmem>>
        %dma_start3A_344 = arith.constant 0 : i32
        %dma_start3A_345 = tpu.memref_slice %arg7[%add3A_338, %dma_start3A_344] : memref<40x64xi32, #tpu.memory_space<vmem>> -> memref<1x64xi32, #tpu.memory_space<vmem>>
        %dma_start3A_346 = tpu.memref_squeeze %dma_start3A_345 : memref<1x64xi32, #tpu.memory_space<vmem>> -> memref<64xi32, #tpu.memory_space<vmem>>
        %dma_start3A_347 = arith.constant 0 : i32
        %dma_start3A_348 = arith.constant 0 : i32
        %dma_start3A_349 = tpu.memref_slice %arg2[%dma_start3A_347, %dma_start3A_348] : memref<10000x128xf32, #tpu.memory_space<hbm>> -> memref<10000x128xf32, #tpu.memory_space<hbm>>
        tpu.enqueue_indirect_dma source(%dma_start3A_349 : memref<10000x128xf32, #tpu.memory_space<hbm>>) target(%dma_start3A_343 : memref<64x128xf32, #tpu.memory_space<vmem>>) offsets(%dma_start3A_346 : memref<64xi32, #tpu.memory_space<vmem>>) semaphore(%arg12 : memref<!tpu.dma_semaphore, #tpu.memory_space<semaphore_mem>>)
      } else {
      }
      %add3A_295 = arith.constant 2 : i32
      %add3A_296 = arith.addi %mul3A_254, %add3A_295 : i32
      %dma_wait3A_297 = arith.constant 2 : i32
      %dma_wait3A_298 = arith.constant 0 : i32
      %dma_wait3A_299 = arith.constant 0 : i32
      %dma_wait3A_300 = tpu.memref_slice %arg9[%dma_wait3A_297, %dma_wait3A_298, %dma_wait3A_299] : memref<4x64x128xf32, #tpu.memory_space<vmem>> -> memref<1x64x128xf32, #tpu.memory_space<vmem>>
      %dma_wait3A_301 = tpu.memref_squeeze %dma_wait3A_300 : memref<1x64x128xf32, #tpu.memory_space<vmem>> -> memref<64x128xf32, #tpu.memory_space<vmem>>
      %dma_wait3A_302 = arith.constant 0 : i32
      %dma_wait3A_303 = tpu.memref_slice %arg7[%add3A_296, %dma_wait3A_302] : memref<40x64xi32, #tpu.memory_space<vmem>> -> memref<1x64xi32, #tpu.memory_space<vmem>>
      %dma_wait3A_304 = tpu.memref_squeeze %dma_wait3A_303 : memref<1x64xi32, #tpu.memory_space<vmem>> -> memref<64xi32, #tpu.memory_space<vmem>>
      %dma_wait3A_305 = arith.constant 0 : i32
      %dma_wait3A_306 = arith.constant 0 : i32
      %dma_wait3A_307 = tpu.memref_slice %arg2[%dma_wait3A_305, %dma_wait3A_306] : memref<10000x128xf32, #tpu.memory_space<hbm>> -> memref<10000x128xf32, #tpu.memory_space<hbm>>
      tpu.wait_indirect_dma semaphore(%arg13 : memref<!tpu.dma_semaphore, #tpu.memory_space<semaphore_mem>>) src(%dma_wait3A_307 : memref<10000x128xf32, #tpu.memory_space<hbm>>) dst(%dma_wait3A_301 : memref<64x128xf32, #tpu.memory_space<vmem>>)
      %run_scoped3A_308 = arith.constant 2 : i32
      "tpu.region"() ({
        %run_scoped3A_337 = tpu.sem_alloc : memref<!tpu.dma_semaphore, #tpu.memory_space<semaphore_mem>>
        %dma_start3A_338 = arith.constant 0 : i32
        %dma_start3A_339 = arith.constant 0 : i32
        %dma_start3A_340 = tpu.memref_slice %arg9[%run_scoped3A_308, %dma_start3A_338, %dma_start3A_339] : memref<4x64x128xf32, #tpu.memory_space<vmem>> -> memref<1x64x128xf32, #tpu.memory_space<vmem>>
        %dma_start3A_341 = tpu.memref_squeeze %dma_start3A_340 : memref<1x64x128xf32, #tpu.memory_space<vmem>> -> memref<64x128xf32, #tpu.memory_space<vmem>>
        %dma_start3A_342 = arith.constant 0 : i32
        %dma_start3A_343 = tpu.memref_slice %arg8[%add3A_296, %dma_start3A_342] : memref<40x64xi32, #tpu.memory_space<vmem>> -> memref<1x64xi32, #tpu.memory_space<vmem>>
        %dma_start3A_344 = tpu.memref_squeeze %dma_start3A_343 : memref<1x64xi32, #tpu.memory_space<vmem>> -> memref<64xi32, #tpu.memory_space<vmem>>
        %dma_start3A_345 = arith.constant 0 : i32
        %dma_start3A_346 = arith.constant 0 : i32
        %dma_start3A_347 = tpu.memref_slice %arg10[%dma_start3A_345, %dma_start3A_346] : memref<10112x128xf32, #tpu.memory_space<vmem_shared>> -> memref<10112x128xf32, #tpu.memory_space<vmem_shared>>
        tpu.enqueue_indirect_dma source(%dma_start3A_341 : memref<64x128xf32, #tpu.memory_space<vmem>>) target(%dma_start3A_347 : memref<10112x128xf32, #tpu.memory_space<vmem_shared>>) offsets(%dma_start3A_344 : memref<64xi32, #tpu.memory_space<vmem>>) semaphore(%run_scoped3A_337 : memref<!tpu.dma_semaphore, #tpu.memory_space<semaphore_mem>>) {add = true}
        %dma_wait3A_348 = arith.constant 0 : i32
        %dma_wait3A_349 = arith.constant 0 : i32
        %dma_wait3A_350 = tpu.memref_slice %arg9[%run_scoped3A_308, %dma_wait3A_348, %dma_wait3A_349] : memref<4x64x128xf32, #tpu.memory_space<vmem>> -> memref<1x64x128xf32, #tpu.memory_space<vmem>>
        %dma_wait3A_351 = tpu.memref_squeeze %dma_wait3A_350 : memref<1x64x128xf32, #tpu.memory_space<vmem>> -> memref<64x128xf32, #tpu.memory_space<vmem>>
        %dma_wait3A_352 = arith.constant 0 : i32
        %dma_wait3A_353 = tpu.memref_slice %arg8[%add3A_296, %dma_wait3A_352] : memref<40x64xi32, #tpu.memory_space<vmem>> -> memref<1x64xi32, #tpu.memory_space<vmem>>
        %dma_wait3A_354 = tpu.memref_squeeze %dma_wait3A_353 : memref<1x64xi32, #tpu.memory_space<vmem>> -> memref<64xi32, #tpu.memory_space<vmem>>
        %dma_wait3A_355 = arith.constant 0 : i32
        %dma_wait3A_356 = arith.constant 0 : i32
        %dma_wait3A_357 = tpu.memref_slice %arg10[%dma_wait3A_355, %dma_wait3A_356] : memref<10112x128xf32, #tpu.memory_space<vmem_shared>> -> memref<10112x128xf32, #tpu.memory_space<vmem_shared>>
        tpu.wait_indirect_dma semaphore(%run_scoped3A_337 : memref<!tpu.dma_semaphore, #tpu.memory_space<semaphore_mem>>) src(%dma_wait3A_351 : memref<64x128xf32, #tpu.memory_space<vmem>>) dst(%dma_wait3A_357 : memref<10112x128xf32, #tpu.memory_space<vmem_shared>>)
        tpu.yield
      }) : () -> ()
      %add3A_309 = arith.constant 4 : i32
      %add3A_310 = arith.addi %add3A_296, %add3A_309 : i32
      %lt3A_311 = arith.constant 40 : i32
      %lt3A_312 = arith.cmpi slt, %add3A_310, %lt3A_311 : i32
      %convert_element_type3A_313 = arith.extui %lt3A_312 : i1 to i32
      %cond3A_314 = arith.constant 0 : i32
      %cond3A_315 = arith.cmpi ne, %convert_element_type3A_313, %cond3A_314 : i32
      scf.if %cond3A_315 {
        %add3A_337 = arith.constant 4 : i32
        %add3A_338 = arith.addi %add3A_296, %add3A_337 : i32
        %dma_start3A_339 = arith.constant 2 : i32
        %dma_start3A_340 = arith.constant 0 : i32
        %dma_start3A_341 = arith.constant 0 : i32
        %dma_start3A_342 = tpu.memref_slice %arg9[%dma_start3A_339, %dma_start3A_340, %dma_start3A_341] : memref<4x64x128xf32, #tpu.memory_space<vmem>> -> memref<1x64x128xf32, #tpu.memory_space<vmem>>
        %dma_start3A_343 = tpu.memref_squeeze %dma_start3A_342 : memref<1x64x128xf32, #tpu.memory_space<vmem>> -> memref<64x128xf32, #tpu.memory_space<vmem>>
        %dma_start3A_344 = arith.constant 0 : i32
        %dma_start3A_345 = tpu.memref_slice %arg7[%add3A_338, %dma_start3A_344] : memref<40x64xi32, #tpu.memory_space<vmem>> -> memref<1x64xi32, #tpu.memory_space<vmem>>
        %dma_start3A_346 = tpu.memref_squeeze %dma_start3A_345 : memref<1x64xi32, #tpu.memory_space<vmem>> -> memref<64xi32, #tpu.memory_space<vmem>>
        %dma_start3A_347 = arith.constant 0 : i32
        %dma_start3A_348 = arith.constant 0 : i32
        %dma_start3A_349 = tpu.memref_slice %arg2[%dma_start3A_347, %dma_start3A_348] : memref<10000x128xf32, #tpu.memory_space<hbm>> -> memref<10000x128xf32, #tpu.memory_space<hbm>>
        tpu.enqueue_indirect_dma source(%dma_start3A_349 : memref<10000x128xf32, #tpu.memory_space<hbm>>) target(%dma_start3A_343 : memref<64x128xf32, #tpu.memory_space<vmem>>) offsets(%dma_start3A_346 : memref<64xi32, #tpu.memory_space<vmem>>) semaphore(%arg13 : memref<!tpu.dma_semaphore, #tpu.memory_space<semaphore_mem>>)
      } else {
      }
      %add3A_316 = arith.constant 3 : i32
      %add3A_317 = arith.addi %mul3A_254, %add3A_316 : i32
      %dma_wait3A_318 = arith.constant 3 : i32
      %dma_wait3A_319 = arith.constant 0 : i32
      %dma_wait3A_320 = arith.constant 0 : i32
      %dma_wait3A_321 = tpu.memref_slice %arg9[%dma_wait3A_318, %dma_wait3A_319, %dma_wait3A_320] : memref<4x64x128xf32, #tpu.memory_space<vmem>> -> memref<1x64x128xf32, #tpu.memory_space<vmem>>
      %dma_wait3A_322 = tpu.memref_squeeze %dma_wait3A_321 : memref<1x64x128xf32, #tpu.memory_space<vmem>> -> memref<64x128xf32, #tpu.memory_space<vmem>>
      %dma_wait3A_323 = arith.constant 0 : i32
      %dma_wait3A_324 = tpu.memref_slice %arg7[%add3A_317, %dma_wait3A_323] : memref<40x64xi32, #tpu.memory_space<vmem>> -> memref<1x64xi32, #tpu.memory_space<vmem>>
      %dma_wait3A_325 = tpu.memref_squeeze %dma_wait3A_324 : memref<1x64xi32, #tpu.memory_space<vmem>> -> memref<64xi32, #tpu.memory_space<vmem>>
      %dma_wait3A_326 = arith.constant 0 : i32
      %dma_wait3A_327 = arith.constant 0 : i32
      %dma_wait3A_328 = tpu.memref_slice %arg2[%dma_wait3A_326, %dma_wait3A_327] : memref<10000x128xf32, #tpu.memory_space<hbm>> -> memref<10000x128xf32, #tpu.memory_space<hbm>>
      tpu.wait_indirect_dma semaphore(%arg14 : memref<!tpu.dma_semaphore, #tpu.memory_space<semaphore_mem>>) src(%dma_wait3A_328 : memref<10000x128xf32, #tpu.memory_space<hbm>>) dst(%dma_wait3A_322 : memref<64x128xf32, #tpu.memory_space<vmem>>)
      %run_scoped3A_329 = arith.constant 3 : i32
      "tpu.region"() ({
        %run_scoped3A_337 = tpu.sem_alloc : memref<!tpu.dma_semaphore, #tpu.memory_space<semaphore_mem>>
        %dma_start3A_338 = arith.constant 0 : i32
        %dma_start3A_339 = arith.constant 0 : i32
        %dma_start3A_340 = tpu.memref_slice %arg9[%run_scoped3A_329, %dma_start3A_338, %dma_start3A_339] : memref<4x64x128xf32, #tpu.memory_space<vmem>> -> memref<1x64x128xf32, #tpu.memory_space<vmem>>
        %dma_start3A_341 = tpu.memref_squeeze %dma_start3A_340 : memref<1x64x128xf32, #tpu.memory_space<vmem>> -> memref<64x128xf32, #tpu.memory_space<vmem>>
        %dma_start3A_342 = arith.constant 0 : i32
        %dma_start3A_343 = tpu.memref_slice %arg8[%add3A_317, %dma_start3A_342] : memref<40x64xi32, #tpu.memory_space<vmem>> -> memref<1x64xi32, #tpu.memory_space<vmem>>
        %dma_start3A_344 = tpu.memref_squeeze %dma_start3A_343 : memref<1x64xi32, #tpu.memory_space<vmem>> -> memref<64xi32, #tpu.memory_space<vmem>>
        %dma_start3A_345 = arith.constant 0 : i32
        %dma_start3A_346 = arith.constant 0 : i32
        %dma_start3A_347 = tpu.memref_slice %arg10[%dma_start3A_345, %dma_start3A_346] : memref<10112x128xf32, #tpu.memory_space<vmem_shared>> -> memref<10112x128xf32, #tpu.memory_space<vmem_shared>>
        tpu.enqueue_indirect_dma source(%dma_start3A_341 : memref<64x128xf32, #tpu.memory_space<vmem>>) target(%dma_start3A_347 : memref<10112x128xf32, #tpu.memory_space<vmem_shared>>) offsets(%dma_start3A_344 : memref<64xi32, #tpu.memory_space<vmem>>) semaphore(%run_scoped3A_337 : memref<!tpu.dma_semaphore, #tpu.memory_space<semaphore_mem>>) {add = true}
        %dma_wait3A_348 = arith.constant 0 : i32
        %dma_wait3A_349 = arith.constant 0 : i32
        %dma_wait3A_350 = tpu.memref_slice %arg9[%run_scoped3A_329, %dma_wait3A_348, %dma_wait3A_349] : memref<4x64x128xf32, #tpu.memory_space<vmem>> -> memref<1x64x128xf32, #tpu.memory_space<vmem>>
        %dma_wait3A_351 = tpu.memref_squeeze %dma_wait3A_350 : memref<1x64x128xf32, #tpu.memory_space<vmem>> -> memref<64x128xf32, #tpu.memory_space<vmem>>
        %dma_wait3A_352 = arith.constant 0 : i32
        %dma_wait3A_353 = tpu.memref_slice %arg8[%add3A_317, %dma_wait3A_352] : memref<40x64xi32, #tpu.memory_space<vmem>> -> memref<1x64xi32, #tpu.memory_space<vmem>>
        %dma_wait3A_354 = tpu.memref_squeeze %dma_wait3A_353 : memref<1x64xi32, #tpu.memory_space<vmem>> -> memref<64xi32, #tpu.memory_space<vmem>>
        %dma_wait3A_355 = arith.constant 0 : i32
        %dma_wait3A_356 = arith.constant 0 : i32
        %dma_wait3A_357 = tpu.memref_slice %arg10[%dma_wait3A_355, %dma_wait3A_356] : memref<10112x128xf32, #tpu.memory_space<vmem_shared>> -> memref<10112x128xf32, #tpu.memory_space<vmem_shared>>
        tpu.wait_indirect_dma semaphore(%run_scoped3A_337 : memref<!tpu.dma_semaphore, #tpu.memory_space<semaphore_mem>>) src(%dma_wait3A_351 : memref<64x128xf32, #tpu.memory_space<vmem>>) dst(%dma_wait3A_357 : memref<10112x128xf32, #tpu.memory_space<vmem_shared>>)
        tpu.yield
      }) : () -> ()
      %add3A_330 = arith.constant 4 : i32
      %add3A_331 = arith.addi %add3A_317, %add3A_330 : i32
      %lt3A_332 = arith.constant 40 : i32
      %lt3A_333 = arith.cmpi slt, %add3A_331, %lt3A_332 : i32
      %convert_element_type3A_334 = arith.extui %lt3A_333 : i1 to i32
      %cond3A_335 = arith.constant 0 : i32
      %cond3A_336 = arith.cmpi ne, %convert_element_type3A_334, %cond3A_335 : i32
      scf.if %cond3A_336 {
        %add3A_337 = arith.constant 4 : i32
        %add3A_338 = arith.addi %add3A_317, %add3A_337 : i32
        %dma_start3A_339 = arith.constant 3 : i32
        %dma_start3A_340 = arith.constant 0 : i32
        %dma_start3A_341 = arith.constant 0 : i32
        %dma_start3A_342 = tpu.memref_slice %arg9[%dma_start3A_339, %dma_start3A_340, %dma_start3A_341] : memref<4x64x128xf32, #tpu.memory_space<vmem>> -> memref<1x64x128xf32, #tpu.memory_space<vmem>>
        %dma_start3A_343 = tpu.memref_squeeze %dma_start3A_342 : memref<1x64x128xf32, #tpu.memory_space<vmem>> -> memref<64x128xf32, #tpu.memory_space<vmem>>
        %dma_start3A_344 = arith.constant 0 : i32
        %dma_start3A_345 = tpu.memref_slice %arg7[%add3A_338, %dma_start3A_344] : memref<40x64xi32, #tpu.memory_space<vmem>> -> memref<1x64xi32, #tpu.memory_space<vmem>>
        %dma_start3A_346 = tpu.memref_squeeze %dma_start3A_345 : memref<1x64xi32, #tpu.memory_space<vmem>> -> memref<64xi32, #tpu.memory_space<vmem>>
        %dma_start3A_347 = arith.constant 0 : i32
        %dma_start3A_348 = arith.constant 0 : i32
        %dma_start3A_349 = tpu.memref_slice %arg2[%dma_start3A_347, %dma_start3A_348] : memref<10000x128xf32, #tpu.memory_space<hbm>> -> memref<10000x128xf32, #tpu.memory_space<hbm>>
        tpu.enqueue_indirect_dma source(%dma_start3A_349 : memref<10000x128xf32, #tpu.memory_space<hbm>>) target(%dma_start3A_343 : memref<64x128xf32, #tpu.memory_space<vmem>>) offsets(%dma_start3A_346 : memref<64xi32, #tpu.memory_space<vmem>>) semaphore(%arg14 : memref<!tpu.dma_semaphore, #tpu.memory_space<semaphore_mem>>)
      } else {
      }
    }
    %scan3A_138 = arith.constant 10 : i32
    "tpu.region"() ({
      %run_scoped3A_252 = tpu.sem_alloc : memref<!tpu.dma_semaphore, #tpu.memory_space<semaphore_mem>>
      %dma_start3A_253 = arith.constant 80 : i32
      %dma_start3A_254 = arith.constant 0 : i32
      %dma_start3A_255 = tpu.memref_slice %arg3[%add3A, %dma_start3A_253, %dma_start3A_254] : memref<32x160x64xi32, #tpu.memory_space<hbm>> -> memref<1x40x64xi32, #tpu.memory_space<hbm>>
      %dma_start3A_256 = tpu.memref_squeeze %dma_start3A_255 : memref<1x40x64xi32, #tpu.memory_space<hbm>> -> memref<40x64xi32, #tpu.memory_space<hbm>>
      %dma_start3A_257 = arith.constant 80 : i32
      %dma_start3A_258 = arith.constant 0 : i32
      %dma_start3A_259 = tpu.memref_slice %arg3[%add3A, %dma_start3A_257, %dma_start3A_258] : memref<32x160x64xi32, #tpu.memory_space<hbm>> -> memref<1x40x64xi32, #tpu.memory_space<hbm>>
      %dma_start3A_260 = tpu.memref_squeeze %dma_start3A_259 : memref<1x40x64xi32, #tpu.memory_space<hbm>> -> memref<40x64xi32, #tpu.memory_space<hbm>>
      tpu.enqueue_dma source(%dma_start3A_260 : memref<40x64xi32, #tpu.memory_space<hbm>>) target(%arg7 : memref<40x64xi32, #tpu.memory_space<vmem>>) target_semaphore(%run_scoped3A_252 : memref<!tpu.dma_semaphore, #tpu.memory_space<semaphore_mem>>)
      %dma_wait3A = arith.constant 80 : i32
      %dma_wait3A_261 = arith.constant 0 : i32
      %dma_wait3A_262 = tpu.memref_slice %arg3[%add3A, %dma_wait3A, %dma_wait3A_261] : memref<32x160x64xi32, #tpu.memory_space<hbm>> -> memref<1x40x64xi32, #tpu.memory_space<hbm>>
      %dma_wait3A_263 = tpu.memref_squeeze %dma_wait3A_262 : memref<1x40x64xi32, #tpu.memory_space<hbm>> -> memref<40x64xi32, #tpu.memory_space<hbm>>
      %dma_wait3A_264 = arith.constant 80 : i32
      %dma_wait3A_265 = arith.constant 0 : i32
      %dma_wait3A_266 = tpu.memref_slice %arg3[%add3A, %dma_wait3A_264, %dma_wait3A_265] : memref<32x160x64xi32, #tpu.memory_space<hbm>> -> memref<1x40x64xi32, #tpu.memory_space<hbm>>
      %dma_wait3A_267 = tpu.memref_squeeze %dma_wait3A_266 : memref<1x40x64xi32, #tpu.memory_space<hbm>> -> memref<40x64xi32, #tpu.memory_space<hbm>>
      tpu.wait_dma2 semaphore(%run_scoped3A_252 : memref<!tpu.dma_semaphore, #tpu.memory_space<semaphore_mem>>) src(%dma_wait3A_267 : memref<40x64xi32, #tpu.memory_space<hbm>>) dst(%arg7 : memref<40x64xi32, #tpu.memory_space<vmem>>)
      tpu.yield
    }) : () -> ()
    "tpu.region"() ({
      %run_scoped3A_252 = tpu.sem_alloc : memref<!tpu.dma_semaphore, #tpu.memory_space<semaphore_mem>>
      %dma_start3A_253 = arith.constant 80 : i32
      %dma_start3A_254 = arith.constant 0 : i32
      %dma_start3A_255 = tpu.memref_slice %arg4[%add3A, %dma_start3A_253, %dma_start3A_254] : memref<32x160x64xi32, #tpu.memory_space<hbm>> -> memref<1x40x64xi32, #tpu.memory_space<hbm>>
      %dma_start3A_256 = tpu.memref_squeeze %dma_start3A_255 : memref<1x40x64xi32, #tpu.memory_space<hbm>> -> memref<40x64xi32, #tpu.memory_space<hbm>>
      %dma_start3A_257 = arith.constant 80 : i32
      %dma_start3A_258 = arith.constant 0 : i32
      %dma_start3A_259 = tpu.memref_slice %arg4[%add3A, %dma_start3A_257, %dma_start3A_258] : memref<32x160x64xi32, #tpu.memory_space<hbm>> -> memref<1x40x64xi32, #tpu.memory_space<hbm>>
      %dma_start3A_260 = tpu.memref_squeeze %dma_start3A_259 : memref<1x40x64xi32, #tpu.memory_space<hbm>> -> memref<40x64xi32, #tpu.memory_space<hbm>>
      tpu.enqueue_dma source(%dma_start3A_260 : memref<40x64xi32, #tpu.memory_space<hbm>>) target(%arg8 : memref<40x64xi32, #tpu.memory_space<vmem>>) target_semaphore(%run_scoped3A_252 : memref<!tpu.dma_semaphore, #tpu.memory_space<semaphore_mem>>)
      %dma_wait3A = arith.constant 80 : i32
      %dma_wait3A_261 = arith.constant 0 : i32
      %dma_wait3A_262 = tpu.memref_slice %arg4[%add3A, %dma_wait3A, %dma_wait3A_261] : memref<32x160x64xi32, #tpu.memory_space<hbm>> -> memref<1x40x64xi32, #tpu.memory_space<hbm>>
      %dma_wait3A_263 = tpu.memref_squeeze %dma_wait3A_262 : memref<1x40x64xi32, #tpu.memory_space<hbm>> -> memref<40x64xi32, #tpu.memory_space<hbm>>
      %dma_wait3A_264 = arith.constant 80 : i32
      %dma_wait3A_265 = arith.constant 0 : i32
      %dma_wait3A_266 = tpu.memref_slice %arg4[%add3A, %dma_wait3A_264, %dma_wait3A_265] : memref<32x160x64xi32, #tpu.memory_space<hbm>> -> memref<1x40x64xi32, #tpu.memory_space<hbm>>
      %dma_wait3A_267 = tpu.memref_squeeze %dma_wait3A_266 : memref<1x40x64xi32, #tpu.memory_space<hbm>> -> memref<40x64xi32, #tpu.memory_space<hbm>>
      tpu.wait_dma2 semaphore(%run_scoped3A_252 : memref<!tpu.dma_semaphore, #tpu.memory_space<semaphore_mem>>) src(%dma_wait3A_267 : memref<40x64xi32, #tpu.memory_space<hbm>>) dst(%arg8 : memref<40x64xi32, #tpu.memory_space<vmem>>)
      tpu.yield
    }) : () -> ()
    %dma_start3A_139 = arith.constant 0 : i32
    %dma_start3A_140 = arith.constant 0 : i32
    %dma_start3A_141 = arith.constant 0 : i32
    %dma_start3A_142 = arith.constant 0 : i32
    %dma_start3A_143 = tpu.memref_slice %arg9[%dma_start3A_140, %dma_start3A_141, %dma_start3A_142] : memref<4x64x128xf32, #tpu.memory_space<vmem>> -> memref<1x64x128xf32, #tpu.memory_space<vmem>>
    %dma_start3A_144 = tpu.memref_squeeze %dma_start3A_143 : memref<1x64x128xf32, #tpu.memory_space<vmem>> -> memref<64x128xf32, #tpu.memory_space<vmem>>
    %dma_start3A_145 = arith.constant 0 : i32
    %dma_start3A_146 = tpu.memref_slice %arg7[%dma_start3A_139, %dma_start3A_145] : memref<40x64xi32, #tpu.memory_space<vmem>> -> memref<1x64xi32, #tpu.memory_space<vmem>>
    %dma_start3A_147 = tpu.memref_squeeze %dma_start3A_146 : memref<1x64xi32, #tpu.memory_space<vmem>> -> memref<64xi32, #tpu.memory_space<vmem>>
    %dma_start3A_148 = arith.constant 0 : i32
    %dma_start3A_149 = arith.constant 0 : i32
    %dma_start3A_150 = tpu.memref_slice %arg2[%dma_start3A_148, %dma_start3A_149] : memref<10000x128xf32, #tpu.memory_space<hbm>> -> memref<10000x128xf32, #tpu.memory_space<hbm>>
    tpu.enqueue_indirect_dma source(%dma_start3A_150 : memref<10000x128xf32, #tpu.memory_space<hbm>>) target(%dma_start3A_144 : memref<64x128xf32, #tpu.memory_space<vmem>>) offsets(%dma_start3A_147 : memref<64xi32, #tpu.memory_space<vmem>>) semaphore(%arg11 : memref<!tpu.dma_semaphore, #tpu.memory_space<semaphore_mem>>)
    %dma_start3A_151 = arith.constant 1 : i32
    %dma_start3A_152 = arith.constant 1 : i32
    %dma_start3A_153 = arith.constant 0 : i32
    %dma_start3A_154 = arith.constant 0 : i32
    %dma_start3A_155 = tpu.memref_slice %arg9[%dma_start3A_152, %dma_start3A_153, %dma_start3A_154] : memref<4x64x128xf32, #tpu.memory_space<vmem>> -> memref<1x64x128xf32, #tpu.memory_space<vmem>>
    %dma_start3A_156 = tpu.memref_squeeze %dma_start3A_155 : memref<1x64x128xf32, #tpu.memory_space<vmem>> -> memref<64x128xf32, #tpu.memory_space<vmem>>
    %dma_start3A_157 = arith.constant 0 : i32
    %dma_start3A_158 = tpu.memref_slice %arg7[%dma_start3A_151, %dma_start3A_157] : memref<40x64xi32, #tpu.memory_space<vmem>> -> memref<1x64xi32, #tpu.memory_space<vmem>>
    %dma_start3A_159 = tpu.memref_squeeze %dma_start3A_158 : memref<1x64xi32, #tpu.memory_space<vmem>> -> memref<64xi32, #tpu.memory_space<vmem>>
    %dma_start3A_160 = arith.constant 0 : i32
    %dma_start3A_161 = arith.constant 0 : i32
    %dma_start3A_162 = tpu.memref_slice %arg2[%dma_start3A_160, %dma_start3A_161] : memref<10000x128xf32, #tpu.memory_space<hbm>> -> memref<10000x128xf32, #tpu.memory_space<hbm>>
    tpu.enqueue_indirect_dma source(%dma_start3A_162 : memref<10000x128xf32, #tpu.memory_space<hbm>>) target(%dma_start3A_156 : memref<64x128xf32, #tpu.memory_space<vmem>>) offsets(%dma_start3A_159 : memref<64xi32, #tpu.memory_space<vmem>>) semaphore(%arg12 : memref<!tpu.dma_semaphore, #tpu.memory_space<semaphore_mem>>)
    %dma_start3A_163 = arith.constant 2 : i32
    %dma_start3A_164 = arith.constant 2 : i32
    %dma_start3A_165 = arith.constant 0 : i32
    %dma_start3A_166 = arith.constant 0 : i32
    %dma_start3A_167 = tpu.memref_slice %arg9[%dma_start3A_164, %dma_start3A_165, %dma_start3A_166] : memref<4x64x128xf32, #tpu.memory_space<vmem>> -> memref<1x64x128xf32, #tpu.memory_space<vmem>>
    %dma_start3A_168 = tpu.memref_squeeze %dma_start3A_167 : memref<1x64x128xf32, #tpu.memory_space<vmem>> -> memref<64x128xf32, #tpu.memory_space<vmem>>
    %dma_start3A_169 = arith.constant 0 : i32
    %dma_start3A_170 = tpu.memref_slice %arg7[%dma_start3A_163, %dma_start3A_169] : memref<40x64xi32, #tpu.memory_space<vmem>> -> memref<1x64xi32, #tpu.memory_space<vmem>>
    %dma_start3A_171 = tpu.memref_squeeze %dma_start3A_170 : memref<1x64xi32, #tpu.memory_space<vmem>> -> memref<64xi32, #tpu.memory_space<vmem>>
    %dma_start3A_172 = arith.constant 0 : i32
    %dma_start3A_173 = arith.constant 0 : i32
    %dma_start3A_174 = tpu.memref_slice %arg2[%dma_start3A_172, %dma_start3A_173] : memref<10000x128xf32, #tpu.memory_space<hbm>> -> memref<10000x128xf32, #tpu.memory_space<hbm>>
    tpu.enqueue_indirect_dma source(%dma_start3A_174 : memref<10000x128xf32, #tpu.memory_space<hbm>>) target(%dma_start3A_168 : memref<64x128xf32, #tpu.memory_space<vmem>>) offsets(%dma_start3A_171 : memref<64xi32, #tpu.memory_space<vmem>>) semaphore(%arg13 : memref<!tpu.dma_semaphore, #tpu.memory_space<semaphore_mem>>)
    %dma_start3A_175 = arith.constant 3 : i32
    %dma_start3A_176 = arith.constant 3 : i32
    %dma_start3A_177 = arith.constant 0 : i32
    %dma_start3A_178 = arith.constant 0 : i32
    %dma_start3A_179 = tpu.memref_slice %arg9[%dma_start3A_176, %dma_start3A_177, %dma_start3A_178] : memref<4x64x128xf32, #tpu.memory_space<vmem>> -> memref<1x64x128xf32, #tpu.memory_space<vmem>>
    %dma_start3A_180 = tpu.memref_squeeze %dma_start3A_179 : memref<1x64x128xf32, #tpu.memory_space<vmem>> -> memref<64x128xf32, #tpu.memory_space<vmem>>
    %dma_start3A_181 = arith.constant 0 : i32
    %dma_start3A_182 = tpu.memref_slice %arg7[%dma_start3A_175, %dma_start3A_181] : memref<40x64xi32, #tpu.memory_space<vmem>> -> memref<1x64xi32, #tpu.memory_space<vmem>>
    %dma_start3A_183 = tpu.memref_squeeze %dma_start3A_182 : memref<1x64xi32, #tpu.memory_space<vmem>> -> memref<64xi32, #tpu.memory_space<vmem>>
    %dma_start3A_184 = arith.constant 0 : i32
    %dma_start3A_185 = arith.constant 0 : i32
    %dma_start3A_186 = tpu.memref_slice %arg2[%dma_start3A_184, %dma_start3A_185] : memref<10000x128xf32, #tpu.memory_space<hbm>> -> memref<10000x128xf32, #tpu.memory_space<hbm>>
    tpu.enqueue_indirect_dma source(%dma_start3A_186 : memref<10000x128xf32, #tpu.memory_space<hbm>>) target(%dma_start3A_180 : memref<64x128xf32, #tpu.memory_space<vmem>>) offsets(%dma_start3A_183 : memref<64xi32, #tpu.memory_space<vmem>>) semaphore(%arg14 : memref<!tpu.dma_semaphore, #tpu.memory_space<semaphore_mem>>)
    %scan3A_187 = arith.constant 0 : i32
    %scan3A_188 = arith.constant 0 : i32
    %scan3A_189 = arith.constant 10 : i32
    %scan3A_190 = arith.addi %scan3A_188, %scan3A_189 : i32
    %scan3A_191 = arith.constant 1 : i32
    scf.for %scan3A_252 = %scan3A_188 to %scan3A_190 step %scan3A_191  : i32 {
      %mul3A_253 = arith.constant 4 : i32
      %mul3A_254 = arith.muli %scan3A_252, %mul3A_253 : i32
      %add3A_255 = arith.constant 0 : i32
      %add3A_256 = arith.addi %mul3A_254, %add3A_255 : i32
      %dma_wait3A = arith.constant 0 : i32
      %dma_wait3A_257 = arith.constant 0 : i32
      %dma_wait3A_258 = arith.constant 0 : i32
      %dma_wait3A_259 = tpu.memref_slice %arg9[%dma_wait3A, %dma_wait3A_257, %dma_wait3A_258] : memref<4x64x128xf32, #tpu.memory_space<vmem>> -> memref<1x64x128xf32, #tpu.memory_space<vmem>>
      %dma_wait3A_260 = tpu.memref_squeeze %dma_wait3A_259 : memref<1x64x128xf32, #tpu.memory_space<vmem>> -> memref<64x128xf32, #tpu.memory_space<vmem>>
      %dma_wait3A_261 = arith.constant 0 : i32
      %dma_wait3A_262 = tpu.memref_slice %arg7[%add3A_256, %dma_wait3A_261] : memref<40x64xi32, #tpu.memory_space<vmem>> -> memref<1x64xi32, #tpu.memory_space<vmem>>
      %dma_wait3A_263 = tpu.memref_squeeze %dma_wait3A_262 : memref<1x64xi32, #tpu.memory_space<vmem>> -> memref<64xi32, #tpu.memory_space<vmem>>
      %dma_wait3A_264 = arith.constant 0 : i32
      %dma_wait3A_265 = arith.constant 0 : i32
      %dma_wait3A_266 = tpu.memref_slice %arg2[%dma_wait3A_264, %dma_wait3A_265] : memref<10000x128xf32, #tpu.memory_space<hbm>> -> memref<10000x128xf32, #tpu.memory_space<hbm>>
      tpu.wait_indirect_dma semaphore(%arg11 : memref<!tpu.dma_semaphore, #tpu.memory_space<semaphore_mem>>) src(%dma_wait3A_266 : memref<10000x128xf32, #tpu.memory_space<hbm>>) dst(%dma_wait3A_260 : memref<64x128xf32, #tpu.memory_space<vmem>>)
      %run_scoped3A_267 = arith.constant 0 : i32
      "tpu.region"() ({
        %run_scoped3A_337 = tpu.sem_alloc : memref<!tpu.dma_semaphore, #tpu.memory_space<semaphore_mem>>
        %dma_start3A_338 = arith.constant 0 : i32
        %dma_start3A_339 = arith.constant 0 : i32
        %dma_start3A_340 = tpu.memref_slice %arg9[%run_scoped3A_267, %dma_start3A_338, %dma_start3A_339] : memref<4x64x128xf32, #tpu.memory_space<vmem>> -> memref<1x64x128xf32, #tpu.memory_space<vmem>>
        %dma_start3A_341 = tpu.memref_squeeze %dma_start3A_340 : memref<1x64x128xf32, #tpu.memory_space<vmem>> -> memref<64x128xf32, #tpu.memory_space<vmem>>
        %dma_start3A_342 = arith.constant 0 : i32
        %dma_start3A_343 = tpu.memref_slice %arg8[%add3A_256, %dma_start3A_342] : memref<40x64xi32, #tpu.memory_space<vmem>> -> memref<1x64xi32, #tpu.memory_space<vmem>>
        %dma_start3A_344 = tpu.memref_squeeze %dma_start3A_343 : memref<1x64xi32, #tpu.memory_space<vmem>> -> memref<64xi32, #tpu.memory_space<vmem>>
        %dma_start3A_345 = arith.constant 0 : i32
        %dma_start3A_346 = arith.constant 0 : i32
        %dma_start3A_347 = tpu.memref_slice %arg10[%dma_start3A_345, %dma_start3A_346] : memref<10112x128xf32, #tpu.memory_space<vmem_shared>> -> memref<10112x128xf32, #tpu.memory_space<vmem_shared>>
        tpu.enqueue_indirect_dma source(%dma_start3A_341 : memref<64x128xf32, #tpu.memory_space<vmem>>) target(%dma_start3A_347 : memref<10112x128xf32, #tpu.memory_space<vmem_shared>>) offsets(%dma_start3A_344 : memref<64xi32, #tpu.memory_space<vmem>>) semaphore(%run_scoped3A_337 : memref<!tpu.dma_semaphore, #tpu.memory_space<semaphore_mem>>) {add = true}
        %dma_wait3A_348 = arith.constant 0 : i32
        %dma_wait3A_349 = arith.constant 0 : i32
        %dma_wait3A_350 = tpu.memref_slice %arg9[%run_scoped3A_267, %dma_wait3A_348, %dma_wait3A_349] : memref<4x64x128xf32, #tpu.memory_space<vmem>> -> memref<1x64x128xf32, #tpu.memory_space<vmem>>
        %dma_wait3A_351 = tpu.memref_squeeze %dma_wait3A_350 : memref<1x64x128xf32, #tpu.memory_space<vmem>> -> memref<64x128xf32, #tpu.memory_space<vmem>>
        %dma_wait3A_352 = arith.constant 0 : i32
        %dma_wait3A_353 = tpu.memref_slice %arg8[%add3A_256, %dma_wait3A_352] : memref<40x64xi32, #tpu.memory_space<vmem>> -> memref<1x64xi32, #tpu.memory_space<vmem>>
        %dma_wait3A_354 = tpu.memref_squeeze %dma_wait3A_353 : memref<1x64xi32, #tpu.memory_space<vmem>> -> memref<64xi32, #tpu.memory_space<vmem>>
        %dma_wait3A_355 = arith.constant 0 : i32
        %dma_wait3A_356 = arith.constant 0 : i32
        %dma_wait3A_357 = tpu.memref_slice %arg10[%dma_wait3A_355, %dma_wait3A_356] : memref<10112x128xf32, #tpu.memory_space<vmem_shared>> -> memref<10112x128xf32, #tpu.memory_space<vmem_shared>>
        tpu.wait_indirect_dma semaphore(%run_scoped3A_337 : memref<!tpu.dma_semaphore, #tpu.memory_space<semaphore_mem>>) src(%dma_wait3A_351 : memref<64x128xf32, #tpu.memory_space<vmem>>) dst(%dma_wait3A_357 : memref<10112x128xf32, #tpu.memory_space<vmem_shared>>)
        tpu.yield
      }) : () -> ()
      %add3A_268 = arith.constant 4 : i32
      %add3A_269 = arith.addi %add3A_256, %add3A_268 : i32
      %lt3A = arith.constant 40 : i32
      %lt3A_270 = arith.cmpi slt, %add3A_269, %lt3A : i32
      %convert_element_type3A_271 = arith.extui %lt3A_270 : i1 to i32
      %cond3A_272 = arith.constant 0 : i32
      %cond3A_273 = arith.cmpi ne, %convert_element_type3A_271, %cond3A_272 : i32
      scf.if %cond3A_273 {
        %add3A_337 = arith.constant 4 : i32
        %add3A_338 = arith.addi %add3A_256, %add3A_337 : i32
        %dma_start3A_339 = arith.constant 0 : i32
        %dma_start3A_340 = arith.constant 0 : i32
        %dma_start3A_341 = arith.constant 0 : i32
        %dma_start3A_342 = tpu.memref_slice %arg9[%dma_start3A_339, %dma_start3A_340, %dma_start3A_341] : memref<4x64x128xf32, #tpu.memory_space<vmem>> -> memref<1x64x128xf32, #tpu.memory_space<vmem>>
        %dma_start3A_343 = tpu.memref_squeeze %dma_start3A_342 : memref<1x64x128xf32, #tpu.memory_space<vmem>> -> memref<64x128xf32, #tpu.memory_space<vmem>>
        %dma_start3A_344 = arith.constant 0 : i32
        %dma_start3A_345 = tpu.memref_slice %arg7[%add3A_338, %dma_start3A_344] : memref<40x64xi32, #tpu.memory_space<vmem>> -> memref<1x64xi32, #tpu.memory_space<vmem>>
        %dma_start3A_346 = tpu.memref_squeeze %dma_start3A_345 : memref<1x64xi32, #tpu.memory_space<vmem>> -> memref<64xi32, #tpu.memory_space<vmem>>
        %dma_start3A_347 = arith.constant 0 : i32
        %dma_start3A_348 = arith.constant 0 : i32
        %dma_start3A_349 = tpu.memref_slice %arg2[%dma_start3A_347, %dma_start3A_348] : memref<10000x128xf32, #tpu.memory_space<hbm>> -> memref<10000x128xf32, #tpu.memory_space<hbm>>
        tpu.enqueue_indirect_dma source(%dma_start3A_349 : memref<10000x128xf32, #tpu.memory_space<hbm>>) target(%dma_start3A_343 : memref<64x128xf32, #tpu.memory_space<vmem>>) offsets(%dma_start3A_346 : memref<64xi32, #tpu.memory_space<vmem>>) semaphore(%arg11 : memref<!tpu.dma_semaphore, #tpu.memory_space<semaphore_mem>>)
      } else {
      }
      %add3A_274 = arith.constant 1 : i32
      %add3A_275 = arith.addi %mul3A_254, %add3A_274 : i32
      %dma_wait3A_276 = arith.constant 1 : i32
      %dma_wait3A_277 = arith.constant 0 : i32
      %dma_wait3A_278 = arith.constant 0 : i32
      %dma_wait3A_279 = tpu.memref_slice %arg9[%dma_wait3A_276, %dma_wait3A_277, %dma_wait3A_278] : memref<4x64x128xf32, #tpu.memory_space<vmem>> -> memref<1x64x128xf32, #tpu.memory_space<vmem>>
      %dma_wait3A_280 = tpu.memref_squeeze %dma_wait3A_279 : memref<1x64x128xf32, #tpu.memory_space<vmem>> -> memref<64x128xf32, #tpu.memory_space<vmem>>
      %dma_wait3A_281 = arith.constant 0 : i32
      %dma_wait3A_282 = tpu.memref_slice %arg7[%add3A_275, %dma_wait3A_281] : memref<40x64xi32, #tpu.memory_space<vmem>> -> memref<1x64xi32, #tpu.memory_space<vmem>>
      %dma_wait3A_283 = tpu.memref_squeeze %dma_wait3A_282 : memref<1x64xi32, #tpu.memory_space<vmem>> -> memref<64xi32, #tpu.memory_space<vmem>>
      %dma_wait3A_284 = arith.constant 0 : i32
      %dma_wait3A_285 = arith.constant 0 : i32
      %dma_wait3A_286 = tpu.memref_slice %arg2[%dma_wait3A_284, %dma_wait3A_285] : memref<10000x128xf32, #tpu.memory_space<hbm>> -> memref<10000x128xf32, #tpu.memory_space<hbm>>
      tpu.wait_indirect_dma semaphore(%arg12 : memref<!tpu.dma_semaphore, #tpu.memory_space<semaphore_mem>>) src(%dma_wait3A_286 : memref<10000x128xf32, #tpu.memory_space<hbm>>) dst(%dma_wait3A_280 : memref<64x128xf32, #tpu.memory_space<vmem>>)
      %run_scoped3A_287 = arith.constant 1 : i32
      "tpu.region"() ({
        %run_scoped3A_337 = tpu.sem_alloc : memref<!tpu.dma_semaphore, #tpu.memory_space<semaphore_mem>>
        %dma_start3A_338 = arith.constant 0 : i32
        %dma_start3A_339 = arith.constant 0 : i32
        %dma_start3A_340 = tpu.memref_slice %arg9[%run_scoped3A_287, %dma_start3A_338, %dma_start3A_339] : memref<4x64x128xf32, #tpu.memory_space<vmem>> -> memref<1x64x128xf32, #tpu.memory_space<vmem>>
        %dma_start3A_341 = tpu.memref_squeeze %dma_start3A_340 : memref<1x64x128xf32, #tpu.memory_space<vmem>> -> memref<64x128xf32, #tpu.memory_space<vmem>>
        %dma_start3A_342 = arith.constant 0 : i32
        %dma_start3A_343 = tpu.memref_slice %arg8[%add3A_275, %dma_start3A_342] : memref<40x64xi32, #tpu.memory_space<vmem>> -> memref<1x64xi32, #tpu.memory_space<vmem>>
        %dma_start3A_344 = tpu.memref_squeeze %dma_start3A_343 : memref<1x64xi32, #tpu.memory_space<vmem>> -> memref<64xi32, #tpu.memory_space<vmem>>
        %dma_start3A_345 = arith.constant 0 : i32
        %dma_start3A_346 = arith.constant 0 : i32
        %dma_start3A_347 = tpu.memref_slice %arg10[%dma_start3A_345, %dma_start3A_346] : memref<10112x128xf32, #tpu.memory_space<vmem_shared>> -> memref<10112x128xf32, #tpu.memory_space<vmem_shared>>
        tpu.enqueue_indirect_dma source(%dma_start3A_341 : memref<64x128xf32, #tpu.memory_space<vmem>>) target(%dma_start3A_347 : memref<10112x128xf32, #tpu.memory_space<vmem_shared>>) offsets(%dma_start3A_344 : memref<64xi32, #tpu.memory_space<vmem>>) semaphore(%run_scoped3A_337 : memref<!tpu.dma_semaphore, #tpu.memory_space<semaphore_mem>>) {add = true}
        %dma_wait3A_348 = arith.constant 0 : i32
        %dma_wait3A_349 = arith.constant 0 : i32
        %dma_wait3A_350 = tpu.memref_slice %arg9[%run_scoped3A_287, %dma_wait3A_348, %dma_wait3A_349] : memref<4x64x128xf32, #tpu.memory_space<vmem>> -> memref<1x64x128xf32, #tpu.memory_space<vmem>>
        %dma_wait3A_351 = tpu.memref_squeeze %dma_wait3A_350 : memref<1x64x128xf32, #tpu.memory_space<vmem>> -> memref<64x128xf32, #tpu.memory_space<vmem>>
        %dma_wait3A_352 = arith.constant 0 : i32
        %dma_wait3A_353 = tpu.memref_slice %arg8[%add3A_275, %dma_wait3A_352] : memref<40x64xi32, #tpu.memory_space<vmem>> -> memref<1x64xi32, #tpu.memory_space<vmem>>
        %dma_wait3A_354 = tpu.memref_squeeze %dma_wait3A_353 : memref<1x64xi32, #tpu.memory_space<vmem>> -> memref<64xi32, #tpu.memory_space<vmem>>
        %dma_wait3A_355 = arith.constant 0 : i32
        %dma_wait3A_356 = arith.constant 0 : i32
        %dma_wait3A_357 = tpu.memref_slice %arg10[%dma_wait3A_355, %dma_wait3A_356] : memref<10112x128xf32, #tpu.memory_space<vmem_shared>> -> memref<10112x128xf32, #tpu.memory_space<vmem_shared>>
        tpu.wait_indirect_dma semaphore(%run_scoped3A_337 : memref<!tpu.dma_semaphore, #tpu.memory_space<semaphore_mem>>) src(%dma_wait3A_351 : memref<64x128xf32, #tpu.memory_space<vmem>>) dst(%dma_wait3A_357 : memref<10112x128xf32, #tpu.memory_space<vmem_shared>>)
        tpu.yield
      }) : () -> ()
      %add3A_288 = arith.constant 4 : i32
      %add3A_289 = arith.addi %add3A_275, %add3A_288 : i32
      %lt3A_290 = arith.constant 40 : i32
      %lt3A_291 = arith.cmpi slt, %add3A_289, %lt3A_290 : i32
      %convert_element_type3A_292 = arith.extui %lt3A_291 : i1 to i32
      %cond3A_293 = arith.constant 0 : i32
      %cond3A_294 = arith.cmpi ne, %convert_element_type3A_292, %cond3A_293 : i32
      scf.if %cond3A_294 {
        %add3A_337 = arith.constant 4 : i32
        %add3A_338 = arith.addi %add3A_275, %add3A_337 : i32
        %dma_start3A_339 = arith.constant 1 : i32
        %dma_start3A_340 = arith.constant 0 : i32
        %dma_start3A_341 = arith.constant 0 : i32
        %dma_start3A_342 = tpu.memref_slice %arg9[%dma_start3A_339, %dma_start3A_340, %dma_start3A_341] : memref<4x64x128xf32, #tpu.memory_space<vmem>> -> memref<1x64x128xf32, #tpu.memory_space<vmem>>
        %dma_start3A_343 = tpu.memref_squeeze %dma_start3A_342 : memref<1x64x128xf32, #tpu.memory_space<vmem>> -> memref<64x128xf32, #tpu.memory_space<vmem>>
        %dma_start3A_344 = arith.constant 0 : i32
        %dma_start3A_345 = tpu.memref_slice %arg7[%add3A_338, %dma_start3A_344] : memref<40x64xi32, #tpu.memory_space<vmem>> -> memref<1x64xi32, #tpu.memory_space<vmem>>
        %dma_start3A_346 = tpu.memref_squeeze %dma_start3A_345 : memref<1x64xi32, #tpu.memory_space<vmem>> -> memref<64xi32, #tpu.memory_space<vmem>>
        %dma_start3A_347 = arith.constant 0 : i32
        %dma_start3A_348 = arith.constant 0 : i32
        %dma_start3A_349 = tpu.memref_slice %arg2[%dma_start3A_347, %dma_start3A_348] : memref<10000x128xf32, #tpu.memory_space<hbm>> -> memref<10000x128xf32, #tpu.memory_space<hbm>>
        tpu.enqueue_indirect_dma source(%dma_start3A_349 : memref<10000x128xf32, #tpu.memory_space<hbm>>) target(%dma_start3A_343 : memref<64x128xf32, #tpu.memory_space<vmem>>) offsets(%dma_start3A_346 : memref<64xi32, #tpu.memory_space<vmem>>) semaphore(%arg12 : memref<!tpu.dma_semaphore, #tpu.memory_space<semaphore_mem>>)
      } else {
      }
      %add3A_295 = arith.constant 2 : i32
      %add3A_296 = arith.addi %mul3A_254, %add3A_295 : i32
      %dma_wait3A_297 = arith.constant 2 : i32
      %dma_wait3A_298 = arith.constant 0 : i32
      %dma_wait3A_299 = arith.constant 0 : i32
      %dma_wait3A_300 = tpu.memref_slice %arg9[%dma_wait3A_297, %dma_wait3A_298, %dma_wait3A_299] : memref<4x64x128xf32, #tpu.memory_space<vmem>> -> memref<1x64x128xf32, #tpu.memory_space<vmem>>
      %dma_wait3A_301 = tpu.memref_squeeze %dma_wait3A_300 : memref<1x64x128xf32, #tpu.memory_space<vmem>> -> memref<64x128xf32, #tpu.memory_space<vmem>>
      %dma_wait3A_302 = arith.constant 0 : i32
      %dma_wait3A_303 = tpu.memref_slice %arg7[%add3A_296, %dma_wait3A_302] : memref<40x64xi32, #tpu.memory_space<vmem>> -> memref<1x64xi32, #tpu.memory_space<vmem>>
      %dma_wait3A_304 = tpu.memref_squeeze %dma_wait3A_303 : memref<1x64xi32, #tpu.memory_space<vmem>> -> memref<64xi32, #tpu.memory_space<vmem>>
      %dma_wait3A_305 = arith.constant 0 : i32
      %dma_wait3A_306 = arith.constant 0 : i32
      %dma_wait3A_307 = tpu.memref_slice %arg2[%dma_wait3A_305, %dma_wait3A_306] : memref<10000x128xf32, #tpu.memory_space<hbm>> -> memref<10000x128xf32, #tpu.memory_space<hbm>>
      tpu.wait_indirect_dma semaphore(%arg13 : memref<!tpu.dma_semaphore, #tpu.memory_space<semaphore_mem>>) src(%dma_wait3A_307 : memref<10000x128xf32, #tpu.memory_space<hbm>>) dst(%dma_wait3A_301 : memref<64x128xf32, #tpu.memory_space<vmem>>)
      %run_scoped3A_308 = arith.constant 2 : i32
      "tpu.region"() ({
        %run_scoped3A_337 = tpu.sem_alloc : memref<!tpu.dma_semaphore, #tpu.memory_space<semaphore_mem>>
        %dma_start3A_338 = arith.constant 0 : i32
        %dma_start3A_339 = arith.constant 0 : i32
        %dma_start3A_340 = tpu.memref_slice %arg9[%run_scoped3A_308, %dma_start3A_338, %dma_start3A_339] : memref<4x64x128xf32, #tpu.memory_space<vmem>> -> memref<1x64x128xf32, #tpu.memory_space<vmem>>
        %dma_start3A_341 = tpu.memref_squeeze %dma_start3A_340 : memref<1x64x128xf32, #tpu.memory_space<vmem>> -> memref<64x128xf32, #tpu.memory_space<vmem>>
        %dma_start3A_342 = arith.constant 0 : i32
        %dma_start3A_343 = tpu.memref_slice %arg8[%add3A_296, %dma_start3A_342] : memref<40x64xi32, #tpu.memory_space<vmem>> -> memref<1x64xi32, #tpu.memory_space<vmem>>
        %dma_start3A_344 = tpu.memref_squeeze %dma_start3A_343 : memref<1x64xi32, #tpu.memory_space<vmem>> -> memref<64xi32, #tpu.memory_space<vmem>>
        %dma_start3A_345 = arith.constant 0 : i32
        %dma_start3A_346 = arith.constant 0 : i32
        %dma_start3A_347 = tpu.memref_slice %arg10[%dma_start3A_345, %dma_start3A_346] : memref<10112x128xf32, #tpu.memory_space<vmem_shared>> -> memref<10112x128xf32, #tpu.memory_space<vmem_shared>>
        tpu.enqueue_indirect_dma source(%dma_start3A_341 : memref<64x128xf32, #tpu.memory_space<vmem>>) target(%dma_start3A_347 : memref<10112x128xf32, #tpu.memory_space<vmem_shared>>) offsets(%dma_start3A_344 : memref<64xi32, #tpu.memory_space<vmem>>) semaphore(%run_scoped3A_337 : memref<!tpu.dma_semaphore, #tpu.memory_space<semaphore_mem>>) {add = true}
        %dma_wait3A_348 = arith.constant 0 : i32
        %dma_wait3A_349 = arith.constant 0 : i32
        %dma_wait3A_350 = tpu.memref_slice %arg9[%run_scoped3A_308, %dma_wait3A_348, %dma_wait3A_349] : memref<4x64x128xf32, #tpu.memory_space<vmem>> -> memref<1x64x128xf32, #tpu.memory_space<vmem>>
        %dma_wait3A_351 = tpu.memref_squeeze %dma_wait3A_350 : memref<1x64x128xf32, #tpu.memory_space<vmem>> -> memref<64x128xf32, #tpu.memory_space<vmem>>
        %dma_wait3A_352 = arith.constant 0 : i32
        %dma_wait3A_353 = tpu.memref_slice %arg8[%add3A_296, %dma_wait3A_352] : memref<40x64xi32, #tpu.memory_space<vmem>> -> memref<1x64xi32, #tpu.memory_space<vmem>>
        %dma_wait3A_354 = tpu.memref_squeeze %dma_wait3A_353 : memref<1x64xi32, #tpu.memory_space<vmem>> -> memref<64xi32, #tpu.memory_space<vmem>>
        %dma_wait3A_355 = arith.constant 0 : i32
        %dma_wait3A_356 = arith.constant 0 : i32
        %dma_wait3A_357 = tpu.memref_slice %arg10[%dma_wait3A_355, %dma_wait3A_356] : memref<10112x128xf32, #tpu.memory_space<vmem_shared>> -> memref<10112x128xf32, #tpu.memory_space<vmem_shared>>
        tpu.wait_indirect_dma semaphore(%run_scoped3A_337 : memref<!tpu.dma_semaphore, #tpu.memory_space<semaphore_mem>>) src(%dma_wait3A_351 : memref<64x128xf32, #tpu.memory_space<vmem>>) dst(%dma_wait3A_357 : memref<10112x128xf32, #tpu.memory_space<vmem_shared>>)
        tpu.yield
      }) : () -> ()
      %add3A_309 = arith.constant 4 : i32
      %add3A_310 = arith.addi %add3A_296, %add3A_309 : i32
      %lt3A_311 = arith.constant 40 : i32
      %lt3A_312 = arith.cmpi slt, %add3A_310, %lt3A_311 : i32
      %convert_element_type3A_313 = arith.extui %lt3A_312 : i1 to i32
      %cond3A_314 = arith.constant 0 : i32
      %cond3A_315 = arith.cmpi ne, %convert_element_type3A_313, %cond3A_314 : i32
      scf.if %cond3A_315 {
        %add3A_337 = arith.constant 4 : i32
        %add3A_338 = arith.addi %add3A_296, %add3A_337 : i32
        %dma_start3A_339 = arith.constant 2 : i32
        %dma_start3A_340 = arith.constant 0 : i32
        %dma_start3A_341 = arith.constant 0 : i32
        %dma_start3A_342 = tpu.memref_slice %arg9[%dma_start3A_339, %dma_start3A_340, %dma_start3A_341] : memref<4x64x128xf32, #tpu.memory_space<vmem>> -> memref<1x64x128xf32, #tpu.memory_space<vmem>>
        %dma_start3A_343 = tpu.memref_squeeze %dma_start3A_342 : memref<1x64x128xf32, #tpu.memory_space<vmem>> -> memref<64x128xf32, #tpu.memory_space<vmem>>
        %dma_start3A_344 = arith.constant 0 : i32
        %dma_start3A_345 = tpu.memref_slice %arg7[%add3A_338, %dma_start3A_344] : memref<40x64xi32, #tpu.memory_space<vmem>> -> memref<1x64xi32, #tpu.memory_space<vmem>>
        %dma_start3A_346 = tpu.memref_squeeze %dma_start3A_345 : memref<1x64xi32, #tpu.memory_space<vmem>> -> memref<64xi32, #tpu.memory_space<vmem>>
        %dma_start3A_347 = arith.constant 0 : i32
        %dma_start3A_348 = arith.constant 0 : i32
        %dma_start3A_349 = tpu.memref_slice %arg2[%dma_start3A_347, %dma_start3A_348] : memref<10000x128xf32, #tpu.memory_space<hbm>> -> memref<10000x128xf32, #tpu.memory_space<hbm>>
        tpu.enqueue_indirect_dma source(%dma_start3A_349 : memref<10000x128xf32, #tpu.memory_space<hbm>>) target(%dma_start3A_343 : memref<64x128xf32, #tpu.memory_space<vmem>>) offsets(%dma_start3A_346 : memref<64xi32, #tpu.memory_space<vmem>>) semaphore(%arg13 : memref<!tpu.dma_semaphore, #tpu.memory_space<semaphore_mem>>)
      } else {
      }
      %add3A_316 = arith.constant 3 : i32
      %add3A_317 = arith.addi %mul3A_254, %add3A_316 : i32
      %dma_wait3A_318 = arith.constant 3 : i32
      %dma_wait3A_319 = arith.constant 0 : i32
      %dma_wait3A_320 = arith.constant 0 : i32
      %dma_wait3A_321 = tpu.memref_slice %arg9[%dma_wait3A_318, %dma_wait3A_319, %dma_wait3A_320] : memref<4x64x128xf32, #tpu.memory_space<vmem>> -> memref<1x64x128xf32, #tpu.memory_space<vmem>>
      %dma_wait3A_322 = tpu.memref_squeeze %dma_wait3A_321 : memref<1x64x128xf32, #tpu.memory_space<vmem>> -> memref<64x128xf32, #tpu.memory_space<vmem>>
      %dma_wait3A_323 = arith.constant 0 : i32
      %dma_wait3A_324 = tpu.memref_slice %arg7[%add3A_317, %dma_wait3A_323] : memref<40x64xi32, #tpu.memory_space<vmem>> -> memref<1x64xi32, #tpu.memory_space<vmem>>
      %dma_wait3A_325 = tpu.memref_squeeze %dma_wait3A_324 : memref<1x64xi32, #tpu.memory_space<vmem>> -> memref<64xi32, #tpu.memory_space<vmem>>
      %dma_wait3A_326 = arith.constant 0 : i32
      %dma_wait3A_327 = arith.constant 0 : i32
      %dma_wait3A_328 = tpu.memref_slice %arg2[%dma_wait3A_326, %dma_wait3A_327] : memref<10000x128xf32, #tpu.memory_space<hbm>> -> memref<10000x128xf32, #tpu.memory_space<hbm>>
      tpu.wait_indirect_dma semaphore(%arg14 : memref<!tpu.dma_semaphore, #tpu.memory_space<semaphore_mem>>) src(%dma_wait3A_328 : memref<10000x128xf32, #tpu.memory_space<hbm>>) dst(%dma_wait3A_322 : memref<64x128xf32, #tpu.memory_space<vmem>>)
      %run_scoped3A_329 = arith.constant 3 : i32
      "tpu.region"() ({
        %run_scoped3A_337 = tpu.sem_alloc : memref<!tpu.dma_semaphore, #tpu.memory_space<semaphore_mem>>
        %dma_start3A_338 = arith.constant 0 : i32
        %dma_start3A_339 = arith.constant 0 : i32
        %dma_start3A_340 = tpu.memref_slice %arg9[%run_scoped3A_329, %dma_start3A_338, %dma_start3A_339] : memref<4x64x128xf32, #tpu.memory_space<vmem>> -> memref<1x64x128xf32, #tpu.memory_space<vmem>>
        %dma_start3A_341 = tpu.memref_squeeze %dma_start3A_340 : memref<1x64x128xf32, #tpu.memory_space<vmem>> -> memref<64x128xf32, #tpu.memory_space<vmem>>
        %dma_start3A_342 = arith.constant 0 : i32
        %dma_start3A_343 = tpu.memref_slice %arg8[%add3A_317, %dma_start3A_342] : memref<40x64xi32, #tpu.memory_space<vmem>> -> memref<1x64xi32, #tpu.memory_space<vmem>>
        %dma_start3A_344 = tpu.memref_squeeze %dma_start3A_343 : memref<1x64xi32, #tpu.memory_space<vmem>> -> memref<64xi32, #tpu.memory_space<vmem>>
        %dma_start3A_345 = arith.constant 0 : i32
        %dma_start3A_346 = arith.constant 0 : i32
        %dma_start3A_347 = tpu.memref_slice %arg10[%dma_start3A_345, %dma_start3A_346] : memref<10112x128xf32, #tpu.memory_space<vmem_shared>> -> memref<10112x128xf32, #tpu.memory_space<vmem_shared>>
        tpu.enqueue_indirect_dma source(%dma_start3A_341 : memref<64x128xf32, #tpu.memory_space<vmem>>) target(%dma_start3A_347 : memref<10112x128xf32, #tpu.memory_space<vmem_shared>>) offsets(%dma_start3A_344 : memref<64xi32, #tpu.memory_space<vmem>>) semaphore(%run_scoped3A_337 : memref<!tpu.dma_semaphore, #tpu.memory_space<semaphore_mem>>) {add = true}
        %dma_wait3A_348 = arith.constant 0 : i32
        %dma_wait3A_349 = arith.constant 0 : i32
        %dma_wait3A_350 = tpu.memref_slice %arg9[%run_scoped3A_329, %dma_wait3A_348, %dma_wait3A_349] : memref<4x64x128xf32, #tpu.memory_space<vmem>> -> memref<1x64x128xf32, #tpu.memory_space<vmem>>
        %dma_wait3A_351 = tpu.memref_squeeze %dma_wait3A_350 : memref<1x64x128xf32, #tpu.memory_space<vmem>> -> memref<64x128xf32, #tpu.memory_space<vmem>>
        %dma_wait3A_352 = arith.constant 0 : i32
        %dma_wait3A_353 = tpu.memref_slice %arg8[%add3A_317, %dma_wait3A_352] : memref<40x64xi32, #tpu.memory_space<vmem>> -> memref<1x64xi32, #tpu.memory_space<vmem>>
        %dma_wait3A_354 = tpu.memref_squeeze %dma_wait3A_353 : memref<1x64xi32, #tpu.memory_space<vmem>> -> memref<64xi32, #tpu.memory_space<vmem>>
        %dma_wait3A_355 = arith.constant 0 : i32
        %dma_wait3A_356 = arith.constant 0 : i32
        %dma_wait3A_357 = tpu.memref_slice %arg10[%dma_wait3A_355, %dma_wait3A_356] : memref<10112x128xf32, #tpu.memory_space<vmem_shared>> -> memref<10112x128xf32, #tpu.memory_space<vmem_shared>>
        tpu.wait_indirect_dma semaphore(%run_scoped3A_337 : memref<!tpu.dma_semaphore, #tpu.memory_space<semaphore_mem>>) src(%dma_wait3A_351 : memref<64x128xf32, #tpu.memory_space<vmem>>) dst(%dma_wait3A_357 : memref<10112x128xf32, #tpu.memory_space<vmem_shared>>)
        tpu.yield
      }) : () -> ()
      %add3A_330 = arith.constant 4 : i32
      %add3A_331 = arith.addi %add3A_317, %add3A_330 : i32
      %lt3A_332 = arith.constant 40 : i32
      %lt3A_333 = arith.cmpi slt, %add3A_331, %lt3A_332 : i32
      %convert_element_type3A_334 = arith.extui %lt3A_333 : i1 to i32
      %cond3A_335 = arith.constant 0 : i32
      %cond3A_336 = arith.cmpi ne, %convert_element_type3A_334, %cond3A_335 : i32
      scf.if %cond3A_336 {
        %add3A_337 = arith.constant 4 : i32
        %add3A_338 = arith.addi %add3A_317, %add3A_337 : i32
        %dma_start3A_339 = arith.constant 3 : i32
        %dma_start3A_340 = arith.constant 0 : i32
        %dma_start3A_341 = arith.constant 0 : i32
        %dma_start3A_342 = tpu.memref_slice %arg9[%dma_start3A_339, %dma_start3A_340, %dma_start3A_341] : memref<4x64x128xf32, #tpu.memory_space<vmem>> -> memref<1x64x128xf32, #tpu.memory_space<vmem>>
        %dma_start3A_343 = tpu.memref_squeeze %dma_start3A_342 : memref<1x64x128xf32, #tpu.memory_space<vmem>> -> memref<64x128xf32, #tpu.memory_space<vmem>>
        %dma_start3A_344 = arith.constant 0 : i32
        %dma_start3A_345 = tpu.memref_slice %arg7[%add3A_338, %dma_start3A_344] : memref<40x64xi32, #tpu.memory_space<vmem>> -> memref<1x64xi32, #tpu.memory_space<vmem>>
        %dma_start3A_346 = tpu.memref_squeeze %dma_start3A_345 : memref<1x64xi32, #tpu.memory_space<vmem>> -> memref<64xi32, #tpu.memory_space<vmem>>
        %dma_start3A_347 = arith.constant 0 : i32
        %dma_start3A_348 = arith.constant 0 : i32
        %dma_start3A_349 = tpu.memref_slice %arg2[%dma_start3A_347, %dma_start3A_348] : memref<10000x128xf32, #tpu.memory_space<hbm>> -> memref<10000x128xf32, #tpu.memory_space<hbm>>
        tpu.enqueue_indirect_dma source(%dma_start3A_349 : memref<10000x128xf32, #tpu.memory_space<hbm>>) target(%dma_start3A_343 : memref<64x128xf32, #tpu.memory_space<vmem>>) offsets(%dma_start3A_346 : memref<64xi32, #tpu.memory_space<vmem>>) semaphore(%arg14 : memref<!tpu.dma_semaphore, #tpu.memory_space<semaphore_mem>>)
      } else {
      }
    }
    %scan3A_192 = arith.constant 10 : i32
    "tpu.region"() ({
      %run_scoped3A_252 = tpu.sem_alloc : memref<!tpu.dma_semaphore, #tpu.memory_space<semaphore_mem>>
      %dma_start3A_253 = arith.constant 120 : i32
      %dma_start3A_254 = arith.constant 0 : i32
      %dma_start3A_255 = tpu.memref_slice %arg3[%add3A, %dma_start3A_253, %dma_start3A_254] : memref<32x160x64xi32, #tpu.memory_space<hbm>> -> memref<1x40x64xi32, #tpu.memory_space<hbm>>
      %dma_start3A_256 = tpu.memref_squeeze %dma_start3A_255 : memref<1x40x64xi32, #tpu.memory_space<hbm>> -> memref<40x64xi32, #tpu.memory_space<hbm>>
      %dma_start3A_257 = arith.constant 120 : i32
      %dma_start3A_258 = arith.constant 0 : i32
      %dma_start3A_259 = tpu.memref_slice %arg3[%add3A, %dma_start3A_257, %dma_start3A_258] : memref<32x160x64xi32, #tpu.memory_space<hbm>> -> memref<1x40x64xi32, #tpu.memory_space<hbm>>
      %dma_start3A_260 = tpu.memref_squeeze %dma_start3A_259 : memref<1x40x64xi32, #tpu.memory_space<hbm>> -> memref<40x64xi32, #tpu.memory_space<hbm>>
      tpu.enqueue_dma source(%dma_start3A_260 : memref<40x64xi32, #tpu.memory_space<hbm>>) target(%arg7 : memref<40x64xi32, #tpu.memory_space<vmem>>) target_semaphore(%run_scoped3A_252 : memref<!tpu.dma_semaphore, #tpu.memory_space<semaphore_mem>>)
      %dma_wait3A = arith.constant 120 : i32
      %dma_wait3A_261 = arith.constant 0 : i32
      %dma_wait3A_262 = tpu.memref_slice %arg3[%add3A, %dma_wait3A, %dma_wait3A_261] : memref<32x160x64xi32, #tpu.memory_space<hbm>> -> memref<1x40x64xi32, #tpu.memory_space<hbm>>
      %dma_wait3A_263 = tpu.memref_squeeze %dma_wait3A_262 : memref<1x40x64xi32, #tpu.memory_space<hbm>> -> memref<40x64xi32, #tpu.memory_space<hbm>>
      %dma_wait3A_264 = arith.constant 120 : i32
      %dma_wait3A_265 = arith.constant 0 : i32
      %dma_wait3A_266 = tpu.memref_slice %arg3[%add3A, %dma_wait3A_264, %dma_wait3A_265] : memref<32x160x64xi32, #tpu.memory_space<hbm>> -> memref<1x40x64xi32, #tpu.memory_space<hbm>>
      %dma_wait3A_267 = tpu.memref_squeeze %dma_wait3A_266 : memref<1x40x64xi32, #tpu.memory_space<hbm>> -> memref<40x64xi32, #tpu.memory_space<hbm>>
      tpu.wait_dma2 semaphore(%run_scoped3A_252 : memref<!tpu.dma_semaphore, #tpu.memory_space<semaphore_mem>>) src(%dma_wait3A_267 : memref<40x64xi32, #tpu.memory_space<hbm>>) dst(%arg7 : memref<40x64xi32, #tpu.memory_space<vmem>>)
      tpu.yield
    }) : () -> ()
    "tpu.region"() ({
      %run_scoped3A_252 = tpu.sem_alloc : memref<!tpu.dma_semaphore, #tpu.memory_space<semaphore_mem>>
      %dma_start3A_253 = arith.constant 120 : i32
      %dma_start3A_254 = arith.constant 0 : i32
      %dma_start3A_255 = tpu.memref_slice %arg4[%add3A, %dma_start3A_253, %dma_start3A_254] : memref<32x160x64xi32, #tpu.memory_space<hbm>> -> memref<1x40x64xi32, #tpu.memory_space<hbm>>
      %dma_start3A_256 = tpu.memref_squeeze %dma_start3A_255 : memref<1x40x64xi32, #tpu.memory_space<hbm>> -> memref<40x64xi32, #tpu.memory_space<hbm>>
      %dma_start3A_257 = arith.constant 120 : i32
      %dma_start3A_258 = arith.constant 0 : i32
      %dma_start3A_259 = tpu.memref_slice %arg4[%add3A, %dma_start3A_257, %dma_start3A_258] : memref<32x160x64xi32, #tpu.memory_space<hbm>> -> memref<1x40x64xi32, #tpu.memory_space<hbm>>
      %dma_start3A_260 = tpu.memref_squeeze %dma_start3A_259 : memref<1x40x64xi32, #tpu.memory_space<hbm>> -> memref<40x64xi32, #tpu.memory_space<hbm>>
      tpu.enqueue_dma source(%dma_start3A_260 : memref<40x64xi32, #tpu.memory_space<hbm>>) target(%arg8 : memref<40x64xi32, #tpu.memory_space<vmem>>) target_semaphore(%run_scoped3A_252 : memref<!tpu.dma_semaphore, #tpu.memory_space<semaphore_mem>>)
      %dma_wait3A = arith.constant 120 : i32
      %dma_wait3A_261 = arith.constant 0 : i32
      %dma_wait3A_262 = tpu.memref_slice %arg4[%add3A, %dma_wait3A, %dma_wait3A_261] : memref<32x160x64xi32, #tpu.memory_space<hbm>> -> memref<1x40x64xi32, #tpu.memory_space<hbm>>
      %dma_wait3A_263 = tpu.memref_squeeze %dma_wait3A_262 : memref<1x40x64xi32, #tpu.memory_space<hbm>> -> memref<40x64xi32, #tpu.memory_space<hbm>>
      %dma_wait3A_264 = arith.constant 120 : i32
      %dma_wait3A_265 = arith.constant 0 : i32
      %dma_wait3A_266 = tpu.memref_slice %arg4[%add3A, %dma_wait3A_264, %dma_wait3A_265] : memref<32x160x64xi32, #tpu.memory_space<hbm>> -> memref<1x40x64xi32, #tpu.memory_space<hbm>>
      %dma_wait3A_267 = tpu.memref_squeeze %dma_wait3A_266 : memref<1x40x64xi32, #tpu.memory_space<hbm>> -> memref<40x64xi32, #tpu.memory_space<hbm>>
      tpu.wait_dma2 semaphore(%run_scoped3A_252 : memref<!tpu.dma_semaphore, #tpu.memory_space<semaphore_mem>>) src(%dma_wait3A_267 : memref<40x64xi32, #tpu.memory_space<hbm>>) dst(%arg8 : memref<40x64xi32, #tpu.memory_space<vmem>>)
      tpu.yield
    }) : () -> ()
    %dma_start3A_193 = arith.constant 0 : i32
    %dma_start3A_194 = arith.constant 0 : i32
    %dma_start3A_195 = arith.constant 0 : i32
    %dma_start3A_196 = arith.constant 0 : i32
    %dma_start3A_197 = tpu.memref_slice %arg9[%dma_start3A_194, %dma_start3A_195, %dma_start3A_196] : memref<4x64x128xf32, #tpu.memory_space<vmem>> -> memref<1x64x128xf32, #tpu.memory_space<vmem>>
    %dma_start3A_198 = tpu.memref_squeeze %dma_start3A_197 : memref<1x64x128xf32, #tpu.memory_space<vmem>> -> memref<64x128xf32, #tpu.memory_space<vmem>>
    %dma_start3A_199 = arith.constant 0 : i32
    %dma_start3A_200 = tpu.memref_slice %arg7[%dma_start3A_193, %dma_start3A_199] : memref<40x64xi32, #tpu.memory_space<vmem>> -> memref<1x64xi32, #tpu.memory_space<vmem>>
    %dma_start3A_201 = tpu.memref_squeeze %dma_start3A_200 : memref<1x64xi32, #tpu.memory_space<vmem>> -> memref<64xi32, #tpu.memory_space<vmem>>
    %dma_start3A_202 = arith.constant 0 : i32
    %dma_start3A_203 = arith.constant 0 : i32
    %dma_start3A_204 = tpu.memref_slice %arg2[%dma_start3A_202, %dma_start3A_203] : memref<10000x128xf32, #tpu.memory_space<hbm>> -> memref<10000x128xf32, #tpu.memory_space<hbm>>
    tpu.enqueue_indirect_dma source(%dma_start3A_204 : memref<10000x128xf32, #tpu.memory_space<hbm>>) target(%dma_start3A_198 : memref<64x128xf32, #tpu.memory_space<vmem>>) offsets(%dma_start3A_201 : memref<64xi32, #tpu.memory_space<vmem>>) semaphore(%arg11 : memref<!tpu.dma_semaphore, #tpu.memory_space<semaphore_mem>>)
    %dma_start3A_205 = arith.constant 1 : i32
    %dma_start3A_206 = arith.constant 1 : i32
    %dma_start3A_207 = arith.constant 0 : i32
    %dma_start3A_208 = arith.constant 0 : i32
    %dma_start3A_209 = tpu.memref_slice %arg9[%dma_start3A_206, %dma_start3A_207, %dma_start3A_208] : memref<4x64x128xf32, #tpu.memory_space<vmem>> -> memref<1x64x128xf32, #tpu.memory_space<vmem>>
    %dma_start3A_210 = tpu.memref_squeeze %dma_start3A_209 : memref<1x64x128xf32, #tpu.memory_space<vmem>> -> memref<64x128xf32, #tpu.memory_space<vmem>>
    %dma_start3A_211 = arith.constant 0 : i32
    %dma_start3A_212 = tpu.memref_slice %arg7[%dma_start3A_205, %dma_start3A_211] : memref<40x64xi32, #tpu.memory_space<vmem>> -> memref<1x64xi32, #tpu.memory_space<vmem>>
    %dma_start3A_213 = tpu.memref_squeeze %dma_start3A_212 : memref<1x64xi32, #tpu.memory_space<vmem>> -> memref<64xi32, #tpu.memory_space<vmem>>
    %dma_start3A_214 = arith.constant 0 : i32
    %dma_start3A_215 = arith.constant 0 : i32
    %dma_start3A_216 = tpu.memref_slice %arg2[%dma_start3A_214, %dma_start3A_215] : memref<10000x128xf32, #tpu.memory_space<hbm>> -> memref<10000x128xf32, #tpu.memory_space<hbm>>
    tpu.enqueue_indirect_dma source(%dma_start3A_216 : memref<10000x128xf32, #tpu.memory_space<hbm>>) target(%dma_start3A_210 : memref<64x128xf32, #tpu.memory_space<vmem>>) offsets(%dma_start3A_213 : memref<64xi32, #tpu.memory_space<vmem>>) semaphore(%arg12 : memref<!tpu.dma_semaphore, #tpu.memory_space<semaphore_mem>>)
    %dma_start3A_217 = arith.constant 2 : i32
    %dma_start3A_218 = arith.constant 2 : i32
    %dma_start3A_219 = arith.constant 0 : i32
    %dma_start3A_220 = arith.constant 0 : i32
    %dma_start3A_221 = tpu.memref_slice %arg9[%dma_start3A_218, %dma_start3A_219, %dma_start3A_220] : memref<4x64x128xf32, #tpu.memory_space<vmem>> -> memref<1x64x128xf32, #tpu.memory_space<vmem>>
    %dma_start3A_222 = tpu.memref_squeeze %dma_start3A_221 : memref<1x64x128xf32, #tpu.memory_space<vmem>> -> memref<64x128xf32, #tpu.memory_space<vmem>>
    %dma_start3A_223 = arith.constant 0 : i32
    %dma_start3A_224 = tpu.memref_slice %arg7[%dma_start3A_217, %dma_start3A_223] : memref<40x64xi32, #tpu.memory_space<vmem>> -> memref<1x64xi32, #tpu.memory_space<vmem>>
    %dma_start3A_225 = tpu.memref_squeeze %dma_start3A_224 : memref<1x64xi32, #tpu.memory_space<vmem>> -> memref<64xi32, #tpu.memory_space<vmem>>
    %dma_start3A_226 = arith.constant 0 : i32
    %dma_start3A_227 = arith.constant 0 : i32
    %dma_start3A_228 = tpu.memref_slice %arg2[%dma_start3A_226, %dma_start3A_227] : memref<10000x128xf32, #tpu.memory_space<hbm>> -> memref<10000x128xf32, #tpu.memory_space<hbm>>
    tpu.enqueue_indirect_dma source(%dma_start3A_228 : memref<10000x128xf32, #tpu.memory_space<hbm>>) target(%dma_start3A_222 : memref<64x128xf32, #tpu.memory_space<vmem>>) offsets(%dma_start3A_225 : memref<64xi32, #tpu.memory_space<vmem>>) semaphore(%arg13 : memref<!tpu.dma_semaphore, #tpu.memory_space<semaphore_mem>>)
    %dma_start3A_229 = arith.constant 3 : i32
    %dma_start3A_230 = arith.constant 3 : i32
    %dma_start3A_231 = arith.constant 0 : i32
    %dma_start3A_232 = arith.constant 0 : i32
    %dma_start3A_233 = tpu.memref_slice %arg9[%dma_start3A_230, %dma_start3A_231, %dma_start3A_232] : memref<4x64x128xf32, #tpu.memory_space<vmem>> -> memref<1x64x128xf32, #tpu.memory_space<vmem>>
    %dma_start3A_234 = tpu.memref_squeeze %dma_start3A_233 : memref<1x64x128xf32, #tpu.memory_space<vmem>> -> memref<64x128xf32, #tpu.memory_space<vmem>>
    %dma_start3A_235 = arith.constant 0 : i32
    %dma_start3A_236 = tpu.memref_slice %arg7[%dma_start3A_229, %dma_start3A_235] : memref<40x64xi32, #tpu.memory_space<vmem>> -> memref<1x64xi32, #tpu.memory_space<vmem>>
    %dma_start3A_237 = tpu.memref_squeeze %dma_start3A_236 : memref<1x64xi32, #tpu.memory_space<vmem>> -> memref<64xi32, #tpu.memory_space<vmem>>
    %dma_start3A_238 = arith.constant 0 : i32
    %dma_start3A_239 = arith.constant 0 : i32
    %dma_start3A_240 = tpu.memref_slice %arg2[%dma_start3A_238, %dma_start3A_239] : memref<10000x128xf32, #tpu.memory_space<hbm>> -> memref<10000x128xf32, #tpu.memory_space<hbm>>
    tpu.enqueue_indirect_dma source(%dma_start3A_240 : memref<10000x128xf32, #tpu.memory_space<hbm>>) target(%dma_start3A_234 : memref<64x128xf32, #tpu.memory_space<vmem>>) offsets(%dma_start3A_237 : memref<64xi32, #tpu.memory_space<vmem>>) semaphore(%arg14 : memref<!tpu.dma_semaphore, #tpu.memory_space<semaphore_mem>>)
    %scan3A_241 = arith.constant 0 : i32
    %scan3A_242 = arith.constant 0 : i32
    %scan3A_243 = arith.constant 10 : i32
    %scan3A_244 = arith.addi %scan3A_242, %scan3A_243 : i32
    %scan3A_245 = arith.constant 1 : i32
    scf.for %scan3A_252 = %scan3A_242 to %scan3A_244 step %scan3A_245  : i32 {
      %mul3A_253 = arith.constant 4 : i32
      %mul3A_254 = arith.muli %scan3A_252, %mul3A_253 : i32
      %add3A_255 = arith.constant 0 : i32
      %add3A_256 = arith.addi %mul3A_254, %add3A_255 : i32
      %dma_wait3A = arith.constant 0 : i32
      %dma_wait3A_257 = arith.constant 0 : i32
      %dma_wait3A_258 = arith.constant 0 : i32
      %dma_wait3A_259 = tpu.memref_slice %arg9[%dma_wait3A, %dma_wait3A_257, %dma_wait3A_258] : memref<4x64x128xf32, #tpu.memory_space<vmem>> -> memref<1x64x128xf32, #tpu.memory_space<vmem>>
      %dma_wait3A_260 = tpu.memref_squeeze %dma_wait3A_259 : memref<1x64x128xf32, #tpu.memory_space<vmem>> -> memref<64x128xf32, #tpu.memory_space<vmem>>
      %dma_wait3A_261 = arith.constant 0 : i32
      %dma_wait3A_262 = tpu.memref_slice %arg7[%add3A_256, %dma_wait3A_261] : memref<40x64xi32, #tpu.memory_space<vmem>> -> memref<1x64xi32, #tpu.memory_space<vmem>>
      %dma_wait3A_263 = tpu.memref_squeeze %dma_wait3A_262 : memref<1x64xi32, #tpu.memory_space<vmem>> -> memref<64xi32, #tpu.memory_space<vmem>>
      %dma_wait3A_264 = arith.constant 0 : i32
      %dma_wait3A_265 = arith.constant 0 : i32
      %dma_wait3A_266 = tpu.memref_slice %arg2[%dma_wait3A_264, %dma_wait3A_265] : memref<10000x128xf32, #tpu.memory_space<hbm>> -> memref<10000x128xf32, #tpu.memory_space<hbm>>
      tpu.wait_indirect_dma semaphore(%arg11 : memref<!tpu.dma_semaphore, #tpu.memory_space<semaphore_mem>>) src(%dma_wait3A_266 : memref<10000x128xf32, #tpu.memory_space<hbm>>) dst(%dma_wait3A_260 : memref<64x128xf32, #tpu.memory_space<vmem>>)
      %run_scoped3A_267 = arith.constant 0 : i32
      "tpu.region"() ({
        %run_scoped3A_337 = tpu.sem_alloc : memref<!tpu.dma_semaphore, #tpu.memory_space<semaphore_mem>>
        %dma_start3A_338 = arith.constant 0 : i32
        %dma_start3A_339 = arith.constant 0 : i32
        %dma_start3A_340 = tpu.memref_slice %arg9[%run_scoped3A_267, %dma_start3A_338, %dma_start3A_339] : memref<4x64x128xf32, #tpu.memory_space<vmem>> -> memref<1x64x128xf32, #tpu.memory_space<vmem>>
        %dma_start3A_341 = tpu.memref_squeeze %dma_start3A_340 : memref<1x64x128xf32, #tpu.memory_space<vmem>> -> memref<64x128xf32, #tpu.memory_space<vmem>>
        %dma_start3A_342 = arith.constant 0 : i32
        %dma_start3A_343 = tpu.memref_slice %arg8[%add3A_256, %dma_start3A_342] : memref<40x64xi32, #tpu.memory_space<vmem>> -> memref<1x64xi32, #tpu.memory_space<vmem>>
        %dma_start3A_344 = tpu.memref_squeeze %dma_start3A_343 : memref<1x64xi32, #tpu.memory_space<vmem>> -> memref<64xi32, #tpu.memory_space<vmem>>
        %dma_start3A_345 = arith.constant 0 : i32
        %dma_start3A_346 = arith.constant 0 : i32
        %dma_start3A_347 = tpu.memref_slice %arg10[%dma_start3A_345, %dma_start3A_346] : memref<10112x128xf32, #tpu.memory_space<vmem_shared>> -> memref<10112x128xf32, #tpu.memory_space<vmem_shared>>
        tpu.enqueue_indirect_dma source(%dma_start3A_341 : memref<64x128xf32, #tpu.memory_space<vmem>>) target(%dma_start3A_347 : memref<10112x128xf32, #tpu.memory_space<vmem_shared>>) offsets(%dma_start3A_344 : memref<64xi32, #tpu.memory_space<vmem>>) semaphore(%run_scoped3A_337 : memref<!tpu.dma_semaphore, #tpu.memory_space<semaphore_mem>>) {add = true}
        %dma_wait3A_348 = arith.constant 0 : i32
        %dma_wait3A_349 = arith.constant 0 : i32
        %dma_wait3A_350 = tpu.memref_slice %arg9[%run_scoped3A_267, %dma_wait3A_348, %dma_wait3A_349] : memref<4x64x128xf32, #tpu.memory_space<vmem>> -> memref<1x64x128xf32, #tpu.memory_space<vmem>>
        %dma_wait3A_351 = tpu.memref_squeeze %dma_wait3A_350 : memref<1x64x128xf32, #tpu.memory_space<vmem>> -> memref<64x128xf32, #tpu.memory_space<vmem>>
        %dma_wait3A_352 = arith.constant 0 : i32
        %dma_wait3A_353 = tpu.memref_slice %arg8[%add3A_256, %dma_wait3A_352] : memref<40x64xi32, #tpu.memory_space<vmem>> -> memref<1x64xi32, #tpu.memory_space<vmem>>
        %dma_wait3A_354 = tpu.memref_squeeze %dma_wait3A_353 : memref<1x64xi32, #tpu.memory_space<vmem>> -> memref<64xi32, #tpu.memory_space<vmem>>
        %dma_wait3A_355 = arith.constant 0 : i32
        %dma_wait3A_356 = arith.constant 0 : i32
        %dma_wait3A_357 = tpu.memref_slice %arg10[%dma_wait3A_355, %dma_wait3A_356] : memref<10112x128xf32, #tpu.memory_space<vmem_shared>> -> memref<10112x128xf32, #tpu.memory_space<vmem_shared>>
        tpu.wait_indirect_dma semaphore(%run_scoped3A_337 : memref<!tpu.dma_semaphore, #tpu.memory_space<semaphore_mem>>) src(%dma_wait3A_351 : memref<64x128xf32, #tpu.memory_space<vmem>>) dst(%dma_wait3A_357 : memref<10112x128xf32, #tpu.memory_space<vmem_shared>>)
        tpu.yield
      }) : () -> ()
      %add3A_268 = arith.constant 4 : i32
      %add3A_269 = arith.addi %add3A_256, %add3A_268 : i32
      %lt3A = arith.constant 40 : i32
      %lt3A_270 = arith.cmpi slt, %add3A_269, %lt3A : i32
      %convert_element_type3A_271 = arith.extui %lt3A_270 : i1 to i32
      %cond3A_272 = arith.constant 0 : i32
      %cond3A_273 = arith.cmpi ne, %convert_element_type3A_271, %cond3A_272 : i32
      scf.if %cond3A_273 {
        %add3A_337 = arith.constant 4 : i32
        %add3A_338 = arith.addi %add3A_256, %add3A_337 : i32
        %dma_start3A_339 = arith.constant 0 : i32
        %dma_start3A_340 = arith.constant 0 : i32
        %dma_start3A_341 = arith.constant 0 : i32
        %dma_start3A_342 = tpu.memref_slice %arg9[%dma_start3A_339, %dma_start3A_340, %dma_start3A_341] : memref<4x64x128xf32, #tpu.memory_space<vmem>> -> memref<1x64x128xf32, #tpu.memory_space<vmem>>
        %dma_start3A_343 = tpu.memref_squeeze %dma_start3A_342 : memref<1x64x128xf32, #tpu.memory_space<vmem>> -> memref<64x128xf32, #tpu.memory_space<vmem>>
        %dma_start3A_344 = arith.constant 0 : i32
        %dma_start3A_345 = tpu.memref_slice %arg7[%add3A_338, %dma_start3A_344] : memref<40x64xi32, #tpu.memory_space<vmem>> -> memref<1x64xi32, #tpu.memory_space<vmem>>
        %dma_start3A_346 = tpu.memref_squeeze %dma_start3A_345 : memref<1x64xi32, #tpu.memory_space<vmem>> -> memref<64xi32, #tpu.memory_space<vmem>>
        %dma_start3A_347 = arith.constant 0 : i32
        %dma_start3A_348 = arith.constant 0 : i32
        %dma_start3A_349 = tpu.memref_slice %arg2[%dma_start3A_347, %dma_start3A_348] : memref<10000x128xf32, #tpu.memory_space<hbm>> -> memref<10000x128xf32, #tpu.memory_space<hbm>>
        tpu.enqueue_indirect_dma source(%dma_start3A_349 : memref<10000x128xf32, #tpu.memory_space<hbm>>) target(%dma_start3A_343 : memref<64x128xf32, #tpu.memory_space<vmem>>) offsets(%dma_start3A_346 : memref<64xi32, #tpu.memory_space<vmem>>) semaphore(%arg11 : memref<!tpu.dma_semaphore, #tpu.memory_space<semaphore_mem>>)
      } else {
      }
      %add3A_274 = arith.constant 1 : i32
      %add3A_275 = arith.addi %mul3A_254, %add3A_274 : i32
      %dma_wait3A_276 = arith.constant 1 : i32
      %dma_wait3A_277 = arith.constant 0 : i32
      %dma_wait3A_278 = arith.constant 0 : i32
      %dma_wait3A_279 = tpu.memref_slice %arg9[%dma_wait3A_276, %dma_wait3A_277, %dma_wait3A_278] : memref<4x64x128xf32, #tpu.memory_space<vmem>> -> memref<1x64x128xf32, #tpu.memory_space<vmem>>
      %dma_wait3A_280 = tpu.memref_squeeze %dma_wait3A_279 : memref<1x64x128xf32, #tpu.memory_space<vmem>> -> memref<64x128xf32, #tpu.memory_space<vmem>>
      %dma_wait3A_281 = arith.constant 0 : i32
      %dma_wait3A_282 = tpu.memref_slice %arg7[%add3A_275, %dma_wait3A_281] : memref<40x64xi32, #tpu.memory_space<vmem>> -> memref<1x64xi32, #tpu.memory_space<vmem>>
      %dma_wait3A_283 = tpu.memref_squeeze %dma_wait3A_282 : memref<1x64xi32, #tpu.memory_space<vmem>> -> memref<64xi32, #tpu.memory_space<vmem>>
      %dma_wait3A_284 = arith.constant 0 : i32
      %dma_wait3A_285 = arith.constant 0 : i32
      %dma_wait3A_286 = tpu.memref_slice %arg2[%dma_wait3A_284, %dma_wait3A_285] : memref<10000x128xf32, #tpu.memory_space<hbm>> -> memref<10000x128xf32, #tpu.memory_space<hbm>>
      tpu.wait_indirect_dma semaphore(%arg12 : memref<!tpu.dma_semaphore, #tpu.memory_space<semaphore_mem>>) src(%dma_wait3A_286 : memref<10000x128xf32, #tpu.memory_space<hbm>>) dst(%dma_wait3A_280 : memref<64x128xf32, #tpu.memory_space<vmem>>)
      %run_scoped3A_287 = arith.constant 1 : i32
      "tpu.region"() ({
        %run_scoped3A_337 = tpu.sem_alloc : memref<!tpu.dma_semaphore, #tpu.memory_space<semaphore_mem>>
        %dma_start3A_338 = arith.constant 0 : i32
        %dma_start3A_339 = arith.constant 0 : i32
        %dma_start3A_340 = tpu.memref_slice %arg9[%run_scoped3A_287, %dma_start3A_338, %dma_start3A_339] : memref<4x64x128xf32, #tpu.memory_space<vmem>> -> memref<1x64x128xf32, #tpu.memory_space<vmem>>
        %dma_start3A_341 = tpu.memref_squeeze %dma_start3A_340 : memref<1x64x128xf32, #tpu.memory_space<vmem>> -> memref<64x128xf32, #tpu.memory_space<vmem>>
        %dma_start3A_342 = arith.constant 0 : i32
        %dma_start3A_343 = tpu.memref_slice %arg8[%add3A_275, %dma_start3A_342] : memref<40x64xi32, #tpu.memory_space<vmem>> -> memref<1x64xi32, #tpu.memory_space<vmem>>
        %dma_start3A_344 = tpu.memref_squeeze %dma_start3A_343 : memref<1x64xi32, #tpu.memory_space<vmem>> -> memref<64xi32, #tpu.memory_space<vmem>>
        %dma_start3A_345 = arith.constant 0 : i32
        %dma_start3A_346 = arith.constant 0 : i32
        %dma_start3A_347 = tpu.memref_slice %arg10[%dma_start3A_345, %dma_start3A_346] : memref<10112x128xf32, #tpu.memory_space<vmem_shared>> -> memref<10112x128xf32, #tpu.memory_space<vmem_shared>>
        tpu.enqueue_indirect_dma source(%dma_start3A_341 : memref<64x128xf32, #tpu.memory_space<vmem>>) target(%dma_start3A_347 : memref<10112x128xf32, #tpu.memory_space<vmem_shared>>) offsets(%dma_start3A_344 : memref<64xi32, #tpu.memory_space<vmem>>) semaphore(%run_scoped3A_337 : memref<!tpu.dma_semaphore, #tpu.memory_space<semaphore_mem>>) {add = true}
        %dma_wait3A_348 = arith.constant 0 : i32
        %dma_wait3A_349 = arith.constant 0 : i32
        %dma_wait3A_350 = tpu.memref_slice %arg9[%run_scoped3A_287, %dma_wait3A_348, %dma_wait3A_349] : memref<4x64x128xf32, #tpu.memory_space<vmem>> -> memref<1x64x128xf32, #tpu.memory_space<vmem>>
        %dma_wait3A_351 = tpu.memref_squeeze %dma_wait3A_350 : memref<1x64x128xf32, #tpu.memory_space<vmem>> -> memref<64x128xf32, #tpu.memory_space<vmem>>
        %dma_wait3A_352 = arith.constant 0 : i32
        %dma_wait3A_353 = tpu.memref_slice %arg8[%add3A_275, %dma_wait3A_352] : memref<40x64xi32, #tpu.memory_space<vmem>> -> memref<1x64xi32, #tpu.memory_space<vmem>>
        %dma_wait3A_354 = tpu.memref_squeeze %dma_wait3A_353 : memref<1x64xi32, #tpu.memory_space<vmem>> -> memref<64xi32, #tpu.memory_space<vmem>>
        %dma_wait3A_355 = arith.constant 0 : i32
        %dma_wait3A_356 = arith.constant 0 : i32
        %dma_wait3A_357 = tpu.memref_slice %arg10[%dma_wait3A_355, %dma_wait3A_356] : memref<10112x128xf32, #tpu.memory_space<vmem_shared>> -> memref<10112x128xf32, #tpu.memory_space<vmem_shared>>
        tpu.wait_indirect_dma semaphore(%run_scoped3A_337 : memref<!tpu.dma_semaphore, #tpu.memory_space<semaphore_mem>>) src(%dma_wait3A_351 : memref<64x128xf32, #tpu.memory_space<vmem>>) dst(%dma_wait3A_357 : memref<10112x128xf32, #tpu.memory_space<vmem_shared>>)
        tpu.yield
      }) : () -> ()
      %add3A_288 = arith.constant 4 : i32
      %add3A_289 = arith.addi %add3A_275, %add3A_288 : i32
      %lt3A_290 = arith.constant 40 : i32
      %lt3A_291 = arith.cmpi slt, %add3A_289, %lt3A_290 : i32
      %convert_element_type3A_292 = arith.extui %lt3A_291 : i1 to i32
      %cond3A_293 = arith.constant 0 : i32
      %cond3A_294 = arith.cmpi ne, %convert_element_type3A_292, %cond3A_293 : i32
      scf.if %cond3A_294 {
        %add3A_337 = arith.constant 4 : i32
        %add3A_338 = arith.addi %add3A_275, %add3A_337 : i32
        %dma_start3A_339 = arith.constant 1 : i32
        %dma_start3A_340 = arith.constant 0 : i32
        %dma_start3A_341 = arith.constant 0 : i32
        %dma_start3A_342 = tpu.memref_slice %arg9[%dma_start3A_339, %dma_start3A_340, %dma_start3A_341] : memref<4x64x128xf32, #tpu.memory_space<vmem>> -> memref<1x64x128xf32, #tpu.memory_space<vmem>>
        %dma_start3A_343 = tpu.memref_squeeze %dma_start3A_342 : memref<1x64x128xf32, #tpu.memory_space<vmem>> -> memref<64x128xf32, #tpu.memory_space<vmem>>
        %dma_start3A_344 = arith.constant 0 : i32
        %dma_start3A_345 = tpu.memref_slice %arg7[%add3A_338, %dma_start3A_344] : memref<40x64xi32, #tpu.memory_space<vmem>> -> memref<1x64xi32, #tpu.memory_space<vmem>>
        %dma_start3A_346 = tpu.memref_squeeze %dma_start3A_345 : memref<1x64xi32, #tpu.memory_space<vmem>> -> memref<64xi32, #tpu.memory_space<vmem>>
        %dma_start3A_347 = arith.constant 0 : i32
        %dma_start3A_348 = arith.constant 0 : i32
        %dma_start3A_349 = tpu.memref_slice %arg2[%dma_start3A_347, %dma_start3A_348] : memref<10000x128xf32, #tpu.memory_space<hbm>> -> memref<10000x128xf32, #tpu.memory_space<hbm>>
        tpu.enqueue_indirect_dma source(%dma_start3A_349 : memref<10000x128xf32, #tpu.memory_space<hbm>>) target(%dma_start3A_343 : memref<64x128xf32, #tpu.memory_space<vmem>>) offsets(%dma_start3A_346 : memref<64xi32, #tpu.memory_space<vmem>>) semaphore(%arg12 : memref<!tpu.dma_semaphore, #tpu.memory_space<semaphore_mem>>)
      } else {
      }
      %add3A_295 = arith.constant 2 : i32
      %add3A_296 = arith.addi %mul3A_254, %add3A_295 : i32
      %dma_wait3A_297 = arith.constant 2 : i32
      %dma_wait3A_298 = arith.constant 0 : i32
      %dma_wait3A_299 = arith.constant 0 : i32
      %dma_wait3A_300 = tpu.memref_slice %arg9[%dma_wait3A_297, %dma_wait3A_298, %dma_wait3A_299] : memref<4x64x128xf32, #tpu.memory_space<vmem>> -> memref<1x64x128xf32, #tpu.memory_space<vmem>>
      %dma_wait3A_301 = tpu.memref_squeeze %dma_wait3A_300 : memref<1x64x128xf32, #tpu.memory_space<vmem>> -> memref<64x128xf32, #tpu.memory_space<vmem>>
      %dma_wait3A_302 = arith.constant 0 : i32
      %dma_wait3A_303 = tpu.memref_slice %arg7[%add3A_296, %dma_wait3A_302] : memref<40x64xi32, #tpu.memory_space<vmem>> -> memref<1x64xi32, #tpu.memory_space<vmem>>
      %dma_wait3A_304 = tpu.memref_squeeze %dma_wait3A_303 : memref<1x64xi32, #tpu.memory_space<vmem>> -> memref<64xi32, #tpu.memory_space<vmem>>
      %dma_wait3A_305 = arith.constant 0 : i32
      %dma_wait3A_306 = arith.constant 0 : i32
      %dma_wait3A_307 = tpu.memref_slice %arg2[%dma_wait3A_305, %dma_wait3A_306] : memref<10000x128xf32, #tpu.memory_space<hbm>> -> memref<10000x128xf32, #tpu.memory_space<hbm>>
      tpu.wait_indirect_dma semaphore(%arg13 : memref<!tpu.dma_semaphore, #tpu.memory_space<semaphore_mem>>) src(%dma_wait3A_307 : memref<10000x128xf32, #tpu.memory_space<hbm>>) dst(%dma_wait3A_301 : memref<64x128xf32, #tpu.memory_space<vmem>>)
      %run_scoped3A_308 = arith.constant 2 : i32
      "tpu.region"() ({
        %run_scoped3A_337 = tpu.sem_alloc : memref<!tpu.dma_semaphore, #tpu.memory_space<semaphore_mem>>
        %dma_start3A_338 = arith.constant 0 : i32
        %dma_start3A_339 = arith.constant 0 : i32
        %dma_start3A_340 = tpu.memref_slice %arg9[%run_scoped3A_308, %dma_start3A_338, %dma_start3A_339] : memref<4x64x128xf32, #tpu.memory_space<vmem>> -> memref<1x64x128xf32, #tpu.memory_space<vmem>>
        %dma_start3A_341 = tpu.memref_squeeze %dma_start3A_340 : memref<1x64x128xf32, #tpu.memory_space<vmem>> -> memref<64x128xf32, #tpu.memory_space<vmem>>
        %dma_start3A_342 = arith.constant 0 : i32
        %dma_start3A_343 = tpu.memref_slice %arg8[%add3A_296, %dma_start3A_342] : memref<40x64xi32, #tpu.memory_space<vmem>> -> memref<1x64xi32, #tpu.memory_space<vmem>>
        %dma_start3A_344 = tpu.memref_squeeze %dma_start3A_343 : memref<1x64xi32, #tpu.memory_space<vmem>> -> memref<64xi32, #tpu.memory_space<vmem>>
        %dma_start3A_345 = arith.constant 0 : i32
        %dma_start3A_346 = arith.constant 0 : i32
        %dma_start3A_347 = tpu.memref_slice %arg10[%dma_start3A_345, %dma_start3A_346] : memref<10112x128xf32, #tpu.memory_space<vmem_shared>> -> memref<10112x128xf32, #tpu.memory_space<vmem_shared>>
        tpu.enqueue_indirect_dma source(%dma_start3A_341 : memref<64x128xf32, #tpu.memory_space<vmem>>) target(%dma_start3A_347 : memref<10112x128xf32, #tpu.memory_space<vmem_shared>>) offsets(%dma_start3A_344 : memref<64xi32, #tpu.memory_space<vmem>>) semaphore(%run_scoped3A_337 : memref<!tpu.dma_semaphore, #tpu.memory_space<semaphore_mem>>) {add = true}
        %dma_wait3A_348 = arith.constant 0 : i32
        %dma_wait3A_349 = arith.constant 0 : i32
        %dma_wait3A_350 = tpu.memref_slice %arg9[%run_scoped3A_308, %dma_wait3A_348, %dma_wait3A_349] : memref<4x64x128xf32, #tpu.memory_space<vmem>> -> memref<1x64x128xf32, #tpu.memory_space<vmem>>
        %dma_wait3A_351 = tpu.memref_squeeze %dma_wait3A_350 : memref<1x64x128xf32, #tpu.memory_space<vmem>> -> memref<64x128xf32, #tpu.memory_space<vmem>>
        %dma_wait3A_352 = arith.constant 0 : i32
        %dma_wait3A_353 = tpu.memref_slice %arg8[%add3A_296, %dma_wait3A_352] : memref<40x64xi32, #tpu.memory_space<vmem>> -> memref<1x64xi32, #tpu.memory_space<vmem>>
        %dma_wait3A_354 = tpu.memref_squeeze %dma_wait3A_353 : memref<1x64xi32, #tpu.memory_space<vmem>> -> memref<64xi32, #tpu.memory_space<vmem>>
        %dma_wait3A_355 = arith.constant 0 : i32
        %dma_wait3A_356 = arith.constant 0 : i32
        %dma_wait3A_357 = tpu.memref_slice %arg10[%dma_wait3A_355, %dma_wait3A_356] : memref<10112x128xf32, #tpu.memory_space<vmem_shared>> -> memref<10112x128xf32, #tpu.memory_space<vmem_shared>>
        tpu.wait_indirect_dma semaphore(%run_scoped3A_337 : memref<!tpu.dma_semaphore, #tpu.memory_space<semaphore_mem>>) src(%dma_wait3A_351 : memref<64x128xf32, #tpu.memory_space<vmem>>) dst(%dma_wait3A_357 : memref<10112x128xf32, #tpu.memory_space<vmem_shared>>)
        tpu.yield
      }) : () -> ()
      %add3A_309 = arith.constant 4 : i32
      %add3A_310 = arith.addi %add3A_296, %add3A_309 : i32
      %lt3A_311 = arith.constant 40 : i32
      %lt3A_312 = arith.cmpi slt, %add3A_310, %lt3A_311 : i32
      %convert_element_type3A_313 = arith.extui %lt3A_312 : i1 to i32
      %cond3A_314 = arith.constant 0 : i32
      %cond3A_315 = arith.cmpi ne, %convert_element_type3A_313, %cond3A_314 : i32
      scf.if %cond3A_315 {
        %add3A_337 = arith.constant 4 : i32
        %add3A_338 = arith.addi %add3A_296, %add3A_337 : i32
        %dma_start3A_339 = arith.constant 2 : i32
        %dma_start3A_340 = arith.constant 0 : i32
        %dma_start3A_341 = arith.constant 0 : i32
        %dma_start3A_342 = tpu.memref_slice %arg9[%dma_start3A_339, %dma_start3A_340, %dma_start3A_341] : memref<4x64x128xf32, #tpu.memory_space<vmem>> -> memref<1x64x128xf32, #tpu.memory_space<vmem>>
        %dma_start3A_343 = tpu.memref_squeeze %dma_start3A_342 : memref<1x64x128xf32, #tpu.memory_space<vmem>> -> memref<64x128xf32, #tpu.memory_space<vmem>>
        %dma_start3A_344 = arith.constant 0 : i32
        %dma_start3A_345 = tpu.memref_slice %arg7[%add3A_338, %dma_start3A_344] : memref<40x64xi32, #tpu.memory_space<vmem>> -> memref<1x64xi32, #tpu.memory_space<vmem>>
        %dma_start3A_346 = tpu.memref_squeeze %dma_start3A_345 : memref<1x64xi32, #tpu.memory_space<vmem>> -> memref<64xi32, #tpu.memory_space<vmem>>
        %dma_start3A_347 = arith.constant 0 : i32
        %dma_start3A_348 = arith.constant 0 : i32
        %dma_start3A_349 = tpu.memref_slice %arg2[%dma_start3A_347, %dma_start3A_348] : memref<10000x128xf32, #tpu.memory_space<hbm>> -> memref<10000x128xf32, #tpu.memory_space<hbm>>
        tpu.enqueue_indirect_dma source(%dma_start3A_349 : memref<10000x128xf32, #tpu.memory_space<hbm>>) target(%dma_start3A_343 : memref<64x128xf32, #tpu.memory_space<vmem>>) offsets(%dma_start3A_346 : memref<64xi32, #tpu.memory_space<vmem>>) semaphore(%arg13 : memref<!tpu.dma_semaphore, #tpu.memory_space<semaphore_mem>>)
      } else {
      }
      %add3A_316 = arith.constant 3 : i32
      %add3A_317 = arith.addi %mul3A_254, %add3A_316 : i32
      %dma_wait3A_318 = arith.constant 3 : i32
      %dma_wait3A_319 = arith.constant 0 : i32
      %dma_wait3A_320 = arith.constant 0 : i32
      %dma_wait3A_321 = tpu.memref_slice %arg9[%dma_wait3A_318, %dma_wait3A_319, %dma_wait3A_320] : memref<4x64x128xf32, #tpu.memory_space<vmem>> -> memref<1x64x128xf32, #tpu.memory_space<vmem>>
      %dma_wait3A_322 = tpu.memref_squeeze %dma_wait3A_321 : memref<1x64x128xf32, #tpu.memory_space<vmem>> -> memref<64x128xf32, #tpu.memory_space<vmem>>
      %dma_wait3A_323 = arith.constant 0 : i32
      %dma_wait3A_324 = tpu.memref_slice %arg7[%add3A_317, %dma_wait3A_323] : memref<40x64xi32, #tpu.memory_space<vmem>> -> memref<1x64xi32, #tpu.memory_space<vmem>>
      %dma_wait3A_325 = tpu.memref_squeeze %dma_wait3A_324 : memref<1x64xi32, #tpu.memory_space<vmem>> -> memref<64xi32, #tpu.memory_space<vmem>>
      %dma_wait3A_326 = arith.constant 0 : i32
      %dma_wait3A_327 = arith.constant 0 : i32
      %dma_wait3A_328 = tpu.memref_slice %arg2[%dma_wait3A_326, %dma_wait3A_327] : memref<10000x128xf32, #tpu.memory_space<hbm>> -> memref<10000x128xf32, #tpu.memory_space<hbm>>
      tpu.wait_indirect_dma semaphore(%arg14 : memref<!tpu.dma_semaphore, #tpu.memory_space<semaphore_mem>>) src(%dma_wait3A_328 : memref<10000x128xf32, #tpu.memory_space<hbm>>) dst(%dma_wait3A_322 : memref<64x128xf32, #tpu.memory_space<vmem>>)
      %run_scoped3A_329 = arith.constant 3 : i32
      "tpu.region"() ({
        %run_scoped3A_337 = tpu.sem_alloc : memref<!tpu.dma_semaphore, #tpu.memory_space<semaphore_mem>>
        %dma_start3A_338 = arith.constant 0 : i32
        %dma_start3A_339 = arith.constant 0 : i32
        %dma_start3A_340 = tpu.memref_slice %arg9[%run_scoped3A_329, %dma_start3A_338, %dma_start3A_339] : memref<4x64x128xf32, #tpu.memory_space<vmem>> -> memref<1x64x128xf32, #tpu.memory_space<vmem>>
        %dma_start3A_341 = tpu.memref_squeeze %dma_start3A_340 : memref<1x64x128xf32, #tpu.memory_space<vmem>> -> memref<64x128xf32, #tpu.memory_space<vmem>>
        %dma_start3A_342 = arith.constant 0 : i32
        %dma_start3A_343 = tpu.memref_slice %arg8[%add3A_317, %dma_start3A_342] : memref<40x64xi32, #tpu.memory_space<vmem>> -> memref<1x64xi32, #tpu.memory_space<vmem>>
        %dma_start3A_344 = tpu.memref_squeeze %dma_start3A_343 : memref<1x64xi32, #tpu.memory_space<vmem>> -> memref<64xi32, #tpu.memory_space<vmem>>
        %dma_start3A_345 = arith.constant 0 : i32
        %dma_start3A_346 = arith.constant 0 : i32
        %dma_start3A_347 = tpu.memref_slice %arg10[%dma_start3A_345, %dma_start3A_346] : memref<10112x128xf32, #tpu.memory_space<vmem_shared>> -> memref<10112x128xf32, #tpu.memory_space<vmem_shared>>
        tpu.enqueue_indirect_dma source(%dma_start3A_341 : memref<64x128xf32, #tpu.memory_space<vmem>>) target(%dma_start3A_347 : memref<10112x128xf32, #tpu.memory_space<vmem_shared>>) offsets(%dma_start3A_344 : memref<64xi32, #tpu.memory_space<vmem>>) semaphore(%run_scoped3A_337 : memref<!tpu.dma_semaphore, #tpu.memory_space<semaphore_mem>>) {add = true}
        %dma_wait3A_348 = arith.constant 0 : i32
        %dma_wait3A_349 = arith.constant 0 : i32
        %dma_wait3A_350 = tpu.memref_slice %arg9[%run_scoped3A_329, %dma_wait3A_348, %dma_wait3A_349] : memref<4x64x128xf32, #tpu.memory_space<vmem>> -> memref<1x64x128xf32, #tpu.memory_space<vmem>>
        %dma_wait3A_351 = tpu.memref_squeeze %dma_wait3A_350 : memref<1x64x128xf32, #tpu.memory_space<vmem>> -> memref<64x128xf32, #tpu.memory_space<vmem>>
        %dma_wait3A_352 = arith.constant 0 : i32
        %dma_wait3A_353 = tpu.memref_slice %arg8[%add3A_317, %dma_wait3A_352] : memref<40x64xi32, #tpu.memory_space<vmem>> -> memref<1x64xi32, #tpu.memory_space<vmem>>
        %dma_wait3A_354 = tpu.memref_squeeze %dma_wait3A_353 : memref<1x64xi32, #tpu.memory_space<vmem>> -> memref<64xi32, #tpu.memory_space<vmem>>
        %dma_wait3A_355 = arith.constant 0 : i32
        %dma_wait3A_356 = arith.constant 0 : i32
        %dma_wait3A_357 = tpu.memref_slice %arg10[%dma_wait3A_355, %dma_wait3A_356] : memref<10112x128xf32, #tpu.memory_space<vmem_shared>> -> memref<10112x128xf32, #tpu.memory_space<vmem_shared>>
        tpu.wait_indirect_dma semaphore(%run_scoped3A_337 : memref<!tpu.dma_semaphore, #tpu.memory_space<semaphore_mem>>) src(%dma_wait3A_351 : memref<64x128xf32, #tpu.memory_space<vmem>>) dst(%dma_wait3A_357 : memref<10112x128xf32, #tpu.memory_space<vmem_shared>>)
        tpu.yield
      }) : () -> ()
      %add3A_330 = arith.constant 4 : i32
      %add3A_331 = arith.addi %add3A_317, %add3A_330 : i32
      %lt3A_332 = arith.constant 40 : i32
      %lt3A_333 = arith.cmpi slt, %add3A_331, %lt3A_332 : i32
      %convert_element_type3A_334 = arith.extui %lt3A_333 : i1 to i32
      %cond3A_335 = arith.constant 0 : i32
      %cond3A_336 = arith.cmpi ne, %convert_element_type3A_334, %cond3A_335 : i32
      scf.if %cond3A_336 {
        %add3A_337 = arith.constant 4 : i32
        %add3A_338 = arith.addi %add3A_317, %add3A_337 : i32
        %dma_start3A_339 = arith.constant 3 : i32
        %dma_start3A_340 = arith.constant 0 : i32
        %dma_start3A_341 = arith.constant 0 : i32
        %dma_start3A_342 = tpu.memref_slice %arg9[%dma_start3A_339, %dma_start3A_340, %dma_start3A_341] : memref<4x64x128xf32, #tpu.memory_space<vmem>> -> memref<1x64x128xf32, #tpu.memory_space<vmem>>
        %dma_start3A_343 = tpu.memref_squeeze %dma_start3A_342 : memref<1x64x128xf32, #tpu.memory_space<vmem>> -> memref<64x128xf32, #tpu.memory_space<vmem>>
        %dma_start3A_344 = arith.constant 0 : i32
        %dma_start3A_345 = tpu.memref_slice %arg7[%add3A_338, %dma_start3A_344] : memref<40x64xi32, #tpu.memory_space<vmem>> -> memref<1x64xi32, #tpu.memory_space<vmem>>
        %dma_start3A_346 = tpu.memref_squeeze %dma_start3A_345 : memref<1x64xi32, #tpu.memory_space<vmem>> -> memref<64xi32, #tpu.memory_space<vmem>>
        %dma_start3A_347 = arith.constant 0 : i32
        %dma_start3A_348 = arith.constant 0 : i32
        %dma_start3A_349 = tpu.memref_slice %arg2[%dma_start3A_347, %dma_start3A_348] : memref<10000x128xf32, #tpu.memory_space<hbm>> -> memref<10000x128xf32, #tpu.memory_space<hbm>>
        tpu.enqueue_indirect_dma source(%dma_start3A_349 : memref<10000x128xf32, #tpu.memory_space<hbm>>) target(%dma_start3A_343 : memref<64x128xf32, #tpu.memory_space<vmem>>) offsets(%dma_start3A_346 : memref<64xi32, #tpu.memory_space<vmem>>) semaphore(%arg14 : memref<!tpu.dma_semaphore, #tpu.memory_space<semaphore_mem>>)
      } else {
      }
    }
    %scan3A_246 = arith.constant 10 : i32
    %barrier3A_247 = arith.constant 0 : index
    tpu.barrier barrier_id(%barrier3A_247)
    %mul3A_248 = arith.constant 624 : i32
    %mul3A_249 = arith.muli %arg1, %mul3A_248 : i32
    "tpu.region"() ({
      %run_scoped3A_252 = tpu.sem_alloc : memref<!tpu.dma_semaphore, #tpu.memory_space<semaphore_mem>>
      %dma_start3A_253 = arith.constant 0 : i32
      %dma_start3A_254 = tpu.memref_slice %arg6[%arg0, %mul3A_249, %dma_start3A_253] : memref<2x10000x128xf32, #tpu.memory_space<hbm>> -> memref<1x624x128xf32, #tpu.memory_space<hbm>>
      %dma_start3A_255 = tpu.memref_squeeze %dma_start3A_254 : memref<1x624x128xf32, #tpu.memory_space<hbm>> -> memref<624x128xf32, #tpu.memory_space<hbm>>
      %dma_start3A_256 = arith.constant 0 : i32
      %dma_start3A_257 = tpu.memref_slice %arg10[%mul3A_249, %dma_start3A_256] : memref<10112x128xf32, #tpu.memory_space<vmem_shared>> -> memref<624x128xf32, #tpu.memory_space<vmem_shared>>
      tpu.enqueue_dma source(%dma_start3A_257 : memref<624x128xf32, #tpu.memory_space<vmem_shared>>) target(%dma_start3A_255 : memref<624x128xf32, #tpu.memory_space<hbm>>) target_semaphore(%run_scoped3A_252 : memref<!tpu.dma_semaphore, #tpu.memory_space<semaphore_mem>>)
      %dma_wait3A = arith.constant 0 : i32
      %dma_wait3A_258 = tpu.memref_slice %arg6[%arg0, %mul3A_249, %dma_wait3A] : memref<2x10000x128xf32, #tpu.memory_space<hbm>> -> memref<1x624x128xf32, #tpu.memory_space<hbm>>
      %dma_wait3A_259 = tpu.memref_squeeze %dma_wait3A_258 : memref<1x624x128xf32, #tpu.memory_space<hbm>> -> memref<624x128xf32, #tpu.memory_space<hbm>>
      %dma_wait3A_260 = arith.constant 0 : i32
      %dma_wait3A_261 = tpu.memref_slice %arg10[%mul3A_249, %dma_wait3A_260] : memref<10112x128xf32, #tpu.memory_space<vmem_shared>> -> memref<624x128xf32, #tpu.memory_space<vmem_shared>>
      tpu.wait_dma2 semaphore(%run_scoped3A_252 : memref<!tpu.dma_semaphore, #tpu.memory_space<semaphore_mem>>) src(%dma_wait3A_261 : memref<624x128xf32, #tpu.memory_space<vmem_shared>>) dst(%dma_wait3A_259 : memref<624x128xf32, #tpu.memory_space<hbm>>)
      tpu.yield
    }) : () -> ()
    %eq3A = arith.constant 15 : i32
    %eq3A_250 = arith.cmpi eq, %arg1, %eq3A : i32
    %convert_element_type3A = arith.extui %eq3A_250 : i1 to i32
    %cond3A = arith.constant 0 : i32
    %cond3A_251 = arith.cmpi ne, %convert_element_type3A, %cond3A : i32
    scf.if %cond3A_251 {
      "tpu.region"() ({
        %run_scoped3A_252 = tpu.sem_alloc : memref<!tpu.dma_semaphore, #tpu.memory_space<semaphore_mem>>
        %dma_start3A_253 = arith.constant 9984 : i32
        %dma_start3A_254 = arith.constant 0 : i32
        %dma_start3A_255 = tpu.memref_slice %arg6[%arg0, %dma_start3A_253, %dma_start3A_254] : memref<2x10000x128xf32, #tpu.memory_space<hbm>> -> memref<1x16x128xf32, #tpu.memory_space<hbm>>
        %dma_start3A_256 = tpu.memref_squeeze %dma_start3A_255 : memref<1x16x128xf32, #tpu.memory_space<hbm>> -> memref<16x128xf32, #tpu.memory_space<hbm>>
        %dma_start3A_257 = arith.constant 9984 : i32
        %dma_start3A_258 = arith.constant 0 : i32
        %dma_start3A_259 = tpu.memref_slice %arg10[%dma_start3A_257, %dma_start3A_258] : memref<10112x128xf32, #tpu.memory_space<vmem_shared>> -> memref<16x128xf32, #tpu.memory_space<vmem_shared>>
        tpu.enqueue_dma source(%dma_start3A_259 : memref<16x128xf32, #tpu.memory_space<vmem_shared>>) target(%dma_start3A_256 : memref<16x128xf32, #tpu.memory_space<hbm>>) target_semaphore(%run_scoped3A_252 : memref<!tpu.dma_semaphore, #tpu.memory_space<semaphore_mem>>)
        %dma_wait3A = arith.constant 9984 : i32
        %dma_wait3A_260 = arith.constant 0 : i32
        %dma_wait3A_261 = tpu.memref_slice %arg6[%arg0, %dma_wait3A, %dma_wait3A_260] : memref<2x10000x128xf32, #tpu.memory_space<hbm>> -> memref<1x16x128xf32, #tpu.memory_space<hbm>>
        %dma_wait3A_262 = tpu.memref_squeeze %dma_wait3A_261 : memref<1x16x128xf32, #tpu.memory_space<hbm>> -> memref<16x128xf32, #tpu.memory_space<hbm>>
        %dma_wait3A_263 = arith.constant 9984 : i32
        %dma_wait3A_264 = arith.constant 0 : i32
        %dma_wait3A_265 = tpu.memref_slice %arg10[%dma_wait3A_263, %dma_wait3A_264] : memref<10112x128xf32, #tpu.memory_space<vmem_shared>> -> memref<16x128xf32, #tpu.memory_space<vmem_shared>>
        tpu.wait_dma2 semaphore(%run_scoped3A_252 : memref<!tpu.dma_semaphore, #tpu.memory_space<semaphore_mem>>) src(%dma_wait3A_265 : memref<16x128xf32, #tpu.memory_space<vmem_shared>>) dst(%dma_wait3A_262 : memref<16x128xf32, #tpu.memory_space<hbm>>)
        tpu.yield
      }) : () -> ()
    } else {
    }
    return
  }
}

module attributes {stable_mosaic.version = 14 : i64} {
  func.func @body(%arg0: i32, %arg1: memref<2000x128xf32, #tpu.memory_space<vmem>>, %arg2: memref<2x2000x128xf32, #tpu.memory_space<vmem>>, %arg3: memref<128x128xf32, #tpu.memory_space<vmem>>, %arg4: memref<128x384xf32, #tpu.memory_space<vmem>>, %arg5: memref<1x384xf32, #tpu.memory_space<vmem>>, %arg6: memref<128x384xf32, #tpu.memory_space<vmem>>, %arg7: memref<1x384xf32, #tpu.memory_space<vmem>>, %arg8: memref<128x64xf32, #tpu.memory_space<vmem>>, %arg9: memref<1x64xf32, #tpu.memory_space<vmem>>, %arg10: memref<64x64xf32, #tpu.memory_space<vmem>>, %arg11: memref<1x64xf32, #tpu.memory_space<vmem>>, %arg12: memref<1x64xf32, #tpu.memory_space<vmem>>, %arg13: memref<1x1xf32, #tpu.memory_space<vmem>>, %arg14: memref<2000x1xf32, #tpu.memory_space<vmem>>) attributes {dimension_semantics = [#tpu.dimension_semantics<arbitrary>], iteration_bounds = array<i64: 5>, scalar_prefetch = 0 : i64, scratch_operands = 0 : i64, tpu.core_type = #tpu.core_type<tc>, window_params = [{transform_indices = @transform_0, window_bounds = array<i64: 2000, 128>}, {transform_indices = @transform_1, window_bounds = array<i64: 2, 2000, 128>}, {pipeline_mode = #tpu.pipeline_mode<synchronous>, transform_indices = @transform_2, window_bounds = array<i64: 128, 128>}, {pipeline_mode = #tpu.pipeline_mode<synchronous>, transform_indices = @transform_3, window_bounds = array<i64: 128, 384>}, {pipeline_mode = #tpu.pipeline_mode<synchronous>, transform_indices = @transform_4, window_bounds = array<i64: 1, 384>}, {pipeline_mode = #tpu.pipeline_mode<synchronous>, transform_indices = @transform_5, window_bounds = array<i64: 128, 384>}, {pipeline_mode = #tpu.pipeline_mode<synchronous>, transform_indices = @transform_6, window_bounds = array<i64: 1, 384>}, {pipeline_mode = #tpu.pipeline_mode<synchronous>, transform_indices = @transform_7, window_bounds = array<i64: 128, 64>}, {pipeline_mode = #tpu.pipeline_mode<synchronous>, transform_indices = @transform_8, window_bounds = array<i64: 1, 64>}, {pipeline_mode = #tpu.pipeline_mode<synchronous>, transform_indices = @transform_9, window_bounds = array<i64: 64, 64>}, {pipeline_mode = #tpu.pipeline_mode<synchronous>, transform_indices = @transform_10, window_bounds = array<i64: 1, 64>}, {pipeline_mode = #tpu.pipeline_mode<synchronous>, transform_indices = @transform_11, window_bounds = array<i64: 1, 64>}, {pipeline_mode = #tpu.pipeline_mode<synchronous>, transform_indices = @transform_12, window_bounds = array<i64: 1, 1>}, {transform_indices = @transform_13, window_bounds = array<i64: 2000, 1>}]} {
    %get3A = arith.constant 0 : index
    %get3A_0 = arith.constant 0 : index
    %get3A_1 = vector.load %arg1[%get3A, %get3A_0] : memref<2000x128xf32, #tpu.memory_space<vmem>>, vector<2000x128xf32>
    %get3A_2 = arith.constant 0 : index
    %get3A_3 = arith.constant 0 : index
    %get3A_4 = arith.constant 0 : index
    %get3A_5 = vector.load %arg2[%get3A_2, %get3A_3, %get3A_4] : memref<2x2000x128xf32, #tpu.memory_space<vmem>>, vector<1x2000x128xf32>
    %get3A_6 = vector.shape_cast %get3A_5 : vector<1x2000x128xf32> to vector<2000x128xf32>
    %get3A_7 = arith.constant 1 : index
    %get3A_8 = arith.constant 0 : index
    %get3A_9 = arith.constant 0 : index
    %get3A_10 = vector.load %arg2[%get3A_7, %get3A_8, %get3A_9] : memref<2x2000x128xf32, #tpu.memory_space<vmem>>, vector<1x2000x128xf32>
    %get3A_11 = vector.shape_cast %get3A_10 : vector<1x2000x128xf32> to vector<2000x128xf32>
    %add3A = arith.addf %get3A_6, %get3A_11 : vector<2000x128xf32>
    %get3A_12 = arith.constant 0 : index
    %get3A_13 = arith.constant 0 : index
    %get3A_14 = vector.load %arg3[%get3A_12, %get3A_13] : memref<128x128xf32, #tpu.memory_space<vmem>>, vector<128x128xf32>
    %dot_general3A = arith.constant dense<0.000000e+00> : vector<2000x128xf32>
    %dot_general3A_15 = tpu.matmul %add3A, %get3A_14, %dot_general3A {dimension_numbers = #tpu.dot_dimension_numbers<[1], [0], [0], [1], [0, 0, 1, 1], [], []>, transpose_lhs_hint = false} : vector<2000x128xf32>, vector<128x128xf32>, vector<2000x128xf32> -> vector<2000x128xf32>
    %get3A_16 = arith.constant 0 : index
    %get3A_17 = arith.constant 0 : index
    %get3A_18 = vector.load %arg4[%get3A_16, %get3A_17] : memref<128x384xf32, #tpu.memory_space<vmem>>, vector<128x384xf32>
    %dot_general3A_19 = arith.constant dense<0.000000e+00> : vector<2000x384xf32>
    %dot_general3A_20 = tpu.matmul %dot_general3A_15, %get3A_18, %dot_general3A_19 {dimension_numbers = #tpu.dot_dimension_numbers<[1], [0], [0], [1], [0, 0, 1, 1], [], []>, transpose_lhs_hint = false} : vector<2000x128xf32>, vector<128x384xf32>, vector<2000x384xf32> -> vector<2000x384xf32>
    %get3A_21 = arith.constant 0 : index
    %get3A_22 = arith.constant 0 : index
    %get3A_23 = vector.load %arg5[%get3A_21, %get3A_22] : memref<1x384xf32, #tpu.memory_space<vmem>>, vector<1x384xf32>
    %add3A_24 = vector.broadcast %get3A_23 : vector<1x384xf32> to vector<2000x384xf32>
    %add3A_25 = arith.addf %dot_general3A_20, %add3A_24 : vector<2000x384xf32>
    %get3A_26 = arith.constant 0 : index
    %get3A_27 = arith.constant 0 : index
    %get3A_28 = vector.load %arg6[%get3A_26, %get3A_27] : memref<128x384xf32, #tpu.memory_space<vmem>>, vector<128x384xf32>
    %dot_general3A_29 = arith.constant dense<0.000000e+00> : vector<2000x384xf32>
    %dot_general3A_30 = tpu.matmul %get3A_1, %get3A_28, %dot_general3A_29 {dimension_numbers = #tpu.dot_dimension_numbers<[1], [0], [0], [1], [0, 0, 1, 1], [], []>, transpose_lhs_hint = false} : vector<2000x128xf32>, vector<128x384xf32>, vector<2000x384xf32> -> vector<2000x384xf32>
    %get3A_31 = arith.constant 0 : index
    %get3A_32 = arith.constant 0 : index
    %get3A_33 = vector.load %arg7[%get3A_31, %get3A_32] : memref<1x384xf32, #tpu.memory_space<vmem>>, vector<1x384xf32>
    %add3A_34 = vector.broadcast %get3A_33 : vector<1x384xf32> to vector<2000x384xf32>
    %add3A_35 = arith.addf %dot_general3A_30, %add3A_34 : vector<2000x384xf32>
    %slice3A = vector.extract_strided_slice %add3A_25 {offsets = [0, 0], sizes = [2000, 128], strides = [1, 1]} : vector<2000x384xf32> to vector<2000x128xf32>
    %slice3A_36 = vector.extract_strided_slice %add3A_35 {offsets = [0, 0], sizes = [2000, 128], strides = [1, 1]} : vector<2000x384xf32> to vector<2000x128xf32>
    %add3A_37 = arith.addf %slice3A, %slice3A_36 : vector<2000x128xf32>
    %logistic3A = arith.negf %add3A_37 : vector<2000x128xf32>
    %logistic3A_38 = math.exp %logistic3A : vector<2000x128xf32>
    %logistic3A_39 = arith.constant 1.000000e+00 : f32
    %logistic3A_40 = vector.broadcast %logistic3A_39 : f32 to vector<2000x128xf32>
    %logistic3A_41 = arith.addf %logistic3A_40, %logistic3A_38 : vector<2000x128xf32>
    %logistic3A_42 = arith.divf %logistic3A_40, %logistic3A_41 : vector<2000x128xf32>
    %slice3A_43 = vector.extract_strided_slice %add3A_25 {offsets = [0, 128], sizes = [2000, 128], strides = [1, 1]} : vector<2000x384xf32> to vector<2000x128xf32>
    %slice3A_44 = vector.extract_strided_slice %add3A_35 {offsets = [0, 128], sizes = [2000, 128], strides = [1, 1]} : vector<2000x384xf32> to vector<2000x128xf32>
    %add3A_45 = arith.addf %slice3A_43, %slice3A_44 : vector<2000x128xf32>
    %logistic3A_46 = arith.negf %add3A_45 : vector<2000x128xf32>
    %logistic3A_47 = math.exp %logistic3A_46 : vector<2000x128xf32>
    %logistic3A_48 = arith.constant 1.000000e+00 : f32
    %logistic3A_49 = vector.broadcast %logistic3A_48 : f32 to vector<2000x128xf32>
    %logistic3A_50 = arith.addf %logistic3A_49, %logistic3A_47 : vector<2000x128xf32>
    %logistic3A_51 = arith.divf %logistic3A_49, %logistic3A_50 : vector<2000x128xf32>
    %slice3A_52 = vector.extract_strided_slice %add3A_25 {offsets = [0, 256], sizes = [2000, 128], strides = [1, 1]} : vector<2000x384xf32> to vector<2000x128xf32>
    %slice3A_53 = vector.extract_strided_slice %add3A_35 {offsets = [0, 256], sizes = [2000, 128], strides = [1, 1]} : vector<2000x384xf32> to vector<2000x128xf32>
    %mul3A = arith.mulf %logistic3A_42, %slice3A_53 : vector<2000x128xf32>
    %add3A_54 = arith.addf %slice3A_52, %mul3A : vector<2000x128xf32>
    %tanh3A = math.tanh %add3A_54 : vector<2000x128xf32>
    %sub3A = arith.constant 1.000000e+00 : f32
    %sub3A_55 = vector.broadcast %sub3A : f32 to vector<2000x128xf32>
    %sub3A_56 = arith.subf %sub3A_55, %logistic3A_51 : vector<2000x128xf32>
    %mul3A_57 = arith.mulf %sub3A_56, %tanh3A : vector<2000x128xf32>
    %mul3A_58 = arith.mulf %logistic3A_51, %get3A_1 : vector<2000x128xf32>
    %add3A_59 = arith.addf %mul3A_57, %mul3A_58 : vector<2000x128xf32>
    %get3A_60 = arith.constant 0 : index
    %get3A_61 = arith.constant 0 : index
    %get3A_62 = vector.load %arg8[%get3A_60, %get3A_61] : memref<128x64xf32, #tpu.memory_space<vmem>>, vector<128x64xf32>
    %dot_general3A_63 = arith.constant dense<0.000000e+00> : vector<2000x64xf32>
    %dot_general3A_64 = tpu.matmul %add3A_59, %get3A_62, %dot_general3A_63 {dimension_numbers = #tpu.dot_dimension_numbers<[1], [0], [0], [1], [0, 0, 1, 1], [], []>, transpose_lhs_hint = false} : vector<2000x128xf32>, vector<128x64xf32>, vector<2000x64xf32> -> vector<2000x64xf32>
    %get3A_65 = arith.constant 0 : index
    %get3A_66 = arith.constant 0 : index
    %get3A_67 = vector.load %arg9[%get3A_65, %get3A_66] : memref<1x64xf32, #tpu.memory_space<vmem>>, vector<1x64xf32>
    %add3A_68 = vector.broadcast %get3A_67 : vector<1x64xf32> to vector<2000x64xf32>
    %add3A_69 = arith.addf %dot_general3A_64, %add3A_68 : vector<2000x64xf32>
    %max3A = arith.constant 0.000000e+00 : f32
    %max3A_70 = vector.broadcast %max3A : f32 to vector<2000x64xf32>
    %max3A_71 = arith.maximumf %add3A_69, %max3A_70 : vector<2000x64xf32>
    %get3A_72 = arith.constant 0 : index
    %get3A_73 = arith.constant 0 : index
    %get3A_74 = vector.load %arg10[%get3A_72, %get3A_73] : memref<64x64xf32, #tpu.memory_space<vmem>>, vector<64x64xf32>
    %dot_general3A_75 = arith.constant dense<0.000000e+00> : vector<2000x64xf32>
    %dot_general3A_76 = tpu.matmul %max3A_71, %get3A_74, %dot_general3A_75 {dimension_numbers = #tpu.dot_dimension_numbers<[1], [0], [0], [1], [0, 0, 1, 1], [], []>, transpose_lhs_hint = false} : vector<2000x64xf32>, vector<64x64xf32>, vector<2000x64xf32> -> vector<2000x64xf32>
    %get3A_77 = arith.constant 0 : index
    %get3A_78 = arith.constant 0 : index
    %get3A_79 = vector.load %arg11[%get3A_77, %get3A_78] : memref<1x64xf32, #tpu.memory_space<vmem>>, vector<1x64xf32>
    %add3A_80 = vector.broadcast %get3A_79 : vector<1x64xf32> to vector<2000x64xf32>
    %add3A_81 = arith.addf %dot_general3A_76, %add3A_80 : vector<2000x64xf32>
    %max3A_82 = arith.constant 0.000000e+00 : f32
    %max3A_83 = vector.broadcast %max3A_82 : f32 to vector<2000x64xf32>
    %max3A_84 = arith.maximumf %add3A_81, %max3A_83 : vector<2000x64xf32>
    %get3A_85 = arith.constant 0 : index
    %get3A_86 = arith.constant 0 : index
    %get3A_87 = vector.load %arg12[%get3A_85, %get3A_86] : memref<1x64xf32, #tpu.memory_space<vmem>>, vector<1x64xf32>
    %mul3A_88 = vector.broadcast %get3A_87 : vector<1x64xf32> to vector<2000x64xf32>
    %mul3A_89 = arith.mulf %max3A_84, %mul3A_88 : vector<2000x64xf32>
    %reduce_sum3A = arith.constant dense<0.000000e+00> : vector<2000xf32>
    %reduce_sum3A_90 = vector.multi_reduction <add>, %mul3A_89, %reduce_sum3A [1] : vector<2000x64xf32> to vector<2000xf32>
    %broadcast_in_dim3A = vector.shape_cast %reduce_sum3A_90 : vector<2000xf32> to vector<2000x1xf32>
    %get3A_91 = arith.constant 0 : index
    %get3A_92 = arith.constant 0 : index
    %get3A_93 = vector.load %arg13[%get3A_91, %get3A_92] : memref<1x1xf32, #tpu.memory_space<vmem>>, vector<1x1xf32>
    %add3A_94 = vector.broadcast %get3A_93 : vector<1x1xf32> to vector<2000x1xf32>
    %add3A_95 = arith.addf %broadcast_in_dim3A, %add3A_94 : vector<2000x1xf32>
    %swap3A = arith.constant 0 : index
    %swap3A_96 = arith.constant 0 : index
    %swap3A_97 = vector.load %arg14[%swap3A, %swap3A_96] : memref<2000x1xf32, #tpu.memory_space<vmem>>, vector<2000x1xf32>
    tpu.vector_store %arg14[%swap3A, %swap3A_96], %add3A_95 {strides = array<i32>} : memref<2000x1xf32, #tpu.memory_space<vmem>>, vector<2000x1xf32>,
    return
  }
  func.func @transform_0(%arg0: i32) -> (i32, i32) {
    %c0_i32 = arith.constant 0 : i32
    %c0_i32_0 = arith.constant 0 : i32
    return %arg0, %c0_i32 : i32, i32
  }
  func.func @transform_1(%arg0: i32) -> (i32, i32, i32) {
    %c0_i32 = arith.constant 0 : i32
    %c0_i32_0 = arith.constant 0 : i32
    %c0_i32_1 = arith.constant 0 : i32
    return %c0_i32, %arg0, %c0_i32_0 : i32, i32, i32
  }
  func.func @transform_2(%arg0: i32) -> (i32, i32) {
    %c0_i32 = arith.constant 0 : i32
    %c0_i32_0 = arith.constant 0 : i32
    %c0_i32_1 = arith.constant 0 : i32
    return %c0_i32, %c0_i32_0 : i32, i32
  }
  func.func @transform_3(%arg0: i32) -> (i32, i32) {
    %c0_i32 = arith.constant 0 : i32
    %c0_i32_0 = arith.constant 0 : i32
    %c0_i32_1 = arith.constant 0 : i32
    return %c0_i32, %c0_i32_0 : i32, i32
  }
  func.func @transform_4(%arg0: i32) -> (i32, i32) {
    %c0_i32 = arith.constant 0 : i32
    %c0_i32_0 = arith.constant 0 : i32
    %c0_i32_1 = arith.constant 0 : i32
    return %c0_i32, %c0_i32_0 : i32, i32
  }
  func.func @transform_5(%arg0: i32) -> (i32, i32) {
    %c0_i32 = arith.constant 0 : i32
    %c0_i32_0 = arith.constant 0 : i32
    %c0_i32_1 = arith.constant 0 : i32
    return %c0_i32, %c0_i32_0 : i32, i32
  }
  func.func @transform_6(%arg0: i32) -> (i32, i32) {
    %c0_i32 = arith.constant 0 : i32
    %c0_i32_0 = arith.constant 0 : i32
    %c0_i32_1 = arith.constant 0 : i32
    return %c0_i32, %c0_i32_0 : i32, i32
  }
  func.func @transform_7(%arg0: i32) -> (i32, i32) {
    %c0_i32 = arith.constant 0 : i32
    %c0_i32_0 = arith.constant 0 : i32
    %c0_i32_1 = arith.constant 0 : i32
    return %c0_i32, %c0_i32_0 : i32, i32
  }
  func.func @transform_8(%arg0: i32) -> (i32, i32) {
    %c0_i32 = arith.constant 0 : i32
    %c0_i32_0 = arith.constant 0 : i32
    %c0_i32_1 = arith.constant 0 : i32
    return %c0_i32, %c0_i32_0 : i32, i32
  }
  func.func @transform_9(%arg0: i32) -> (i32, i32) {
    %c0_i32 = arith.constant 0 : i32
    %c0_i32_0 = arith.constant 0 : i32
    %c0_i32_1 = arith.constant 0 : i32
    return %c0_i32, %c0_i32_0 : i32, i32
  }
  func.func @transform_10(%arg0: i32) -> (i32, i32) {
    %c0_i32 = arith.constant 0 : i32
    %c0_i32_0 = arith.constant 0 : i32
    %c0_i32_1 = arith.constant 0 : i32
    return %c0_i32, %c0_i32_0 : i32, i32
  }
  func.func @transform_11(%arg0: i32) -> (i32, i32) {
    %c0_i32 = arith.constant 0 : i32
    %c0_i32_0 = arith.constant 0 : i32
    %c0_i32_1 = arith.constant 0 : i32
    return %c0_i32, %c0_i32_0 : i32, i32
  }
  func.func @transform_12(%arg0: i32) -> (i32, i32) {
    %c0_i32 = arith.constant 0 : i32
    %c0_i32_0 = arith.constant 0 : i32
    %c0_i32_1 = arith.constant 0 : i32
    return %c0_i32, %c0_i32_0 : i32, i32
  }
  func.func @transform_13(%arg0: i32) -> (i32, i32) {
    %c0_i32 = arith.constant 0 : i32
    %c0_i32_0 = arith.constant 0 : i32
    return %arg0, %c0_i32 : i32, i32
  }
}

</mosaic_0001>

<sc_bundles>
// kernel: kernel.4.cloned.1.call-start
scs
__scs_entry_jumppad:
0x0: {  	(pc) =	sbr.rel $0x88, $3  }
0x1: {  	(tag) =	ssettag $0x0;
	lr =	simm.s32 $0x1  }
0x2: {  	[smem:$0x3F93] =	sst lr;
	_ =	strace $0xD0000000  }
0x3: {  	_ = 	snop  }
0x4: {  	_ = 	snop  }
0x5: {  	_ = 	snop  }
0x6: {  	_ = 	snop  }
0x7: {  	_ = 	snop  }
__scs_overlays_trampoline_lowered:
0x8: {  	[smem:$0x3FA2] =	sst s0  }
0x9: {  	[smem:$0x3FA3] =	sst s1  }
0xa: {  	[smem:$0x3FA4] =	sst s2  }
0xb: {  	[smem:$0x3FA5] =	sst s3  }
0xc: {  	[smem:$0x3FA6] =	sst s4  }
0xd: {  	[smem:$0x3FA7] =	sst s5  }
0xe: {  	[smem:$0x3FA8] =	sst s6  }
0xf: {  	[smem:$0x3FA9] =	sst s7  }
0x10: {  	[smem:$0x3FAA] =	sst s8  }
0x11: {  	[smem:$0x3FAB] =	sst s9;
	s0 =	simm.s32 @!p0 $0x0  }
0x12: {  	s1 =	sld [smem:$0x3F91];
	s0 =	simm.s32 @p0 $0x1  }
0x13: {  	[smem:$0x3FAC] =	sst s0;
	s0 =	simm.s32 @!p1 $0x0  }
0x14: {  	s2 =	sld [smem:$0x3F90];
	s0 =	simm.s32 @p1 $0x1  }
0x15: {  	[smem:$0x3FAD] =	sst s0;
	s0 =	simm.s32 @!p2 $0x0  }
0x16: {  	s3 =	sld [smem:$0x3FDB];
	s0 =	simm.s32 @p2 $0x1  }
0x17: {  	s4 =	simm.s32 $0x1BF5;
	[smem:$0x3FAF] =	sst s0  }
0x18: {  	s0 =	sld [smem:$0x3F92];
	_ =	swait.ge [sflag:s4], $0x0  }
0x19: {  	s7 =	sld [smem:$0x3F93]  }
0x1a: {  	s8 =	sadd.s32 $0xFFFFE003, lr  }
0x1b: {  	s9 =	sadd.s32 $0xFFFFFEF7, lr;
	s5 =	simm.s32 $0xFFFFFFFF;
	p2 =	slt.u32 s8, $0xFFFFF086  }
0x1c: {  	p1 =	slt.u32 s9, $0xF7A;
	s5 =	simm.s32 @!p2 $0x0  }
0x1d: {  	s5 =	simm.s32 @p1 $0x1;
	p0 =	seq.s32 s7, s2  }
0x1e: {  	s7 =	smul.u32 @!p0 $0xF7A, s2;
	p2 =	seq.s32 @!p0 s5, $0x0  }
0x1f: {  	s9 =	smul.u32 $0xF7A, s1;
	s8 =	simm.s32 @!p0 $0x1BF5;
	p2 =	por !p2, p0  }
0x20: {  	[sflag:s8] =	ssyncset.s32 @!p0 $0xFFFFF086;
	s6 =	sadd.s32 @!p0 s3, s7;
	s7 =	simm.s32 @!p0 $0x108  }
0x21: {  	s3 =	sadd.s32 s3, s9;
	s6 =	sadd.s32 @!p0 $0x88, s6;
	s7 =	simm.s32 @p2 $0x1082  }
0x22: {  	[simem:s7], [sflag:s8] =	dma.local @!p0 [hbm:s6], $0xF7A  }
0x23: {  	s9 =	sor.u32 $0xD0000000, s2;
	s6 =	simm.s32 $0x108;
	_ =	swait.ge @!p0 [sflag:s8], $0x0  }
0x24: {  	s3 =	sadd.s32 $0x88, s3;
	s6 =	simm.s32 @!p1 $0x1082;
	[sflag:s4] =	ssyncset.s32 $0xFFFFF086  }
0x25: {  	[simem:s6], [sflag:s4] =	dma.local [hbm:s3], $0xF7A  }
0x26: {  	[smem:$0x3F93] =	sst s1;
	(tag) =	ssettag s2;
	_ =	strace s9  }
0x27: {  	s1 =	sld [smem:$0x3FA3]  }
0x28: {  	s2 =	sld [smem:$0x3FA4]  }
0x29: {  	s4 =	sld [smem:$0x3FA6]  }
0x2a: {  	p0 =	seq.s32 s5, $0x0;
	s5 =	sld [smem:$0x3FA7]  }
0x2b: {  	s6 =	sld [smem:$0x3FA8]  }
0x2c: {  	s7 =	sld [smem:$0x3FA9]  }
0x2d: {  	s3 =	simm.s32 $0x108;
	s8 =	sld [smem:$0x3FAA]  }
0x2e: {  	s3 =	simm.s32 @!p0 $0x1082;
	s9 =	sld [smem:$0x3FAB]  }
0x2f: {  	lr =	sadd.s32 s0, s3;
	s0 =	sld [smem:$0x3FA2]  }
0x30: {  	s3 =	sld [smem:$0x3FA5]  }
0x31: {  	[smem:$0x3FAE] =	sst s10  }
0x32: {  	s10 =	sld [smem:$0x3FAC];
	_ =	sdelay $0x3  }
0x33: {  	p0 =	seq.s32 s10, $0x1;
	s10 =	sld [smem:$0x3FAE];
	_ =	sdelay $0x3  }
0x34: {  	[smem:$0x3FAE] =	sst s10  }
0x35: {  	s10 =	sld [smem:$0x3FAD];
	_ =	sdelay $0x3  }
0x36: {  	p1 =	seq.s32 s10, $0x1;
	s10 =	sld [smem:$0x3FAE];
	_ =	sdelay $0x3  }
0x37: {  	[smem:$0x3FAE] =	sst s10  }
0x38: {  	s10 =	sld [smem:$0x3FAF]  }
0x39: {  	_ = 	snop;
	(pc) =	sbr.ind lr, $3  }
0x3a: {  	_ = 	snop  }
0x3b: {  	_ = 	snop  }
0x3c: {  	p2 =	seq.s32 s10, $0x1;
	s10 =	sld [smem:$0x3FAE]  }
0x3d: {  	_ =	shalt  }
0x3e: {  	_ =	shalt  }
0x3f: {  	_ =	shalt  }
0x40: {  	_ =	shalt  }
0x41: {  	_ =	shalt  }
0x42: {  	_ =	shalt  }
0x43: {  	_ =	shalt  }
0x44: {  	_ =	shalt  }
0x45: {  	_ =	shalt  }
0x46: {  	_ =	shalt  }
0x47: {  	_ =	shalt  }
0x48: {  	_ =	shalt  }
0x49: {  	_ =	shalt  }
0x4a: {  	_ =	shalt  }
0x4b: {  	_ =	shalt  }
0x4c: {  	_ =	shalt  }
0x4d: {  	_ =	shalt  }
0x4e: {  	_ =	shalt  }
0x4f: {  	_ =	shalt  }
0x50: {  	_ =	shalt  }
0x51: {  	_ =	shalt  }
0x52: {  	_ =	shalt  }
0x53: {  	_ =	shalt  }
0x54: {  	_ =	shalt  }
0x55: {  	_ =	shalt  }
0x56: {  	_ =	shalt  }
0x57: {  	_ =	shalt  }
0x58: {  	_ =	shalt  }
0x59: {  	_ =	shalt  }
0x5a: {  	_ =	shalt  }
0x5b: {  	_ =	shalt  }
0x5c: {  	_ =	shalt  }
0x5d: {  	_ =	shalt  }
0x5e: {  	_ =	shalt  }
0x5f: {  	_ =	shalt  }
0x60: {  	_ =	shalt  }
0x61: {  	_ =	shalt  }
0x62: {  	_ =	shalt  }
0x63: {  	_ =	shalt  }
0x64: {  	_ =	shalt  }
0x65: {  	_ =	shalt  }
0x66: {  	_ =	shalt  }
0x67: {  	_ =	shalt  }
0x68: {  	_ =	shalt  }
0x69: {  	_ =	shalt  }
0x6a: {  	_ =	shalt  }
0x6b: {  	_ =	shalt  }
0x6c: {  	_ =	shalt  }
0x6d: {  	_ =	shalt  }
0x6e: {  	_ =	shalt  }
0x6f: {  	_ =	shalt  }
0x70: {  	_ =	shalt  }
0x71: {  	_ =	shalt  }
0x72: {  	_ =	shalt  }
0x73: {  	_ =	shalt  }
0x74: {  	_ =	shalt  }
0x75: {  	_ =	shalt  }
0x76: {  	_ =	shalt  }
0x77: {  	_ =	shalt  }
0x78: {  	_ =	shalt  }
0x79: {  	_ =	shalt  }
0x7a: {  	_ =	shalt  }
0x7b: {  	_ =	shalt  }
0x7c: {  	_ =	shalt  }
0x7d: {  	_ =	shalt  }
0x7e: {  	_ =	shalt  }
0x7f: {  	_ =	shalt  }
0x80: {  	_ =	shalt  }
0x81: {  	_ =	shalt  }
0x82: {  	_ =	shalt  }
0x83: {  	_ =	shalt  }
0x84: {  	_ =	shalt  }
0x85: {  	_ =	shalt  }
0x86: {  	_ =	shalt  }
0x87: {  	_ =	shalt  }
.Lfunc_end0:
.L_simem_size_0:
called_computation_lowered:
.L_overlay_start_0:
0x88: {  	s2 =	sld [smem:$0x3FD9]  }
0x89: {  	s3 =	sld [smem:$0x3FFE];
	_ =	sdelay $0x1  }
0x8a: {  	s1 =	srdreg.scid  }
0x8b: {  	s0 =	sand.u32 $0x1, s1  }
0x8c: {  	s17 =	sshll.u32 s0, $0xA;
	s2 =	sadd.s32 s3, s2  }
0x8d: {  	s2 =	sadd.s32 s2, s17  }
0x8e: {  	[smem:$0x3FBA] =	sst s2  }
0x8f: {  	_ = 	snop  }
0x90: {  	s2 =	sld [smem:$0x3FD0];
	(tm) =	ssettm $0x1  }
0x91: {  	s18 =	sld [smem:$0x3FFB];
	_ =	sdelay $0x3  }
0x92: {  	_ =	strace s18  }
0x93: {  	s3 =	sld [smem:$0x3FFC];
	_ =	sdelay $0x3  }
0x94: {  	_ =	strace s3  }
0x95: {  	s3 =	sld [smem:$0x3FFD];
	_ =	sdelay $0x3  }
0x96: {  	_ =	strace s3  }
0x97: {  	_ =	strace $0x8FFFFFFF  }
0x98: {  	s19 =	sld [smem:$0x3FDB];
	_ =	sdelay $0x1  }
0x99: {  	s4 =	simm.s32 $_scs_section_size  }
0x9a: {  	s5 =	simm.s32 $_size__tile_overlayer_lowered;
	s6 =	simm.s32 $_tile_overlayer_lowered  }
0x9b: {  	s22 =	simm.s32 $0x1BFF;
	s21 =	sshll.u32 s6, $0x1;
	s3 =	sadd.s32 s4, s19  }
0x9c: {  	s7 =	simm.s32 $0x0;
	s20 =	sshll.u32 s5, $0x1;
	s5 =	sadd.s32 s21, s3  }
0x9d: {  	[timem:s7], [sflag:s22] =	dma.local [hbm:s5], s20  }
0x9e: {  	_ =	swait.ge [sflag:s22], s20  }
0x9f: {  	s4 =	ssub.s32 $0x0, s20;
	[sflag:s22] =	ssyncset.done $0x0  }
0xa0: {  	[sflag:s22] =	ssyncadd.s32 s4;
	_ =	sdelay $0x1  }
0xa1: {  	s23 =	simm.s32 $0x1B8B  }
0xa2: {  	_ =	swait.ge [sflag:s23], $0x1  }
0xa3: {  	[sflag:s23] =	ssyncset.done $0x0  }
0xa4: {  	s25 =	simm.s32 $0x1B8E;
	s24 =	sld [smem:$0x3FFE];
	[sflag:s23] =	ssyncadd.s32 $0xFFFFFFFF  }
0xa5: {  	s26 =	simm.s32 $execute0_lowered;
	[smem:$0x3FD2] =	sst s25  }
0xa6: {  	s5 =	sshll.u32 s26, $0x1;
	_ =	strace $0x80000046;
	[dreg:$0x1] =	wrdreg $0xFFFFFFFF  }
0xa7: {  	s28 =	simm.s32 $_size_execute0_lowered;
	s3 =	sadd.s32 s3, s5;
	[dreg:$0x0] =	wrdreg $0x0  }
0xa8: {  	s5 =	sshll.u32 s28, $0x1;
	[dreg:$0x2] =	wrdreg s3  }
0xa9: {  	[dreg:$0x3] =	wrdreg s5  }
0xaa: {  	[dreg:$0x4] =	wrdreg $0xC0  }
0xab: {  	_ =	task [dreg:s7], $0x5FFFF  }
0xac: {  	[dreg:$0x1] =	wrdreg $0xFFFFFFFF  }
0xad: {  	[dreg:$0x0] =	wrdreg $0x60  }
0xae: {  	[dreg:$0x2] =	wrdreg s24  }
0xaf: {  	[dreg:$0x3] =	wrdreg s2  }
0xb0: {  	[dreg:$0x4] =	wrdreg $0xA8000  }
0xb1: {  	[dreg:$0x5] =	wrdreg $0x9  }
0xb2: {  	_ =	task.clear_ibuf [dreg:s7], $0x6FFFF;
	_ =	strace $0x90000046  }
0xb3: {  	s29 =	simm.s32 $0x9;
	_ =	strace $0x80000048  }
0xb4: {  	_ =	swait.ge [sflag:s29], $0x1  }
0xb5: {  	[sflag:s29] =	ssyncadd.s32 $0xFFFFFFFF  }
0xb6: {  	_ =	strace $0x90000048  }
0xb7: {  	_ =	sfence  }
0xb8: {  	s30 =	sld [smem:$0x0];
	_ =	sdelay $0x2  }
0xb9: {  	s31 =	sshll.u32 s1, $0xD;
	s1 =	sshrl.u32 s1, $0x2  }
0xba: {  	s3 =	sand.u32 $0x4000, s31;
	s1 =	sadd.s32 s1, s30  }
0xbb: {  	s0 =	sor.u32 s3, s0;
	s1 =	sshll.u32 s1, $0x11  }
0xbc: {  	s0 =	sor.u32 s1, s0  }
0xbd: {  	s0 =	sadd.s32 $0x8F2B, s0  }
0xbe: {  	[sflag:s0] =	ssyncadd.remote.s32 $0x1  }
0xbf: {  	_ =	sfence.sel $0xFFFF  }
0xc0: {  	[dreg:$0x0] =	wrdreg $0xFFFFFFFF;
	(pc) =	sbr.abs _section_cstart, $3  }
0xc1: {  	[dreg:$0x1] =	wrdreg $0xFFFFFFFF  }
0xc2: {  	_ =	task.clear_ibuf [dreg:s7], $0x2FFFF;
	_ =	strace $0x9FFFFFFF  }
0xc3: {  	(tm) =	ssettm $0x7FFFFFFF  }
tec
execute0_lowered:
.L_overlay_start_1:
0x0: {  	(tag) =	ssettag $0x1  }
0x1: {  	s0 =	rddreg [dreg:$0x0]  }
0x2: {  	s2 =	rddreg [dreg:$0x2];
	s3 =	simm.s32 $0x0;
	s1 =	srdreg.scid  }
0x3: {  	s12 =	stileid.u32;
	s30 =	simm.s32 $0x2800;
	s31 =	simm.s32 $0x5  }
0x4: {  	[smem:$0x7FF] =	sst s3;
	s5 =	sadd.s32 $0x2A400, s0;
	s6 =	smul.u32 $0x4F000, s12  }
0x5: {  	s4 =	sadd.s32 $0x2400, s0;
	s1 =	sand.u32 $0x1, s1;
	s20 =	smul.u32 $0x13800, s12  }
0x6: {  	s7 =	sadd.s32 $0x16400, s0;
	s0 =	sadd.s32 $0x51600, s0;
	s22 =	smul.u32 $0x4E000, s12  }
0x7: {  	p0 =	sne.s32 s12, $0xF;
	_ =	strace $0x80000047;
	s6 =	sshrl.u32 s6, $0x2  }
0x8: {  	s8 =	sshll.u32 s1, $0x4;
	s9 =	ssub.s32 $0x2, s1;
	s6 =	sadd.s32 s6, s2  }
0x9: {  	s1 =	smul.u32 $0x138800, s1;
	s8 =	sor.u32 s12, s8;
	s24 =	sadd.s32 $0x2000, s6  }
0xa: {  	s10 =	sshrl.u32 s9, $0x1;
	s25 =	sadd.s32 $0x4000, s6;
	[dreg:$0x4] =	wrdreg s24  }
0xb: {  	s12 =	simm.s32 $0x1;
	s26 =	sadd.s32 $0x6000, s6;
	[dreg:$0x5] =	wrdreg s25  }
0xc: {  	s8 =	smul.u32 $0x5000, s8;
	s11 =	sadd.s32 $0x8000, s6;
	[dreg:$0x6] =	wrdreg s26  }
0xd: {  	s9 =	ssub.s32 s9, s10;
	s13 =	sadd.s32 $0xA000, s6;
	[dreg:$0x7] =	wrdreg s11  }
0xe: {  	s23 =	sadd.s32 $0xC000, s6;
	s28 =	sadd.s32 $0x10000, s6;
	[dreg:$0x8] =	wrdreg s13  }
0xf: {  	s29 =	sadd.s32 $0x12000, s6;
	s8 =	sshrl.u32 s8, $0x3;
	[dreg:$0x11] =	wrdreg s23  }
0x10: {  	s24 =	sadd.s32 s20, s1;
	s1 =	sshrl.u32 s1, $0x3;
	s26 =	smax.u32 s9, $0x1  }
0x11: {  	s9 =	simm.s32 $0x6800;
	s13 =	simm.s32 $0x2;
	s20 =	simm.s32 $0x0  }
0x12: {  	s14 =	sadd.s32 s4, s8;
	s15 =	sadd.s32 $0x280, s8;
	s11 =	sadd.s32 s7, s8  }
0x13: {  	s17 =	sadd.s32 $0x500, s8;
	s8 =	sadd.s32 $0x780, s8;
	[dreg:$0x14] =	wrdreg s26  }
0x14: {  	s1 =	sadd.s32 s0, s1;
	s26 =	sadd.s32 $0xE000, s6;
	[dreg:$0x9] =	wrdreg s14  }
0x15: {  	[dreg:$0xa] =	wrdreg s11;
	s16 =	sadd.s32 s4, s15;
	s10 =	sadd.s32 s7, s15  }
0x16: {  	s18 =	sadd.s32 s4, s17;
	s19 =	sadd.s32 s7, s17;
	[dreg:$0xb] =	wrdreg s16  }
0x17: {  	s4 =	sadd.s32 s4, s8;
	s21 =	sadd.s32 s7, s8;
	[dreg:$0xc] =	wrdreg s10  }
0x18: {  	s7 =	sshrl.u32 s24, $0x3;
	s1 =	sadd.s32 $0x27000, s1;
	[dreg:$0xd] =	wrdreg s18  }
0x19: {  	s8 =	simm.s32 $0x100;
	s11 =	simm.s32 $0x8800;
	[dreg:$0xe] =	wrdreg s19  }
0x1a: {  	s14 =	simm.s32 $0x3;
	s15 =	simm.s32 $0x4;
	[dreg:$0xf] =	wrdreg s4  }
0x1b: {  	s17 =	simm.s32 $0x2680;
	[dreg:$0x10] =	wrdreg s21;
	s4 =	sshrl.u32 s22, $0x2  }
0x1c: {  	s0 =	sadd.s32 s0, s7;
	[dreg:$0x13] =	wrdreg s1;
	s1 =	sadd.s32 $0x138000, s2  }
0x1d: {  	s7 =	simm.s32 $0x4800;
	s10 =	simm.s32 $0x180;
	s16 =	simm.s32 $0x2600  }
0x1e: {  	s18 =	simm.s32 $0x2700;
	s19 =	simm.s32 $0x2780;
	[dreg:$0x12] =	wrdreg s0  }
0x1f: {  	s25 =	sadd.s32 s4, s2;
	s0 =	simm.s32 $0x1400;
	s4 =	simm.s32 $0x80  }
0x20: {  	s24 =	sshrl.u32 s25, $0x3;
	s25 =	sshrl.u32 @!p0 s1, $0x3;
	s1 =	simm.s32 $0x40  }
.LBB2_1:
0x21: {  	s21 =	rddreg [dreg:$0x1]  }
0x22: {  	[tilespmem:s30], [sflag:$0x5] =	stream.linear.gather [hbm4b:s21+s3], $0x2000, $0x38;
	[tilespmem:$0x1E400] =	vst v63  }
0x23: {  	_ =	swait.ge [sflag:s31], $0x2000  }
0x24: {  	[sflag:s31] =	ssyncset.done $0x0  }
0x25: {  	[sflag:s31] =	ssyncadd.s32 $0xFFFFE000  }
0x26: {  	[spmem:s6] =	stream.linear.scatter [tilespmem:s30], [sflag:$0x5], $0x2000, $0x38;
	[tilespmem:$0x1E400] =	vst v63  }
0x27: {  	_ =	swait.ge [sflag:s31], $0x2000  }
0x28: {  	[sflag:s31] =	ssyncset.done $0x0  }
0x29: {  	s23 =	rddreg [dreg:$0x4];
	[sflag:s31] =	ssyncadd.s32 $0xFFFFE000  }
0x2a: {  	[spmem:s23] =	stream.linear.scatter [tilespmem:s30], [sflag:$0x5], $0x2000, $0x38;
	[tilespmem:$0x1E400] =	vst v63  }
0x2b: {  	_ =	swait.ge [sflag:s31], $0x2000  }
0x2c: {  	[sflag:s31] =	ssyncset.done $0x0  }
0x2d: {  	s22 =	rddreg [dreg:$0x5];
	[sflag:s31] =	ssyncadd.s32 $0xFFFFE000  }
0x2e: {  	[spmem:s22] =	stream.linear.scatter [tilespmem:s30], [sflag:$0x5], $0x2000, $0x38;
	[tilespmem:$0x1E400] =	vst v63  }
0x2f: {  	_ =	swait.ge [sflag:s31], $0x2000  }
0x30: {  	[sflag:s31] =	ssyncset.done $0x0  }
0x31: {  	s23 =	rddreg [dreg:$0x6];
	[sflag:s31] =	ssyncadd.s32 $0xFFFFE000  }
0x32: {  	[spmem:s23] =	stream.linear.scatter [tilespmem:s30], [sflag:$0x5], $0x2000, $0x38;
	[tilespmem:$0x1E400] =	vst v63  }
0x33: {  	_ =	swait.ge [sflag:s31], $0x2000  }
0x34: {  	[sflag:s31] =	ssyncset.done $0x0  }
0x35: {  	s22 =	rddreg [dreg:$0x7];
	[sflag:s31] =	ssyncadd.s32 $0xFFFFE000  }
0x36: {  	[spmem:s22] =	stream.linear.scatter [tilespmem:s30], [sflag:$0x5], $0x2000, $0x38;
	[tilespmem:$0x1E400] =	vst v63  }
0x37: {  	_ =	swait.ge [sflag:s31], $0x2000  }
0x38: {  	[sflag:s31] =	ssyncset.done $0x0  }
0x39: {  	s23 =	rddreg [dreg:$0x8];
	[sflag:s31] =	ssyncadd.s32 $0xFFFFE000  }
0x3a: {  	[spmem:s23] =	stream.linear.scatter [tilespmem:s30], [sflag:$0x5], $0x2000, $0x38;
	[tilespmem:$0x1E400] =	vst v63  }
0x3b: {  	_ =	swait.ge [sflag:s31], $0x2000  }
0x3c: {  	[sflag:s31] =	ssyncset.done $0x0  }
0x3d: {  	s22 =	rddreg [dreg:$0x11];
	[sflag:s31] =	ssyncadd.s32 $0xFFFFE000  }
0x3e: {  	[spmem:s22] =	stream.linear.scatter [tilespmem:s30], [sflag:$0x5], $0x2000, $0x38;
	[tilespmem:$0x1E400] =	vst v63  }
0x3f: {  	_ =	swait.ge [sflag:s31], $0x2000  }
0x40: {  	[sflag:s31] =	ssyncset.done $0x0  }
0x41: {  	[sflag:s31] =	ssyncadd.s32 $0xFFFFE000  }
0x42: {  	[spmem:s26] =	stream.linear.scatter [tilespmem:s30], [sflag:$0x5], $0x2000, $0x38;
	[tilespmem:$0x1E400] =	vst v63  }
0x43: {  	_ =	swait.ge [sflag:s31], $0x2000  }
0x44: {  	[sflag:s31] =	ssyncset.done $0x0  }
0x45: {  	[sflag:s31] =	ssyncadd.s32 $0xFFFFE000  }
0x46: {  	[spmem:s28] =	stream.linear.scatter [tilespmem:s30], [sflag:$0x5], $0x2000, $0x38;
	[tilespmem:$0x1E400] =	vst v63  }
0x47: {  	_ =	swait.ge [sflag:s31], $0x2000  }
0x48: {  	[sflag:s31] =	ssyncset.done $0x0  }
0x49: {  	[sflag:s31] =	ssyncadd.s32 $0xFFFFE000  }
0x4a: {  	[spmem:s29] =	stream.linear.scatter [tilespmem:s30], [sflag:$0x5], $0x1C00, $0x38;
	[tilespmem:$0x1E400] =	vst v63  }
0x4b: {  	_ =	swait.ge [sflag:s31], $0x1C00  }
0x4c: {  	[sflag:s31] =	ssyncset.done $0x0  }
0x4d: {  	[sflag:s31] =	ssyncadd.s32 $0xFFFFE400  }
0x4e: {  	[bflag:$0x0] =	sbarrier.arrive $0xFFFF  }
0x4f: {  	s23 =	rddreg [dreg:$0x9]  }
0x50: {  	[tilespmem:s3], [sflag:$0x5] =	stream.linear.gather [hbm4b:s23+s3], $0x1400, $0x38;
	[tilespmem:$0x1E400] =	vst v63  }
0x51: {  	_ =	swait.ge [sflag:s31], $0x1400  }
0x52: {  	[sflag:s31] =	ssyncset.done $0x0  }
0x53: {  	s22 =	rddreg [dreg:$0xa];
	[sflag:s31] =	ssyncadd.s32 $0xFFFFEC00  }
0x54: {  	[tilespmem:s0], [sflag:$0x5] =	stream.linear.gather [hbm4b:s22+s3], $0x1400, $0x38;
	[tilespmem:$0x1E400] =	vst v63  }
0x55: {  	_ =	swait.ge [sflag:s31], $0x1400  }
0x56: {  	[sflag:s31] =	ssyncset.done $0x0  }
0x57: {  	[sflag:s31] =	ssyncadd.s32 $0xFFFFEC00  }
0x58: {  	[tilespmem:s30], [sflag:$0x1] =	stream.indirect.gather [hbm4b:s5+s1], $0x80, s3, s1, $0xb8;
	[tilespmem:$0x1E400] =	vst v63  }
0x59: {  	_ = 	snop  }
0x5a: {  	[tilespmem:s7], [sflag:$0x2] =	stream.indirect.gather [hbm4b:s5+s1], $0x80, s4, s1, $0xb8;
	[tilespmem:$0x1E400] =	vst v63  }
0x5b: {  	_ = 	snop  }
0x5c: {  	[tilespmem:s9], [sflag:$0x3] =	stream.indirect.gather [hbm4b:s5+s1], $0x80, s8, s1, $0xb8;
	[tilespmem:$0x1E400] =	vst v63  }
0x5d: {  	_ = 	snop  }
0x5e: {  	[tilespmem:s11], [sflag:$0x4] =	stream.indirect.gather [hbm4b:s5+s1], $0x80, s10, s1, $0xb8;
	[tilespmem:$0x1E400] =	vst v63  }
0x5f: {  	_ =	swait.ge [sflag:s12], $0x2000  }
0x60: {  	[sflag:s12] =	ssyncset.done $0x0  }
0x61: {  	s23 =	simm.s32 $0x1400;
	[sflag:s12] =	ssyncadd.s32 $0xFFFFE000  }
0x62: {  	[spmem:s2] =	stream.indirect.scatter.add.f32 [tilespmem:s30], [sflag:$0x5], $0x80, s23, s1, $0xb8;
	[tilespmem:$0x1E400] =	vst v63  }
0x63: {  	_ =	swait.ge [sflag:s31], $0x2000  }
0x64: {  	[sflag:s31] =	ssyncset.done $0x0  }
0x65: {  	s22 =	simm.s32 $0x200;
	[sflag:s31] =	ssyncadd.s32 $0xFFFFE000  }
0x66: {  	[tilespmem:s30], [sflag:$0x1] =	stream.indirect.gather [hbm4b:s5+s1], $0x80, s22, s1, $0xb8;
	[tilespmem:$0x1E400] =	vst v63  }
0x67: {  	_ =	swait.ge [sflag:s13], $0x2000  }
0x68: {  	[sflag:s13] =	ssyncset.done $0x0  }
0x69: {  	s23 =	simm.s32 $0x1480;
	[sflag:s13] =	ssyncadd.s32 $0xFFFFE000  }
0x6a: {  	[spmem:s2] =	stream.indirect.scatter.add.f32 [tilespmem:s7], [sflag:$0x5], $0x80, s23, s1, $0xb8;
	[tilespmem:$0x1E400] =	vst v63  }
0x6b: {  	_ =	swait.ge [sflag:s31], $0x2000  }
0x6c: {  	[sflag:s31] =	ssyncset.done $0x0  }
0x6d: {  	s22 =	simm.s32 $0x280;
	[sflag:s31] =	ssyncadd.s32 $0xFFFFE000  }
0x6e: {  	[tilespmem:s7], [sflag:$0x2] =	stream.indirect.gather [hbm4b:s5+s1], $0x80, s22, s1, $0xb8;
	[tilespmem:$0x1E400] =	vst v63  }
0x6f: {  	_ =	swait.ge [sflag:s14], $0x2000  }
0x70: {  	[sflag:s14] =	ssyncset.done $0x0  }
0x71: {  	s23 =	simm.s32 $0x1500;
	[sflag:s14] =	ssyncadd.s32 $0xFFFFE000  }
0x72: {  	[spmem:s2] =	stream.indirect.scatter.add.f32 [tilespmem:s9], [sflag:$0x5], $0x80, s23, s1, $0xb8;
	[tilespmem:$0x1E400] =	vst v63  }
0x73: {  	_ =	swait.ge [sflag:s31], $0x2000  }
0x74: {  	[sflag:s31] =	ssyncset.done $0x0  }
0x75: {  	s22 =	simm.s32 $0x300;
	[sflag:s31] =	ssyncadd.s32 $0xFFFFE000  }
0x76: {  	[tilespmem:s9], [sflag:$0x3] =	stream.indirect.gather [hbm4b:s5+s1], $0x80, s22, s1, $0xb8;
	[tilespmem:$0x1E400] =	vst v63  }
0x77: {  	_ =	swait.ge [sflag:s15], $0x2000  }
0x78: {  	[sflag:s15] =	ssyncset.done $0x0  }
0x79: {  	s23 =	simm.s32 $0x1580;
	[sflag:s15] =	ssyncadd.s32 $0xFFFFE000  }
0x7a: {  	[spmem:s2] =	stream.indirect.scatter.add.f32 [tilespmem:s11], [sflag:$0x5], $0x80, s23, s1, $0xb8;
	[tilespmem:$0x1E400] =	vst v63  }
0x7b: {  	_ =	swait.ge [sflag:s31], $0x2000  }
0x7c: {  	[sflag:s31] =	ssyncset.done $0x0  }
0x7d: {  	s21 =	simm.s32 $0x800;
	s22 =	simm.s32 $0x380;
	[sflag:s31] =	ssyncadd.s32 $0xFFFFE000  }
.LBB2_2:
0x7e: {  	[tilespmem:s11], [sflag:$0x4] =	stream.indirect.gather [hbm4b:s5+s1], $0x80, s22, s1, $0xb8;
	[tilespmem:$0x1E400] =	vst v63  }
0x7f: {  	s22 =	smov.u32 s21  }
0x80: {  	p1 =	sne.s32 s21, $0x4000;
	s21 =	sadd.s32 $0x800, s21;
	_ =	swait.ge [sflag:s12], $0x2000  }
0x81: {  	s22 =	sshra.s32 s22, $0x2;
	[sflag:s12] =	ssyncset.done $0x0  }
0x82: {  	s23 =	sadd.s32 $0x1400, s22;
	[sflag:s12] =	ssyncadd.s32 $0xFFFFE000  }
0x83: {  	[spmem:s2] =	stream.indirect.scatter.add.f32 [tilespmem:s30], [sflag:$0x5], $0x80, s23, s1, $0xb8;
	[tilespmem:$0x1E400] =	vst v63  }
0x84: {  	_ =	swait.ge [sflag:s31], $0x2000  }
0x85: {  	[sflag:s31] =	ssyncset.done $0x0  }
0x86: {  	s23 =	sadd.s32 $0x200, s22;
	[sflag:s31] =	ssyncadd.s32 $0xFFFFE000  }
0x87: {  	[tilespmem:s30], [sflag:$0x1] =	stream.indirect.gather [hbm4b:s5+s1], $0x80, s23, s1, $0xb8;
	[tilespmem:$0x1E400] =	vst v63  }
0x88: {  	_ =	swait.ge [sflag:s13], $0x2000  }
0x89: {  	[sflag:s13] =	ssyncset.done $0x0  }
0x8a: {  	s23 =	sadd.s32 $0x1480, s22;
	[sflag:s13] =	ssyncadd.s32 $0xFFFFE000  }
0x8b: {  	[spmem:s2] =	stream.indirect.scatter.add.f32 [tilespmem:s7], [sflag:$0x5], $0x80, s23, s1, $0xb8;
	[tilespmem:$0x1E400] =	vst v63  }
0x8c: {  	_ =	swait.ge [sflag:s31], $0x2000  }
0x8d: {  	[sflag:s31] =	ssyncset.done $0x0  }
0x8e: {  	s23 =	sadd.s32 $0x280, s22;
	[sflag:s31] =	ssyncadd.s32 $0xFFFFE000  }
0x8f: {  	[tilespmem:s7], [sflag:$0x2] =	stream.indirect.gather [hbm4b:s5+s1], $0x80, s23, s1, $0xb8;
	[tilespmem:$0x1E400] =	vst v63  }
0x90: {  	_ =	swait.ge [sflag:s14], $0x2000  }
0x91: {  	[sflag:s14] =	ssyncset.done $0x0  }
0x92: {  	s23 =	sadd.s32 $0x1500, s22;
	[sflag:s14] =	ssyncadd.s32 $0xFFFFE000  }
0x93: {  	[spmem:s2] =	stream.indirect.scatter.add.f32 [tilespmem:s9], [sflag:$0x5], $0x80, s23, s1, $0xb8;
	[tilespmem:$0x1E400] =	vst v63  }
0x94: {  	_ =	swait.ge [sflag:s31], $0x2000  }
0x95: {  	[sflag:s31] =	ssyncset.done $0x0  }
0x96: {  	s23 =	sadd.s32 $0x300, s22;
	[sflag:s31] =	ssyncadd.s32 $0xFFFFE000  }
0x97: {  	[tilespmem:s9], [sflag:$0x3] =	stream.indirect.gather [hbm4b:s5+s1], $0x80, s23, s1, $0xb8;
	[tilespmem:$0x1E400] =	vst v63  }
0x98: {  	_ =	swait.ge [sflag:s15], $0x2000  }
0x99: {  	[sflag:s15] =	ssyncset.done $0x0  }
.Ltmp0:
0x9a: {  	s23 =	sadd.s32 $0x1580, s22;
	[sflag:s15] =	ssyncadd.s32 $0xFFFFE000;
	(pc) =	sbr.rel @p1 .LBB2_2-.Ltmp0, $4  }
0x9b: {  	[spmem:s2] =	stream.indirect.scatter.add.f32 [tilespmem:s11], [sflag:$0x5], $0x80, s23, s1, $0xb8;
	[tilespmem:$0x1E400] =	vst v63  }
0x9c: {  	_ =	swait.ge [sflag:s31], $0x2000  }
0x9d: {  	[sflag:s31] =	ssyncset.done $0x0  }
0x9e: {  	s22 =	sadd.s32 $0x380, s22;
	[sflag:s31] =	ssyncadd.s32 $0xFFFFE000  }
0x9f: {  	[tilespmem:s11], [sflag:$0x4] =	stream.indirect.gather [hbm4b:s5+s1], $0x80, s22, s1, $0xb8;
	[tilespmem:$0x1E400] =	vst v63  }
0xa0: {  	_ =	swait.ge [sflag:s12], $0x2000  }
0xa1: {  	[sflag:s12] =	ssyncset.done $0x0  }
0xa2: {  	[sflag:s12] =	ssyncadd.s32 $0xFFFFE000  }
0xa3: {  	[spmem:s2] =	stream.indirect.scatter.add.f32 [tilespmem:s30], [sflag:$0x5], $0x80, s16, s1, $0xb8;
	[tilespmem:$0x1E400] =	vst v63  }
0xa4: {  	_ =	swait.ge [sflag:s31], $0x2000  }
0xa5: {  	[sflag:s31] =	ssyncset.done $0x0  }
0xa6: {  	[sflag:s31] =	ssyncadd.s32 $0xFFFFE000  }
0xa7: {  	_ =	swait.ge [sflag:s13], $0x2000  }
0xa8: {  	[sflag:s13] =	ssyncset.done $0x0  }
0xa9: {  	[sflag:s13] =	ssyncadd.s32 $0xFFFFE000  }
0xaa: {  	[spmem:s2] =	stream.indirect.scatter.add.f32 [tilespmem:s7], [sflag:$0x5], $0x80, s17, s1, $0xb8;
	[tilespmem:$0x1E400] =	vst v63  }
0xab: {  	_ =	swait.ge [sflag:s31], $0x2000  }
0xac: {  	[sflag:s31] =	ssyncset.done $0x0  }
0xad: {  	[sflag:s31] =	ssyncadd.s32 $0xFFFFE000  }
0xae: {  	_ =	swait.ge [sflag:s14], $0x2000  }
0xaf: {  	[sflag:s14] =	ssyncset.done $0x0  }
0xb0: {  	[sflag:s14] =	ssyncadd.s32 $0xFFFFE000  }
0xb1: {  	[spmem:s2] =	stream.indirect.scatter.add.f32 [tilespmem:s9], [sflag:$0x5], $0x80, s18, s1, $0xb8;
	[tilespmem:$0x1E400] =	vst v63  }
0xb2: {  	_ =	swait.ge [sflag:s31], $0x2000  }
0xb3: {  	[sflag:s31] =	ssyncset.done $0x0  }
0xb4: {  	[sflag:s31] =	ssyncadd.s32 $0xFFFFE000  }
0xb5: {  	_ =	swait.ge [sflag:s15], $0x2000  }
0xb6: {  	[sflag:s15] =	ssyncset.done $0x0  }
0xb7: {  	[sflag:s15] =	ssyncadd.s32 $0xFFFFE000  }
0xb8: {  	[spmem:s2] =	stream.indirect.scatter.add.f32 [tilespmem:s11], [sflag:$0x5], $0x80, s19, s1, $0xb8;
	[tilespmem:$0x1E400] =	vst v63  }
0xb9: {  	_ =	swait.ge [sflag:s31], $0x2000  }
0xba: {  	[sflag:s31] =	ssyncset.done $0x0  }
0xbb: {  	s21 =	simm.s32 $0x0;
	s23 =	rddreg [dreg:$0xb];
	[sflag:s31] =	ssyncadd.s32 $0xFFFFE000  }
0xbc: {  	[tilespmem:s21], [sflag:$0x5] =	stream.linear.gather [hbm4b:s23+s21], $0x1400, $0x38;
	[tilespmem:$0x1E400] =	vst v63  }
0xbd: {  	_ =	swait.ge [sflag:s31], $0x1400  }
0xbe: {  	[sflag:s31] =	ssyncset.done $0x0  }
0xbf: {  	s23 =	rddreg [dreg:$0xc];
	[sflag:s31] =	ssyncadd.s32 $0xFFFFEC00  }
0xc0: {  	[tilespmem:s0], [sflag:$0x5] =	stream.linear.gather [hbm4b:s23+s21], $0x1400, $0x38;
	[tilespmem:$0x1E400] =	vst v63  }
0xc1: {  	_ =	swait.ge [sflag:s31], $0x1400  }
0xc2: {  	[sflag:s31] =	ssyncset.done $0x0  }
0xc3: {  	[sflag:s31] =	ssyncadd.s32 $0xFFFFEC00  }
0xc4: {  	[tilespmem:s30], [sflag:$0x1] =	stream.indirect.gather [hbm4b:s5+s1], $0x80, s21, s1, $0xb8;
	[tilespmem:$0x1E400] =	vst v63  }
0xc5: {  	_ = 	snop  }
0xc6: {  	[tilespmem:s7], [sflag:$0x2] =	stream.indirect.gather [hbm4b:s5+s1], $0x80, s4, s1, $0xb8;
	[tilespmem:$0x1E400] =	vst v63  }
0xc7: {  	_ = 	snop  }
0xc8: {  	[tilespmem:s9], [sflag:$0x3] =	stream.indirect.gather [hbm4b:s5+s1], $0x80, s8, s1, $0xb8;
	[tilespmem:$0x1E400] =	vst v63  }
0xc9: {  	_ = 	snop  }
0xca: {  	[tilespmem:s11], [sflag:$0x4] =	stream.indirect.gather [hbm4b:s5+s1], $0x80, s10, s1, $0xb8;
	[tilespmem:$0x1E400] =	vst v63  }
0xcb: {  	_ =	swait.ge [sflag:s12], $0x2000  }
0xcc: {  	[sflag:s12] =	ssyncset.done $0x0  }
0xcd: {  	s23 =	simm.s32 $0x1400;
	[sflag:s12] =	ssyncadd.s32 $0xFFFFE000  }
0xce: {  	[spmem:s2] =	stream.indirect.scatter.add.f32 [tilespmem:s30], [sflag:$0x5], $0x80, s23, s1, $0xb8;
	[tilespmem:$0x1E400] =	vst v63  }
0xcf: {  	_ =	swait.ge [sflag:s31], $0x2000  }
0xd0: {  	[sflag:s31] =	ssyncset.done $0x0  }
0xd1: {  	s22 =	simm.s32 $0x200;
	[sflag:s31] =	ssyncadd.s32 $0xFFFFE000  }
0xd2: {  	[tilespmem:s30], [sflag:$0x1] =	stream.indirect.gather [hbm4b:s5+s1], $0x80, s22, s1, $0xb8;
	[tilespmem:$0x1E400] =	vst v63  }
0xd3: {  	_ =	swait.ge [sflag:s13], $0x2000  }
0xd4: {  	[sflag:s13] =	ssyncset.done $0x0  }
0xd5: {  	s23 =	simm.s32 $0x1480;
	[sflag:s13] =	ssyncadd.s32 $0xFFFFE000  }
0xd6: {  	[spmem:s2] =	stream.indirect.scatter.add.f32 [tilespmem:s7], [sflag:$0x5], $0x80, s23, s1, $0xb8;
	[tilespmem:$0x1E400] =	vst v63  }
0xd7: {  	_ =	swait.ge [sflag:s31], $0x2000  }
0xd8: {  	[sflag:s31] =	ssyncset.done $0x0  }
0xd9: {  	s22 =	simm.s32 $0x280;
	[sflag:s31] =	ssyncadd.s32 $0xFFFFE000  }
0xda: {  	[tilespmem:s7], [sflag:$0x2] =	stream.indirect.gather [hbm4b:s5+s1], $0x80, s22, s1, $0xb8;
	[tilespmem:$0x1E400] =	vst v63  }
0xdb: {  	_ =	swait.ge [sflag:s14], $0x2000  }
0xdc: {  	[sflag:s14] =	ssyncset.done $0x0  }
0xdd: {  	s23 =	simm.s32 $0x1500;
	[sflag:s14] =	ssyncadd.s32 $0xFFFFE000  }
0xde: {  	[spmem:s2] =	stream.indirect.scatter.add.f32 [tilespmem:s9], [sflag:$0x5], $0x80, s23, s1, $0xb8;
	[tilespmem:$0x1E400] =	vst v63  }
0xdf: {  	_ =	swait.ge [sflag:s31], $0x2000  }
0xe0: {  	[sflag:s31] =	ssyncset.done $0x0  }
0xe1: {  	s22 =	simm.s32 $0x300;
	[sflag:s31] =	ssyncadd.s32 $0xFFFFE000  }
0xe2: {  	[tilespmem:s9], [sflag:$0x3] =	stream.indirect.gather [hbm4b:s5+s1], $0x80, s22, s1, $0xb8;
	[tilespmem:$0x1E400] =	vst v63  }
0xe3: {  	_ =	swait.ge [sflag:s15], $0x2000  }
0xe4: {  	[sflag:s15] =	ssyncset.done $0x0  }
0xe5: {  	s23 =	simm.s32 $0x1580;
	[sflag:s15] =	ssyncadd.s32 $0xFFFFE000  }
0xe6: {  	[spmem:s2] =	stream.indirect.scatter.add.f32 [tilespmem:s11], [sflag:$0x5], $0x80, s23, s1, $0xb8;
	[tilespmem:$0x1E400] =	vst v63  }
0xe7: {  	_ =	swait.ge [sflag:s31], $0x2000  }
0xe8: {  	[sflag:s31] =	ssyncset.done $0x0  }
0xe9: {  	s21 =	simm.s32 $0x800;
	s22 =	simm.s32 $0x380;
	[sflag:s31] =	ssyncadd.s32 $0xFFFFE000  }
.LBB2_4:
0xea: {  	[tilespmem:s11], [sflag:$0x4] =	stream.indirect.gather [hbm4b:s5+s1], $0x80, s22, s1, $0xb8;
	[tilespmem:$0x1E400] =	vst v63  }
0xeb: {  	s22 =	smov.u32 s21  }
0xec: {  	p1 =	sne.s32 s21, $0x4000;
	s21 =	sadd.s32 $0x800, s21;
	_ =	swait.ge [sflag:s12], $0x2000  }
0xed: {  	s22 =	sshra.s32 s22, $0x2;
	[sflag:s12] =	ssyncset.done $0x0  }
0xee: {  	s23 =	sadd.s32 $0x1400, s22;
	[sflag:s12] =	ssyncadd.s32 $0xFFFFE000  }
0xef: {  	[spmem:s2] =	stream.indirect.scatter.add.f32 [tilespmem:s30], [sflag:$0x5], $0x80, s23, s1, $0xb8;
	[tilespmem:$0x1E400] =	vst v63  }
0xf0: {  	_ =	swait.ge [sflag:s31], $0x2000  }
0xf1: {  	[sflag:s31] =	ssyncset.done $0x0  }
0xf2: {  	s23 =	sadd.s32 $0x200, s22;
	[sflag:s31] =	ssyncadd.s32 $0xFFFFE000  }
0xf3: {  	[tilespmem:s30], [sflag:$0x1] =	stream.indirect.gather [hbm4b:s5+s1], $0x80, s23, s1, $0xb8;
	[tilespmem:$0x1E400] =	vst v63  }
0xf4: {  	_ =	swait.ge [sflag:s13], $0x2000  }
0xf5: {  	[sflag:s13] =	ssyncset.done $0x0  }
0xf6: {  	s23 =	sadd.s32 $0x1480, s22;
	[sflag:s13] =	ssyncadd.s32 $0xFFFFE000  }
0xf7: {  	[spmem:s2] =	stream.indirect.scatter.add.f32 [tilespmem:s7], [sflag:$0x5], $0x80, s23, s1, $0xb8;
	[tilespmem:$0x1E400] =	vst v63  }
0xf8: {  	_ =	swait.ge [sflag:s31], $0x2000  }
0xf9: {  	[sflag:s31] =	ssyncset.done $0x0  }
0xfa: {  	s23 =	sadd.s32 $0x280, s22;
	[sflag:s31] =	ssyncadd.s32 $0xFFFFE000  }
0xfb: {  	[tilespmem:s7], [sflag:$0x2] =	stream.indirect.gather [hbm4b:s5+s1], $0x80, s23, s1, $0xb8;
	[tilespmem:$0x1E400] =	vst v63  }
0xfc: {  	_ =	swait.ge [sflag:s14], $0x2000  }
0xfd: {  	[sflag:s14] =	ssyncset.done $0x0  }
0xfe: {  	s23 =	sadd.s32 $0x1500, s22;
	[sflag:s14] =	ssyncadd.s32 $0xFFFFE000  }
0xff: {  	[spmem:s2] =	stream.indirect.scatter.add.f32 [tilespmem:s9], [sflag:$0x5], $0x80, s23, s1, $0xb8;
	[tilespmem:$0x1E400] =	vst v63  }
0x100: {  	_ =	swait.ge [sflag:s31], $0x2000  }
0x101: {  	[sflag:s31] =	ssyncset.done $0x0  }
0x102: {  	s23 =	sadd.s32 $0x300, s22;
	[sflag:s31] =	ssyncadd.s32 $0xFFFFE000  }
0x103: {  	[tilespmem:s9], [sflag:$0x3] =	stream.indirect.gather [hbm4b:s5+s1], $0x80, s23, s1, $0xb8;
	[tilespmem:$0x1E400] =	vst v63  }
0x104: {  	_ =	swait.ge [sflag:s15], $0x2000  }
0x105: {  	[sflag:s15] =	ssyncset.done $0x0  }
.Ltmp1:
0x106: {  	s23 =	sadd.s32 $0x1580, s22;
	[sflag:s15] =	ssyncadd.s32 $0xFFFFE000;
	(pc) =	sbr.rel @p1 .LBB2_4-.Ltmp1, $4  }
0x107: {  	[spmem:s2] =	stream.indirect.scatter.add.f32 [tilespmem:s11], [sflag:$0x5], $0x80, s23, s1, $0xb8;
	[tilespmem:$0x1E400] =	vst v63  }
0x108: {  	_ =	swait.ge [sflag:s31], $0x2000  }
0x109: {  	[sflag:s31] =	ssyncset.done $0x0  }
0x10a: {  	s22 =	sadd.s32 $0x380, s22;
	[sflag:s31] =	ssyncadd.s32 $0xFFFFE000  }
0x10b: {  	[tilespmem:s11], [sflag:$0x4] =	stream.indirect.gather [hbm4b:s5+s1], $0x80, s22, s1, $0xb8;
	[tilespmem:$0x1E400] =	vst v63  }
0x10c: {  	_ =	swait.ge [sflag:s12], $0x2000  }
0x10d: {  	[sflag:s12] =	ssyncset.done $0x0  }
0x10e: {  	[sflag:s12] =	ssyncadd.s32 $0xFFFFE000  }
0x10f: {  	[spmem:s2] =	stream.indirect.scatter.add.f32 [tilespmem:s30], [sflag:$0x5], $0x80, s16, s1, $0xb8;
	[tilespmem:$0x1E400] =	vst v63  }
0x110: {  	_ =	swait.ge [sflag:s31], $0x2000  }
0x111: {  	[sflag:s31] =	ssyncset.done $0x0  }
0x112: {  	[sflag:s31] =	ssyncadd.s32 $0xFFFFE000  }
0x113: {  	_ =	swait.ge [sflag:s13], $0x2000  }
0x114: {  	[sflag:s13] =	ssyncset.done $0x0  }
0x115: {  	[sflag:s13] =	ssyncadd.s32 $0xFFFFE000  }
0x116: {  	[spmem:s2] =	stream.indirect.scatter.add.f32 [tilespmem:s7], [sflag:$0x5], $0x80, s17, s1, $0xb8;
	[tilespmem:$0x1E400] =	vst v63  }
0x117: {  	_ =	swait.ge [sflag:s31], $0x2000  }
0x118: {  	[sflag:s31] =	ssyncset.done $0x0  }
0x119: {  	[sflag:s31] =	ssyncadd.s32 $0xFFFFE000  }
0x11a: {  	_ =	swait.ge [sflag:s14], $0x2000  }
0x11b: {  	[sflag:s14] =	ssyncset.done $0x0  }
0x11c: {  	[sflag:s14] =	ssyncadd.s32 $0xFFFFE000  }
0x11d: {  	[spmem:s2] =	stream.indirect.scatter.add.f32 [tilespmem:s9], [sflag:$0x5], $0x80, s18, s1, $0xb8;
	[tilespmem:$0x1E400] =	vst v63  }
0x11e: {  	_ =	swait.ge [sflag:s31], $0x2000  }
0x11f: {  	[sflag:s31] =	ssyncset.done $0x0  }
0x120: {  	[sflag:s31] =	ssyncadd.s32 $0xFFFFE000  }
0x121: {  	_ =	swait.ge [sflag:s15], $0x2000  }
0x122: {  	[sflag:s15] =	ssyncset.done $0x0  }
0x123: {  	[sflag:s15] =	ssyncadd.s32 $0xFFFFE000  }
0x124: {  	[spmem:s2] =	stream.indirect.scatter.add.f32 [tilespmem:s11], [sflag:$0x5], $0x80, s19, s1, $0xb8;
	[tilespmem:$0x1E400] =	vst v63  }
0x125: {  	_ =	swait.ge [sflag:s31], $0x2000  }
0x126: {  	[sflag:s31] =	ssyncset.done $0x0  }
0x127: {  	s21 =	simm.s32 $0x0;
	s23 =	rddreg [dreg:$0xd];
	[sflag:s31] =	ssyncadd.s32 $0xFFFFE000  }
0x128: {  	[tilespmem:s21], [sflag:$0x5] =	stream.linear.gather [hbm4b:s23+s21], $0x1400, $0x38;
	[tilespmem:$0x1E400] =	vst v63  }
0x129: {  	_ =	swait.ge [sflag:s31], $0x1400  }
0x12a: {  	[sflag:s31] =	ssyncset.done $0x0  }
0x12b: {  	s23 =	rddreg [dreg:$0xe];
	[sflag:s31] =	ssyncadd.s32 $0xFFFFEC00  }
0x12c: {  	[tilespmem:s0], [sflag:$0x5] =	stream.linear.gather [hbm4b:s23+s21], $0x1400, $0x38;
	[tilespmem:$0x1E400] =	vst v63  }
0x12d: {  	_ =	swait.ge [sflag:s31], $0x1400  }
0x12e: {  	[sflag:s31] =	ssyncset.done $0x0  }
0x12f: {  	[sflag:s31] =	ssyncadd.s32 $0xFFFFEC00  }
0x130: {  	[tilespmem:s30], [sflag:$0x1] =	stream.indirect.gather [hbm4b:s5+s1], $0x80, s21, s1, $0xb8;
	[tilespmem:$0x1E400] =	vst v63  }
0x131: {  	_ = 	snop  }
0x132: {  	[tilespmem:s7], [sflag:$0x2] =	stream.indirect.gather [hbm4b:s5+s1], $0x80, s4, s1, $0xb8;
	[tilespmem:$0x1E400] =	vst v63  }
0x133: {  	_ = 	snop  }
0x134: {  	[tilespmem:s9], [sflag:$0x3] =	stream.indirect.gather [hbm4b:s5+s1], $0x80, s8, s1, $0xb8;
	[tilespmem:$0x1E400] =	vst v63  }
0x135: {  	_ = 	snop  }
0x136: {  	[tilespmem:s11], [sflag:$0x4] =	stream.indirect.gather [hbm4b:s5+s1], $0x80, s10, s1, $0xb8;
	[tilespmem:$0x1E400] =	vst v63  }
0x137: {  	_ =	swait.ge [sflag:s12], $0x2000  }
0x138: {  	[sflag:s12] =	ssyncset.done $0x0  }
0x139: {  	s23 =	simm.s32 $0x1400;
	[sflag:s12] =	ssyncadd.s32 $0xFFFFE000  }
0x13a: {  	[spmem:s2] =	stream.indirect.scatter.add.f32 [tilespmem:s30], [sflag:$0x5], $0x80, s23, s1, $0xb8;
	[tilespmem:$0x1E400] =	vst v63  }
0x13b: {  	_ =	swait.ge [sflag:s31], $0x2000  }
0x13c: {  	[sflag:s31] =	ssyncset.done $0x0  }
0x13d: {  	s22 =	simm.s32 $0x200;
	[sflag:s31] =	ssyncadd.s32 $0xFFFFE000  }
0x13e: {  	[tilespmem:s30], [sflag:$0x1] =	stream.indirect.gather [hbm4b:s5+s1], $0x80, s22, s1, $0xb8;
	[tilespmem:$0x1E400] =	vst v63  }
0x13f: {  	_ =	swait.ge [sflag:s13], $0x2000  }
0x140: {  	[sflag:s13] =	ssyncset.done $0x0  }
0x141: {  	s23 =	simm.s32 $0x1480;
	[sflag:s13] =	ssyncadd.s32 $0xFFFFE000  }
0x142: {  	[spmem:s2] =	stream.indirect.scatter.add.f32 [tilespmem:s7], [sflag:$0x5], $0x80, s23, s1, $0xb8;
	[tilespmem:$0x1E400] =	vst v63  }
0x143: {  	_ =	swait.ge [sflag:s31], $0x2000  }
0x144: {  	[sflag:s31] =	ssyncset.done $0x0  }
0x145: {  	s22 =	simm.s32 $0x280;
	[sflag:s31] =	ssyncadd.s32 $0xFFFFE000  }
0x146: {  	[tilespmem:s7], [sflag:$0x2] =	stream.indirect.gather [hbm4b:s5+s1], $0x80, s22, s1, $0xb8;
	[tilespmem:$0x1E400] =	vst v63  }
0x147: {  	_ =	swait.ge [sflag:s14], $0x2000  }
0x148: {  	[sflag:s14] =	ssyncset.done $0x0  }
0x149: {  	s23 =	simm.s32 $0x1500;
	[sflag:s14] =	ssyncadd.s32 $0xFFFFE000  }
0x14a: {  	[spmem:s2] =	stream.indirect.scatter.add.f32 [tilespmem:s9], [sflag:$0x5], $0x80, s23, s1, $0xb8;
	[tilespmem:$0x1E400] =	vst v63  }
0x14b: {  	_ =	swait.ge [sflag:s31], $0x2000  }
0x14c: {  	[sflag:s31] =	ssyncset.done $0x0  }
0x14d: {  	s22 =	simm.s32 $0x300;
	[sflag:s31] =	ssyncadd.s32 $0xFFFFE000  }
0x14e: {  	[tilespmem:s9], [sflag:$0x3] =	stream.indirect.gather [hbm4b:s5+s1], $0x80, s22, s1, $0xb8;
	[tilespmem:$0x1E400] =	vst v63  }
0x14f: {  	_ =	swait.ge [sflag:s15], $0x2000  }
0x150: {  	[sflag:s15] =	ssyncset.done $0x0  }
0x151: {  	s23 =	simm.s32 $0x1580;
	[sflag:s15] =	ssyncadd.s32 $0xFFFFE000  }
0x152: {  	[spmem:s2] =	stream.indirect.scatter.add.f32 [tilespmem:s11], [sflag:$0x5], $0x80, s23, s1, $0xb8;
	[tilespmem:$0x1E400] =	vst v63  }
0x153: {  	_ =	swait.ge [sflag:s31], $0x2000  }
0x154: {  	[sflag:s31] =	ssyncset.done $0x0  }
0x155: {  	s21 =	simm.s32 $0x800;
	s22 =	simm.s32 $0x380;
	[sflag:s31] =	ssyncadd.s32 $0xFFFFE000  }
.LBB2_6:
0x156: {  	[tilespmem:s11], [sflag:$0x4] =	stream.indirect.gather [hbm4b:s5+s1], $0x80, s22, s1, $0xb8;
	[tilespmem:$0x1E400] =	vst v63  }
0x157: {  	s22 =	smov.u32 s21  }
0x158: {  	p1 =	sne.s32 s21, $0x4000;
	s21 =	sadd.s32 $0x800, s21;
	_ =	swait.ge [sflag:s12], $0x2000  }
0x159: {  	s22 =	sshra.s32 s22, $0x2;
	[sflag:s12] =	ssyncset.done $0x0  }
0x15a: {  	s23 =	sadd.s32 $0x1400, s22;
	[sflag:s12] =	ssyncadd.s32 $0xFFFFE000  }
0x15b: {  	[spmem:s2] =	stream.indirect.scatter.add.f32 [tilespmem:s30], [sflag:$0x5], $0x80, s23, s1, $0xb8;
	[tilespmem:$0x1E400] =	vst v63  }
0x15c: {  	_ =	swait.ge [sflag:s31], $0x2000  }
0x15d: {  	[sflag:s31] =	ssyncset.done $0x0  }
0x15e: {  	s23 =	sadd.s32 $0x200, s22;
	[sflag:s31] =	ssyncadd.s32 $0xFFFFE000  }
0x15f: {  	[tilespmem:s30], [sflag:$0x1] =	stream.indirect.gather [hbm4b:s5+s1], $0x80, s23, s1, $0xb8;
	[tilespmem:$0x1E400] =	vst v63  }
0x160: {  	_ =	swait.ge [sflag:s13], $0x2000  }
0x161: {  	[sflag:s13] =	ssyncset.done $0x0  }
0x162: {  	s23 =	sadd.s32 $0x1480, s22;
	[sflag:s13] =	ssyncadd.s32 $0xFFFFE000  }
0x163: {  	[spmem:s2] =	stream.indirect.scatter.add.f32 [tilespmem:s7], [sflag:$0x5], $0x80, s23, s1, $0xb8;
	[tilespmem:$0x1E400] =	vst v63  }
0x164: {  	_ =	swait.ge [sflag:s31], $0x2000  }
0x165: {  	[sflag:s31] =	ssyncset.done $0x0  }
0x166: {  	s23 =	sadd.s32 $0x280, s22;
	[sflag:s31] =	ssyncadd.s32 $0xFFFFE000  }
0x167: {  	[tilespmem:s7], [sflag:$0x2] =	stream.indirect.gather [hbm4b:s5+s1], $0x80, s23, s1, $0xb8;
	[tilespmem:$0x1E400] =	vst v63  }
0x168: {  	_ =	swait.ge [sflag:s14], $0x2000  }
0x169: {  	[sflag:s14] =	ssyncset.done $0x0  }
0x16a: {  	s23 =	sadd.s32 $0x1500, s22;
	[sflag:s14] =	ssyncadd.s32 $0xFFFFE000  }
0x16b: {  	[spmem:s2] =	stream.indirect.scatter.add.f32 [tilespmem:s9], [sflag:$0x5], $0x80, s23, s1, $0xb8;
	[tilespmem:$0x1E400] =	vst v63  }
0x16c: {  	_ =	swait.ge [sflag:s31], $0x2000  }
0x16d: {  	[sflag:s31] =	ssyncset.done $0x0  }
0x16e: {  	s23 =	sadd.s32 $0x300, s22;
	[sflag:s31] =	ssyncadd.s32 $0xFFFFE000  }
0x16f: {  	[tilespmem:s9], [sflag:$0x3] =	stream.indirect.gather [hbm4b:s5+s1], $0x80, s23, s1, $0xb8;
	[tilespmem:$0x1E400] =	vst v63  }
0x170: {  	_ =	swait.ge [sflag:s15], $0x2000  }
0x171: {  	[sflag:s15] =	ssyncset.done $0x0  }
.Ltmp2:
0x172: {  	s23 =	sadd.s32 $0x1580, s22;
	[sflag:s15] =	ssyncadd.s32 $0xFFFFE000;
	(pc) =	sbr.rel @p1 .LBB2_6-.Ltmp2, $4  }
0x173: {  	[spmem:s2] =	stream.indirect.scatter.add.f32 [tilespmem:s11], [sflag:$0x5], $0x80, s23, s1, $0xb8;
	[tilespmem:$0x1E400] =	vst v63  }
0x174: {  	_ =	swait.ge [sflag:s31], $0x2000  }
0x175: {  	[sflag:s31] =	ssyncset.done $0x0  }
0x176: {  	s22 =	sadd.s32 $0x380, s22;
	[sflag:s31] =	ssyncadd.s32 $0xFFFFE000  }
0x177: {  	[tilespmem:s11], [sflag:$0x4] =	stream.indirect.gather [hbm4b:s5+s1], $0x80, s22, s1, $0xb8;
	[tilespmem:$0x1E400] =	vst v63  }
0x178: {  	_ =	swait.ge [sflag:s12], $0x2000  }
0x179: {  	[sflag:s12] =	ssyncset.done $0x0  }
0x17a: {  	[sflag:s12] =	ssyncadd.s32 $0xFFFFE000  }
0x17b: {  	[spmem:s2] =	stream.indirect.scatter.add.f32 [tilespmem:s30], [sflag:$0x5], $0x80, s16, s1, $0xb8;
	[tilespmem:$0x1E400] =	vst v63  }
0x17c: {  	_ =	swait.ge [sflag:s31], $0x2000  }
0x17d: {  	[sflag:s31] =	ssyncset.done $0x0  }
0x17e: {  	[sflag:s31] =	ssyncadd.s32 $0xFFFFE000  }
0x17f: {  	_ =	swait.ge [sflag:s13], $0x2000  }
0x180: {  	[sflag:s13] =	ssyncset.done $0x0  }
0x181: {  	[sflag:s13] =	ssyncadd.s32 $0xFFFFE000  }
0x182: {  	[spmem:s2] =	stream.indirect.scatter.add.f32 [tilespmem:s7], [sflag:$0x5], $0x80, s17, s1, $0xb8;
	[tilespmem:$0x1E400] =	vst v63  }
0x183: {  	_ =	swait.ge [sflag:s31], $0x2000  }
0x184: {  	[sflag:s31] =	ssyncset.done $0x0  }
0x185: {  	[sflag:s31] =	ssyncadd.s32 $0xFFFFE000  }
0x186: {  	_ =	swait.ge [sflag:s14], $0x2000  }
0x187: {  	[sflag:s14] =	ssyncset.done $0x0  }
0x188: {  	[sflag:s14] =	ssyncadd.s32 $0xFFFFE000  }
0x189: {  	[spmem:s2] =	stream.indirect.scatter.add.f32 [tilespmem:s9], [sflag:$0x5], $0x80, s18, s1, $0xb8;
	[tilespmem:$0x1E400] =	vst v63  }
0x18a: {  	_ =	swait.ge [sflag:s31], $0x2000  }
0x18b: {  	[sflag:s31] =	ssyncset.done $0x0  }
0x18c: {  	[sflag:s31] =	ssyncadd.s32 $0xFFFFE000  }
0x18d: {  	_ =	swait.ge [sflag:s15], $0x2000  }
0x18e: {  	[sflag:s15] =	ssyncset.done $0x0  }
0x18f: {  	[sflag:s15] =	ssyncadd.s32 $0xFFFFE000  }
0x190: {  	[spmem:s2] =	stream.indirect.scatter.add.f32 [tilespmem:s11], [sflag:$0x5], $0x80, s19, s1, $0xb8;
	[tilespmem:$0x1E400] =	vst v63  }
0x191: {  	_ =	swait.ge [sflag:s31], $0x2000  }
0x192: {  	[sflag:s31] =	ssyncset.done $0x0  }
0x193: {  	s21 =	simm.s32 $0x0;
	s23 =	rddreg [dreg:$0xf];
	[sflag:s31] =	ssyncadd.s32 $0xFFFFE000  }
0x194: {  	[tilespmem:s21], [sflag:$0x5] =	stream.linear.gather [hbm4b:s23+s21], $0x1400, $0x38;
	[tilespmem:$0x1E400] =	vst v63  }
0x195: {  	_ =	swait.ge [sflag:s31], $0x1400  }
0x196: {  	[sflag:s31] =	ssyncset.done $0x0  }
0x197: {  	s23 =	rddreg [dreg:$0x10];
	[sflag:s31] =	ssyncadd.s32 $0xFFFFEC00  }
0x198: {  	[tilespmem:s0], [sflag:$0x5] =	stream.linear.gather [hbm4b:s23+s21], $0x1400, $0x38;
	[tilespmem:$0x1E400] =	vst v63  }
0x199: {  	_ =	swait.ge [sflag:s31], $0x1400  }
0x19a: {  	[sflag:s31] =	ssyncset.done $0x0  }
0x19b: {  	[sflag:s31] =	ssyncadd.s32 $0xFFFFEC00  }
0x19c: {  	[tilespmem:s30], [sflag:$0x1] =	stream.indirect.gather [hbm4b:s5+s1], $0x80, s21, s1, $0xb8;
	[tilespmem:$0x1E400] =	vst v63  }
0x19d: {  	_ = 	snop  }
0x19e: {  	[tilespmem:s7], [sflag:$0x2] =	stream.indirect.gather [hbm4b:s5+s1], $0x80, s4, s1, $0xb8;
	[tilespmem:$0x1E400] =	vst v63  }
0x19f: {  	_ = 	snop  }
0x1a0: {  	[tilespmem:s9], [sflag:$0x3] =	stream.indirect.gather [hbm4b:s5+s1], $0x80, s8, s1, $0xb8;
	[tilespmem:$0x1E400] =	vst v63  }
0x1a1: {  	_ = 	snop  }
0x1a2: {  	[tilespmem:s11], [sflag:$0x4] =	stream.indirect.gather [hbm4b:s5+s1], $0x80, s10, s1, $0xb8;
	[tilespmem:$0x1E400] =	vst v63  }
0x1a3: {  	_ =	swait.ge [sflag:s12], $0x2000  }
0x1a4: {  	[sflag:s12] =	ssyncset.done $0x0  }
0x1a5: {  	s23 =	simm.s32 $0x1400;
	[sflag:s12] =	ssyncadd.s32 $0xFFFFE000  }
0x1a6: {  	[spmem:s2] =	stream.indirect.scatter.add.f32 [tilespmem:s30], [sflag:$0x5], $0x80, s23, s1, $0xb8;
	[tilespmem:$0x1E400] =	vst v63  }
0x1a7: {  	_ =	swait.ge [sflag:s31], $0x2000  }
0x1a8: {  	[sflag:s31] =	ssyncset.done $0x0  }
0x1a9: {  	s22 =	simm.s32 $0x200;
	[sflag:s31] =	ssyncadd.s32 $0xFFFFE000  }
0x1aa: {  	[tilespmem:s30], [sflag:$0x1] =	stream.indirect.gather [hbm4b:s5+s1], $0x80, s22, s1, $0xb8;
	[tilespmem:$0x1E400] =	vst v63  }
0x1ab: {  	_ =	swait.ge [sflag:s13], $0x2000  }
0x1ac: {  	[sflag:s13] =	ssyncset.done $0x0  }
0x1ad: {  	s23 =	simm.s32 $0x1480;
	[sflag:s13] =	ssyncadd.s32 $0xFFFFE000  }
0x1ae: {  	[spmem:s2] =	stream.indirect.scatter.add.f32 [tilespmem:s7], [sflag:$0x5], $0x80, s23, s1, $0xb8;
	[tilespmem:$0x1E400] =	vst v63  }
0x1af: {  	_ =	swait.ge [sflag:s31], $0x2000  }
0x1b0: {  	[sflag:s31] =	ssyncset.done $0x0  }
0x1b1: {  	s22 =	simm.s32 $0x280;
	[sflag:s31] =	ssyncadd.s32 $0xFFFFE000  }
0x1b2: {  	[tilespmem:s7], [sflag:$0x2] =	stream.indirect.gather [hbm4b:s5+s1], $0x80, s22, s1, $0xb8;
	[tilespmem:$0x1E400] =	vst v63  }
0x1b3: {  	_ =	swait.ge [sflag:s14], $0x2000  }
0x1b4: {  	[sflag:s14] =	ssyncset.done $0x0  }
0x1b5: {  	s23 =	simm.s32 $0x1500;
	[sflag:s14] =	ssyncadd.s32 $0xFFFFE000  }
0x1b6: {  	[spmem:s2] =	stream.indirect.scatter.add.f32 [tilespmem:s9], [sflag:$0x5], $0x80, s23, s1, $0xb8;
	[tilespmem:$0x1E400] =	vst v63  }
0x1b7: {  	_ =	swait.ge [sflag:s31], $0x2000  }
0x1b8: {  	[sflag:s31] =	ssyncset.done $0x0  }
0x1b9: {  	s22 =	simm.s32 $0x300;
	[sflag:s31] =	ssyncadd.s32 $0xFFFFE000  }
0x1ba: {  	[tilespmem:s9], [sflag:$0x3] =	stream.indirect.gather [hbm4b:s5+s1], $0x80, s22, s1, $0xb8;
	[tilespmem:$0x1E400] =	vst v63  }
0x1bb: {  	_ =	swait.ge [sflag:s15], $0x2000  }
0x1bc: {  	[sflag:s15] =	ssyncset.done $0x0  }
0x1bd: {  	s23 =	simm.s32 $0x1580;
	[sflag:s15] =	ssyncadd.s32 $0xFFFFE000  }
0x1be: {  	[spmem:s2] =	stream.indirect.scatter.add.f32 [tilespmem:s11], [sflag:$0x5], $0x80, s23, s1, $0xb8;
	[tilespmem:$0x1E400] =	vst v63  }
0x1bf: {  	_ =	swait.ge [sflag:s31], $0x2000  }
0x1c0: {  	[sflag:s31] =	ssyncset.done $0x0  }
0x1c1: {  	s21 =	simm.s32 $0x800;
	s22 =	simm.s32 $0x380;
	[sflag:s31] =	ssyncadd.s32 $0xFFFFE000  }
.LBB2_8:
0x1c2: {  	[tilespmem:s11], [sflag:$0x4] =	stream.indirect.gather [hbm4b:s5+s1], $0x80, s22, s1, $0xb8;
	[tilespmem:$0x1E400] =	vst v63  }
0x1c3: {  	s22 =	smov.u32 s21  }
0x1c4: {  	p1 =	sne.s32 s21, $0x4000;
	s21 =	sadd.s32 $0x800, s21;
	_ =	swait.ge [sflag:s12], $0x2000  }
0x1c5: {  	s22 =	sshra.s32 s22, $0x2;
	[sflag:s12] =	ssyncset.done $0x0  }
0x1c6: {  	s23 =	sadd.s32 $0x1400, s22;
	[sflag:s12] =	ssyncadd.s32 $0xFFFFE000  }
0x1c7: {  	[spmem:s2] =	stream.indirect.scatter.add.f32 [tilespmem:s30], [sflag:$0x5], $0x80, s23, s1, $0xb8;
	[tilespmem:$0x1E400] =	vst v63  }
0x1c8: {  	_ =	swait.ge [sflag:s31], $0x2000  }
0x1c9: {  	[sflag:s31] =	ssyncset.done $0x0  }
0x1ca: {  	s23 =	sadd.s32 $0x200, s22;
	[sflag:s31] =	ssyncadd.s32 $0xFFFFE000  }
0x1cb: {  	[tilespmem:s30], [sflag:$0x1] =	stream.indirect.gather [hbm4b:s5+s1], $0x80, s23, s1, $0xb8;
	[tilespmem:$0x1E400] =	vst v63  }
0x1cc: {  	_ =	swait.ge [sflag:s13], $0x2000  }
0x1cd: {  	[sflag:s13] =	ssyncset.done $0x0  }
0x1ce: {  	s23 =	sadd.s32 $0x1480, s22;
	[sflag:s13] =	ssyncadd.s32 $0xFFFFE000  }
0x1cf: {  	[spmem:s2] =	stream.indirect.scatter.add.f32 [tilespmem:s7], [sflag:$0x5], $0x80, s23, s1, $0xb8;
	[tilespmem:$0x1E400] =	vst v63  }
0x1d0: {  	_ =	swait.ge [sflag:s31], $0x2000  }
0x1d1: {  	[sflag:s31] =	ssyncset.done $0x0  }
0x1d2: {  	s23 =	sadd.s32 $0x280, s22;
	[sflag:s31] =	ssyncadd.s32 $0xFFFFE000  }
0x1d3: {  	[tilespmem:s7], [sflag:$0x2] =	stream.indirect.gather [hbm4b:s5+s1], $0x80, s23, s1, $0xb8;
	[tilespmem:$0x1E400] =	vst v63  }
0x1d4: {  	_ =	swait.ge [sflag:s14], $0x2000  }
0x1d5: {  	[sflag:s14] =	ssyncset.done $0x0  }
0x1d6: {  	s23 =	sadd.s32 $0x1500, s22;
	[sflag:s14] =	ssyncadd.s32 $0xFFFFE000  }
0x1d7: {  	[spmem:s2] =	stream.indirect.scatter.add.f32 [tilespmem:s9], [sflag:$0x5], $0x80, s23, s1, $0xb8;
	[tilespmem:$0x1E400] =	vst v63  }
0x1d8: {  	_ =	swait.ge [sflag:s31], $0x2000  }
0x1d9: {  	[sflag:s31] =	ssyncset.done $0x0  }
0x1da: {  	s23 =	sadd.s32 $0x300, s22;
	[sflag:s31] =	ssyncadd.s32 $0xFFFFE000  }
0x1db: {  	[tilespmem:s9], [sflag:$0x3] =	stream.indirect.gather [hbm4b:s5+s1], $0x80, s23, s1, $0xb8;
	[tilespmem:$0x1E400] =	vst v63  }
0x1dc: {  	_ =	swait.ge [sflag:s15], $0x2000  }
0x1dd: {  	[sflag:s15] =	ssyncset.done $0x0  }
.Ltmp3:
0x1de: {  	s23 =	sadd.s32 $0x1580, s22;
	[sflag:s15] =	ssyncadd.s32 $0xFFFFE000;
	(pc) =	sbr.rel @p1 .LBB2_8-.Ltmp3, $4  }
0x1df: {  	[spmem:s2] =	stream.indirect.scatter.add.f32 [tilespmem:s11], [sflag:$0x5], $0x80, s23, s1, $0xb8;
	[tilespmem:$0x1E400] =	vst v63  }
0x1e0: {  	_ =	swait.ge [sflag:s31], $0x2000  }
0x1e1: {  	[sflag:s31] =	ssyncset.done $0x0  }
0x1e2: {  	s22 =	sadd.s32 $0x380, s22;
	[sflag:s31] =	ssyncadd.s32 $0xFFFFE000  }
0x1e3: {  	[tilespmem:s11], [sflag:$0x4] =	stream.indirect.gather [hbm4b:s5+s1], $0x80, s22, s1, $0xb8;
	[tilespmem:$0x1E400] =	vst v63  }
0x1e4: {  	_ =	swait.ge [sflag:s12], $0x2000  }
0x1e5: {  	[sflag:s12] =	ssyncset.done $0x0  }
0x1e6: {  	[sflag:s12] =	ssyncadd.s32 $0xFFFFE000  }
0x1e7: {  	[spmem:s2] =	stream.indirect.scatter.add.f32 [tilespmem:s30], [sflag:$0x5], $0x80, s16, s1, $0xb8;
	[tilespmem:$0x1E400] =	vst v63  }
0x1e8: {  	_ =	swait.ge [sflag:s31], $0x2000  }
0x1e9: {  	[sflag:s31] =	ssyncset.done $0x0  }
0x1ea: {  	[sflag:s31] =	ssyncadd.s32 $0xFFFFE000  }
0x1eb: {  	_ =	swait.ge [sflag:s13], $0x2000  }
0x1ec: {  	[sflag:s13] =	ssyncset.done $0x0  }
0x1ed: {  	[sflag:s13] =	ssyncadd.s32 $0xFFFFE000  }
0x1ee: {  	[spmem:s2] =	stream.indirect.scatter.add.f32 [tilespmem:s7], [sflag:$0x5], $0x80, s17, s1, $0xb8;
	[tilespmem:$0x1E400] =	vst v63  }
0x1ef: {  	_ =	swait.ge [sflag:s31], $0x2000  }
0x1f0: {  	[sflag:s31] =	ssyncset.done $0x0  }
0x1f1: {  	[sflag:s31] =	ssyncadd.s32 $0xFFFFE000  }
0x1f2: {  	_ =	swait.ge [sflag:s14], $0x2000  }
0x1f3: {  	[sflag:s14] =	ssyncset.done $0x0  }
0x1f4: {  	[sflag:s14] =	ssyncadd.s32 $0xFFFFE000  }
0x1f5: {  	[spmem:s2] =	stream.indirect.scatter.add.f32 [tilespmem:s9], [sflag:$0x5], $0x80, s18, s1, $0xb8;
	[tilespmem:$0x1E400] =	vst v63  }
0x1f6: {  	_ =	swait.ge [sflag:s31], $0x2000  }
0x1f7: {  	[sflag:s31] =	ssyncset.done $0x0  }
0x1f8: {  	[sflag:s31] =	ssyncadd.s32 $0xFFFFE000  }
0x1f9: {  	_ =	swait.ge [sflag:s15], $0x2000  }
0x1fa: {  	[sflag:s15] =	ssyncset.done $0x0  }
0x1fb: {  	[sflag:s15] =	ssyncadd.s32 $0xFFFFE000  }
0x1fc: {  	[spmem:s2] =	stream.indirect.scatter.add.f32 [tilespmem:s11], [sflag:$0x5], $0x80, s19, s1, $0xb8;
	[tilespmem:$0x1E400] =	vst v63  }
0x1fd: {  	_ =	swait.ge [sflag:s31], $0x2000  }
0x1fe: {  	[sflag:s31] =	ssyncset.done $0x0  }
0x1ff: {  	s21 =	stileid.u32;
	[sflag:s31] =	ssyncadd.s32 $0xFFFFE000  }
0x200: {  	s21 =	sshll.u32 s21, $0x6;
	[bflag:$0x0] =	sbarrier.arrive $0xFFFF  }
0x201: {  	s21 =	sor.u32 $0x1C05, s21;
	s23 =	rddreg [dreg:$0x12]  }
0x202: {  	[hbm:s23], [sflag:s21] =	dma.local [spmem:s24], $0x2700  }
0x203: {  	_ =	swait.ge [sflag:s31], $0x2700  }
0x204: {  	[sflag:s31] =	ssyncset.done $0x0  }
0x205: {  	s22 =	rddreg [dreg:$0x13];
	[sflag:s31] =	ssyncadd.s32 $0xFFFFD900  }
0x206: {  	[hbm:s22], [sflag:s21] =	dma.local @!p0 [spmem:s25], $0x100  }
0x207: {  	s21 =	simm.s32 @!p0 $0x5  }
0x208: {  	_ =	swait.ge @!p0 [sflag:s21], $0x100  }
0x209: {  	s20 =	sadd.s32 $0x1, s20;
	s23 =	rddreg [dreg:$0x14]  }
0x20a: {  	p1 =	sne.s32 s20, s23  }
.Ltmp4:
0x20b: {  	_ = 	snop;
	(pc) =	sbr.rel @p1 .LBB2_1-.Ltmp4, $3  }
0x20c: {  	_ =	sdelay $0x1  }
0x20d: {  	[sflag:s21] =	ssyncset.done @!p0 $0x0  }
0x20e: {  	[sflag:s21] =	ssyncadd.s32 @!p0 $0xFFFFFF00  }
0x20f: {  	_ =	sfence.sel $0x180000  }
0x210: {  	[bflag:$0x0] =	sbarrier.arrive $0xFFFF  }
0x211: {  	_ =	strace $0x90000047  }
0x212: {  	s0 =	stileid.u32;
	[bflag:$0x2] =	sbarrier.arrive $0xFFFF  }
0x213: {  	p0 =	sne.s32 s0, $0x0;
	s0 =	rddreg [dreg:$0x3]  }
0x214: {  	s0 =	sadd.s32 @!p0 $0x100000, s0  }
0x215: {  	[sflag:s0] =	ssyncadd.tile.s32 @!p0 $0x1;
	_ =	shalt  }
.Lfunc_end2:
_tile_overlayer_lowered:
.L_overlay_start_2:
0x216: {  	(tag) =	ssettag $0x2  }
0x217: {  	s0 =	rddreg [dreg:$0x0];
	s2 =	stileid.u32  }
0x218: {  	s1 =	rddreg [dreg:$0x1];
	p0 =	sne.s32 s2, $0x0  }
0x219: {  	s3 =	rddreg [dreg:$0x2];
	[bflag:$0x3] =	sbarrier.arrive $0xFFFF;
	s2 =	simm.s32 @!p0 $0x1C05  }
0x21a: {  	[timem:s3], [sflag:s2] =	dma.local @!p0 [hbm:s0], s1  }
0x21b: {  	s0 =	simm.s32 @!p0 $0x5  }
0x21c: {  	_ =	swait.ge @!p0 [sflag:s0], s1  }
0x21d: {  	s1 =	ssub.s32 @!p0 $0x0, s1;
	[sflag:s0] =	ssyncset.done @!p0 $0x0  }
0x21e: {  	[sflag:s0] =	ssyncadd.s32 @!p0 s1  }
0x21f: {  	[bflag:$0x3] =	sbarrier.arrive $0xFFFF  }
0x220: {  	_ =	shalt  }

</sc_bundles>
